<compile_context>
chip_gen: v7x
topology: tpu7x:2x2x1
jax: 0.10.2.dev20260603
libtpu: 0.0.44.dev20260713+nightly
codegen_flags: <defaults>
</compile_context>

<pallas_src>
import functools

import jax
import jax.numpy as jnp
from jax import lax
from jax.experimental import pallas as pl
from jax.experimental.pallas import tpu as pltpu
from jax.experimental.pallas import tpu_sc as plsc


def _make_argmin(B, W, N, D, BN):
    NB = N // BN

    def body(wp_ref, bp_ref, idx_ref, idxg_ref, minval, minidx):
        b = pl.program_id(0)
        nb = pl.program_id(1)

        @pl.when(nb == 0)
        def _init():
            minval[...] = jnp.full((W,), jnp.inf, jnp.float32)
            minidx[...] = jnp.zeros((W,), jnp.int32)

        wp = wp_ref[0]
        bp = bp_ref[0]
        w2 = jnp.sum(wp * wp, axis=1)
        b2 = jnp.sum(bp * bp, axis=1)
        crossm2 = lax.dot_general(
            wp * (-2.0), bp, (((1,), (1,)), ((), ())),
            preferred_element_type=jnp.float32)
        s = (w2[:, None] + b2[None, :]) + crossm2
        local_min = jnp.min(s, axis=1)
        idsf = lax.broadcasted_iota(jnp.int32, (W, BN), 1).astype(jnp.float32)
        maskedf = jnp.where(s == local_min[:, None], idsf, jnp.float32(N))
        local_idx = jnp.min(maskedf, axis=1).astype(jnp.int32) + nb * BN
        better = local_min < minval[...]
        minidx[...] = jnp.where(better, local_idx, minidx[...])
        minval[...] = jnp.where(better, local_min, minval[...])

        @pl.when(nb == NB - 1)
        def _fin():
            idx_ref[0, 0] = minidx[...]
            idxg_ref[0, 0] = minidx[...] + b * N

    return pl.pallas_call(
        body,
        grid=(B, NB),
        in_specs=[
            pl.BlockSpec((1, W, D), lambda b, nb: (b, 0, 0)),
            pl.BlockSpec((1, BN, D), lambda b, nb: (b, nb, 0)),
        ],
        out_specs=[
            pl.BlockSpec((1, 1, W), lambda b, nb: (b, 0, 0)),
            pl.BlockSpec((1, 1, W), lambda b, nb: (b, 0, 0)),
        ],
        out_shape=[
            jax.ShapeDtypeStruct((B, 1, W), jnp.int32),
            jax.ShapeDtypeStruct((B, 1, W), jnp.int32),
        ],
        scratch_shapes=[
            pltpu.VMEM((W,), jnp.float32),
            pltpu.VMEM((W,), jnp.int32),
        ],
    )


def _make_loss(P, D):
    NW = 32
    PB = P // NW
    NCH = D // 16
    mesh = plsc.VectorSubcoreMesh(core_axis_name="c", subcore_axis_name="s")

    @functools.partial(
        pl.kernel,
        mesh=mesh,
        out_type=jax.ShapeDtypeStruct((NW, 16), jnp.float32),
        scratch_types=[
            pltpu.VMEM((PB,), jnp.int32),
            pltpu.VMEM((PB, D), jnp.float32),
            pltpu.VMEM((PB, D), jnp.float32),
            pltpu.VMEM((PB, D), jnp.float32),
            pltpu.VMEM((32,), jnp.float32),
            pltpu.VMEM((16,), jnp.float32),
            pltpu.SemaphoreType.DMA,
            pltpu.SemaphoreType.DMA,
        ],
    )
    def gather_kernel(wp_hbm, bp_hbm, bn_hbm, idx_hbm, out_hbm,
                      idx_v, wp_v, cbp_v, cbn_v, row_v, acc16_v, sem0, sem1):
        wid = lax.axis_index("s") * 2 + lax.axis_index("c")
        base = wid * PB
        pltpu.sync_copy(idx_hbm.at[pl.ds(base, PB)], idx_v)
        pltpu.sync_copy(wp_hbm.at[pl.ds(base, PB)], wp_v)
        cp0 = pltpu.async_copy(bp_hbm.at[idx_v], cbp_v, sem0)
        cp1 = pltpu.async_copy(bn_hbm.at[idx_v], cbn_v, sem1)
        cp0.wait()
        cp1.wait()

        lanes = lax.iota(jnp.int32, 16)
        row_v[pl.ds(16, 16)] = jnp.zeros((16,), jnp.float32)

        def group_body(g, vacc):
            d16 = jnp.zeros((16,), jnp.float32)
            for j in range(16):
                p = g * 16 + j
                acc = jnp.zeros((16,), jnp.float32)
                for c in range(NCH):
                    sl = pl.ds(c * 16, 16)
                    acc = acc + (wp_v[p, sl] - cbp_v[p, sl]) * cbn_v[p, sl]
                for half in (8, 4, 2, 1):
                    row_v[pl.ds(0, 16)] = acc
                    acc = acc + row_v[pl.ds(half, 16)]
                d16 = jnp.where(lanes == j, acc[0], d16)
            er = jnp.where(d16 >= 0.0,
                           jnp.exp(d16) - 1.0,
                           jnp.exp(0.5 * d16) - 1.0)
            return vacc + er

        vacc = lax.fori_loop(0, PB // 16, group_body,
                             jnp.zeros((16,), jnp.float32))
        acc16_v[...] = vacc
        pltpu.sync_copy(acc16_v, out_hbm.at[wid])

    return gather_kernel


def kernel(waypointslocal, boundarypoints, boundarynormals):
    B, W, D = waypointslocal.shape
    N = boundarypoints.shape[1]
    BN = 4096

    idx3, idxg3 = _make_argmin(B, W, N, D, BN)(waypointslocal, boundarypoints)
    idx = idx3.reshape(B, W)

    partials = _make_loss(B * W, D)(
        waypointslocal.reshape(B * W, D),
        boundarypoints.reshape(B * N, D),
        boundarynormals.reshape(B * N, D),
        idxg3.reshape(B * W),
    )
    loss = jnp.sum(partials) * (1.0 / (B * W))
    return idx, loss

# --- scband reference (transcript-rebuilt; emitter-appended) ---
"""Pipeline reference for scband-boundary-loss-29772713295911 (READ-ONLY COPY).

The authoritative reference and input builder live on the scoring server;
editing this copy changes nothing except your own understanding.
"""

import jax, jax.numpy as jnp
import numpy as np

ALPHA = 1.0
BETA = 0.5


def exp_relu(x):
    return jnp.where(x >= 0.0, ALPHA * jnp.exp(x) - 1.0, jnp.exp(BETA * x) - 1.0)


def setup_inputs(seed: int = 0) -> dict:
    key = jax.random.key(seed)
    k1, k2, k3 = jax.random.split(key, 3)
    B, W, N, D = 4, 512, 16384, 128
    return {
        "waypointslocal": jax.random.normal(k1, (B, W, D), dtype=jnp.float32),
        "boundarypoints": jax.random.normal(k2, (B, N, D), dtype=jnp.float32),
        "boundarynormals": jax.random.normal(k3, (B, N, D), dtype=jnp.float32),
    }


def reference(waypointslocal, boundarypoints, boundarynormals):
    # torch.cdist equivalent via expanded euclidean distance
    w2 = jnp.sum(waypointslocal ** 2, axis=2)              # [B, W]
    b2 = jnp.sum(boundarypoints ** 2, axis=2)              # [B, N]
    cross = jnp.einsum('bwd,bnd->bwn', waypointslocal, boundarypoints)  # [B, W, N]
    dist2 = jnp.maximum(w2[:, :, None] + b2[:, None, :] - 2.0 * cross, 0.0)
    distance_matrix = jnp.sqrt(dist2)
    closest_point_idx = jnp.argmin(distance_matrix, axis=2)  # [B, W]
    # gather closest boundary points / normals per batch
    cbp = jnp.take_along_axis(boundarypoints, closest_point_idx[:, :, None], axis=1)   # [B, W, D]
    cbn = jnp.take_along_axis(boundarynormals, closest_point_idx[:, :, None], axis=1)  # [B, W, D]
    delta_vecs = waypointslocal - cbp
    dot_prods = jnp.sum(delta_vecs * cbn, axis=2)  # [B, W]
    # p is None -> relu applied directly; relu_type='Exp'
    dot_prods_relu = exp_relu(dot_prods)
    # time_reduction='mean'
    dot_prod_redux = jnp.mean(dot_prods_relu, axis=1)
    # batch_reduction='mean'
    loss = jnp.mean(dot_prod_redux)
    return (closest_point_idx, loss)

if __name__ == "__main__":
    import jax
    _d = setup_inputs()
    print(jax.jit(kernel)(*tuple(_d.values())))

</pallas_src>

<mosaic_0001>
#map = affine_map<(d0, d1) -> (0, 0)>
#map1 = affine_map<(d0, d1) -> (0)>
module attributes {stable_mosaic.version = 14 : i64} {
  func.func @gather_kernel(%arg0: i32, %arg1: i32, %arg2: memref<2048x128xf32, #tpu.memory_space<hbm>>, %arg3: memref<65536x128xf32, #tpu.memory_space<hbm>>, %arg4: memref<65536x128xf32, #tpu.memory_space<hbm>>, %arg5: memref<2048xi32, #tpu.memory_space<hbm>>, %arg6: memref<32x16xf32, #tpu.memory_space<hbm>>, %arg7: memref<64xi32, #tpu.memory_space<vmem>>, %arg8: memref<64x128xf32, #tpu.memory_space<vmem>>, %arg9: memref<64x128xf32, #tpu.memory_space<vmem>>, %arg10: memref<64x128xf32, #tpu.memory_space<vmem>>, %arg11: memref<32xf32, #tpu.memory_space<vmem>>, %arg12: memref<16xf32, #tpu.memory_space<vmem>>, %arg13: memref<!tpu.dma_semaphore, #tpu.memory_space<semaphore_mem>>, %arg14: memref<!tpu.dma_semaphore, #tpu.memory_space<semaphore_mem>>) attributes {dimension_semantics = [#tpu.dimension_semantics<core_parallel>, #tpu.dimension_semantics<subcore_parallel>], iteration_bounds = array<i64: 2, 16>, scalar_prefetch = 0 : i64, scratch_operands = 8 : i64, tpu.core_type = #tpu.core_type<sc_vector_subcore>, window_params = [{transform_indices = #map}, {transform_indices = #map}, {transform_indices = #map}, {transform_indices = #map1}, {transform_indices = #map}]} {
    %mul3A = arith.constant 2 : i32
    %mul3A_0 = arith.muli %arg1, %mul3A : i32
    %add3A = arith.addi %mul3A_0, %arg0 : i32
    %mul3A_1 = arith.constant 64 : i32
    %mul3A_2 = arith.muli %add3A, %mul3A_1 : i32
    "tpu.region"() ({
      %run_scoped3A = tpu.sem_alloc : memref<!tpu.dma_semaphore, #tpu.memory_space<semaphore_mem>>
      %dma_start3A_28 = tpu.memref_slice %arg5[%mul3A_2] : memref<2048xi32, #tpu.memory_space<hbm>> -> memref<64xi32, #tpu.memory_space<hbm>>
      %dma_start3A_29 = tpu.memref_slice %arg5[%mul3A_2] : memref<2048xi32, #tpu.memory_space<hbm>> -> memref<64xi32, #tpu.memory_space<hbm>>
      tpu.enqueue_dma source(%dma_start3A_29 : memref<64xi32, #tpu.memory_space<hbm>>) target(%arg7 : memref<64xi32, #tpu.memory_space<vmem>>) target_semaphore(%run_scoped3A : memref<!tpu.dma_semaphore, #tpu.memory_space<semaphore_mem>>)
      %dma_wait3A_30 = tpu.memref_slice %arg5[%mul3A_2] : memref<2048xi32, #tpu.memory_space<hbm>> -> memref<64xi32, #tpu.memory_space<hbm>>
      %dma_wait3A_31 = tpu.memref_slice %arg5[%mul3A_2] : memref<2048xi32, #tpu.memory_space<hbm>> -> memref<64xi32, #tpu.memory_space<hbm>>
      tpu.wait_dma2 semaphore(%run_scoped3A : memref<!tpu.dma_semaphore, #tpu.memory_space<semaphore_mem>>) src(%dma_wait3A_31 : memref<64xi32, #tpu.memory_space<hbm>>) dst(%arg7 : memref<64xi32, #tpu.memory_space<vmem>>)
      tpu.yield
    }) : () -> ()
    "tpu.region"() ({
      %run_scoped3A = tpu.sem_alloc : memref<!tpu.dma_semaphore, #tpu.memory_space<semaphore_mem>>
      %dma_start3A_28 = arith.constant 0 : i32
      %dma_start3A_29 = tpu.memref_slice %arg2[%mul3A_2, %dma_start3A_28] : memref<2048x128xf32, #tpu.memory_space<hbm>> -> memref<64x128xf32, #tpu.memory_space<hbm>>
      %dma_start3A_30 = arith.constant 0 : i32
      %dma_start3A_31 = tpu.memref_slice %arg2[%mul3A_2, %dma_start3A_30] : memref<2048x128xf32, #tpu.memory_space<hbm>> -> memref<64x128xf32, #tpu.memory_space<hbm>>
      tpu.enqueue_dma source(%dma_start3A_31 : memref<64x128xf32, #tpu.memory_space<hbm>>) target(%arg8 : memref<64x128xf32, #tpu.memory_space<vmem>>) target_semaphore(%run_scoped3A : memref<!tpu.dma_semaphore, #tpu.memory_space<semaphore_mem>>)
      %dma_wait3A_32 = arith.constant 0 : i32
      %dma_wait3A_33 = tpu.memref_slice %arg2[%mul3A_2, %dma_wait3A_32] : memref<2048x128xf32, #tpu.memory_space<hbm>> -> memref<64x128xf32, #tpu.memory_space<hbm>>
      %dma_wait3A_34 = arith.constant 0 : i32
      %dma_wait3A_35 = tpu.memref_slice %arg2[%mul3A_2, %dma_wait3A_34] : memref<2048x128xf32, #tpu.memory_space<hbm>> -> memref<64x128xf32, #tpu.memory_space<hbm>>
      tpu.wait_dma2 semaphore(%run_scoped3A : memref<!tpu.dma_semaphore, #tpu.memory_space<semaphore_mem>>) src(%dma_wait3A_35 : memref<64x128xf32, #tpu.memory_space<hbm>>) dst(%arg8 : memref<64x128xf32, #tpu.memory_space<vmem>>)
      tpu.yield
    }) : () -> ()
    %dma_start3A = arith.constant 0 : i32
    %dma_start3A_3 = arith.constant 0 : i32
    %dma_start3A_4 = tpu.memref_slice %arg3[%dma_start3A, %dma_start3A_3] : memref<65536x128xf32, #tpu.memory_space<hbm>> -> memref<65536x128xf32, #tpu.memory_space<hbm>>
    tpu.enqueue_indirect_dma source(%dma_start3A_4 : memref<65536x128xf32, #tpu.memory_space<hbm>>) target(%arg9 : memref<64x128xf32, #tpu.memory_space<vmem>>) offsets(%arg7 : memref<64xi32, #tpu.memory_space<vmem>>) semaphore(%arg13 : memref<!tpu.dma_semaphore, #tpu.memory_space<semaphore_mem>>)
    %dma_start3A_5 = arith.constant 0 : i32
    %dma_start3A_6 = arith.constant 0 : i32
    %dma_start3A_7 = tpu.memref_slice %arg4[%dma_start3A_5, %dma_start3A_6] : memref<65536x128xf32, #tpu.memory_space<hbm>> -> memref<65536x128xf32, #tpu.memory_space<hbm>>
    tpu.enqueue_indirect_dma source(%dma_start3A_7 : memref<65536x128xf32, #tpu.memory_space<hbm>>) target(%arg10 : memref<64x128xf32, #tpu.memory_space<vmem>>) offsets(%arg7 : memref<64xi32, #tpu.memory_space<vmem>>) semaphore(%arg14 : memref<!tpu.dma_semaphore, #tpu.memory_space<semaphore_mem>>)
    %dma_wait3A = arith.constant 0 : i32
    %dma_wait3A_8 = arith.constant 0 : i32
    %dma_wait3A_9 = tpu.memref_slice %arg3[%dma_wait3A, %dma_wait3A_8] : memref<65536x128xf32, #tpu.memory_space<hbm>> -> memref<65536x128xf32, #tpu.memory_space<hbm>>
    tpu.wait_indirect_dma semaphore(%arg13 : memref<!tpu.dma_semaphore, #tpu.memory_space<semaphore_mem>>) src(%dma_wait3A_9 : memref<65536x128xf32, #tpu.memory_space<hbm>>) dst(%arg9 : memref<64x128xf32, #tpu.memory_space<vmem>>)
    %dma_wait3A_10 = arith.constant 0 : i32
    %dma_wait3A_11 = arith.constant 0 : i32
    %dma_wait3A_12 = tpu.memref_slice %arg4[%dma_wait3A_10, %dma_wait3A_11] : memref<65536x128xf32, #tpu.memory_space<hbm>> -> memref<65536x128xf32, #tpu.memory_space<hbm>>
    tpu.wait_indirect_dma semaphore(%arg14 : memref<!tpu.dma_semaphore, #tpu.memory_space<semaphore_mem>>) src(%dma_wait3A_12 : memref<65536x128xf32, #tpu.memory_space<hbm>>) dst(%arg10 : memref<64x128xf32, #tpu.memory_space<vmem>>)
    %iota3A = tpu.iota {dimensions = array<i32: 0>} : vector<16xi32>
    %broadcast_in_dim3A = arith.constant 0.000000e+00 : f32
    %broadcast_in_dim3A_13 = vector.broadcast %broadcast_in_dim3A : f32 to vector<16xf32>
    %swap3A = arith.constant 16 : index
    %swap3A_14 = tpu.vector_load %arg11[%swap3A] {strides = array<i32>} : memref<32xf32, #tpu.memory_space<vmem>>, vector<16xf32>,
    %swap3A_15 = vector.shape_cast %swap3A_14 : vector<16xf32> to vector<16xf32>
    %swap3A_16 = vector.shape_cast %broadcast_in_dim3A_13 : vector<16xf32> to vector<16xf32>
    tpu.vector_store %arg11[%swap3A], %swap3A_16 {strides = array<i32>} : memref<32xf32, #tpu.memory_space<vmem>>, vector<16xf32>,
    %broadcast_in_dim3A_17 = arith.constant 0.000000e+00 : f32
    %broadcast_in_dim3A_18 = vector.broadcast %broadcast_in_dim3A_17 : f32 to vector<16xf32>
    %scan3A = arith.constant 0 : i32
    %scan3A_19 = arith.constant 4 : i32
    %scan3A_20 = arith.addi %scan3A, %scan3A_19 : i32
    %scan3A_21 = arith.constant 1 : i32
    %scan3A_22 = scf.for %scan3A_28 = %scan3A to %scan3A_20 step %scan3A_21 iter_args(%scan3A_29 = %broadcast_in_dim3A_18) -> (vector<16xf32>)  : i32 {
      %broadcast_in_dim3A_30 = arith.constant 0.000000e+00 : f32
      %broadcast_in_dim3A_31 = vector.broadcast %broadcast_in_dim3A_30 : f32 to vector<16xf32>
      %mul3A_32 = arith.constant 16 : i32
      %mul3A_33 = arith.muli %scan3A_28, %mul3A_32 : i32
      %add3A_34 = arith.constant 0 : i32
      %add3A_35 = arith.addi %mul3A_33, %add3A_34 : i32
      %broadcast_in_dim3A_36 = arith.constant 0.000000e+00 : f32
      %broadcast_in_dim3A_37 = vector.broadcast %broadcast_in_dim3A_36 : f32 to vector<16xf32>
      %get3A = arith.index_cast %add3A_35 : i32 to index
      %get3A_38 = arith.constant 0 : index
      %get3A_39 = tpu.vector_load %arg8[%get3A, %get3A_38] {strides = array<i32>} : memref<64x128xf32, #tpu.memory_space<vmem>>, vector<1x16xf32>,
      %get3A_40 = vector.shape_cast %get3A_39 : vector<1x16xf32> to vector<16xf32>
      %get3A_41 = arith.index_cast %add3A_35 : i32 to index
      %get3A_42 = arith.constant 0 : index
      %get3A_43 = tpu.vector_load %arg9[%get3A_41, %get3A_42] {strides = array<i32>} : memref<64x128xf32, #tpu.memory_space<vmem>>, vector<1x16xf32>,
      %get3A_44 = vector.shape_cast %get3A_43 : vector<1x16xf32> to vector<16xf32>
      %sub3A = arith.subf %get3A_40, %get3A_44 : vector<16xf32>
      %get3A_45 = arith.index_cast %add3A_35 : i32 to index
      %get3A_46 = arith.constant 0 : index
      %get3A_47 = tpu.vector_load %arg10[%get3A_45, %get3A_46] {strides = array<i32>} : memref<64x128xf32, #tpu.memory_space<vmem>>, vector<1x16xf32>,
      %get3A_48 = vector.shape_cast %get3A_47 : vector<1x16xf32> to vector<16xf32>
      %mul3A_49 = arith.mulf %sub3A, %get3A_48 : vector<16xf32>
      %add3A_50 = arith.addf %broadcast_in_dim3A_37, %mul3A_49 : vector<16xf32>
      %get3A_51 = arith.index_cast %add3A_35 : i32 to index
      %get3A_52 = arith.constant 16 : index
      %get3A_53 = tpu.vector_load %arg8[%get3A_51, %get3A_52] {strides = array<i32>} : memref<64x128xf32, #tpu.memory_space<vmem>>, vector<1x16xf32>,
      %get3A_54 = vector.shape_cast %get3A_53 : vector<1x16xf32> to vector<16xf32>
      %get3A_55 = arith.index_cast %add3A_35 : i32 to index
      %get3A_56 = arith.constant 16 : index
      %get3A_57 = tpu.vector_load %arg9[%get3A_55, %get3A_56] {strides = array<i32>} : memref<64x128xf32, #tpu.memory_space<vmem>>, vector<1x16xf32>,
      %get3A_58 = vector.shape_cast %get3A_57 : vector<1x16xf32> to vector<16xf32>
      %sub3A_59 = arith.subf %get3A_54, %get3A_58 : vector<16xf32>
      %get3A_60 = arith.index_cast %add3A_35 : i32 to index
      %get3A_61 = arith.constant 16 : index
      %get3A_62 = tpu.vector_load %arg10[%get3A_60, %get3A_61] {strides = array<i32>} : memref<64x128xf32, #tpu.memory_space<vmem>>, vector<1x16xf32>,
      %get3A_63 = vector.shape_cast %get3A_62 : vector<1x16xf32> to vector<16xf32>
      %mul3A_64 = arith.mulf %sub3A_59, %get3A_63 : vector<16xf32>
      %add3A_65 = arith.addf %add3A_50, %mul3A_64 : vector<16xf32>
      %get3A_66 = arith.index_cast %add3A_35 : i32 to index
      %get3A_67 = arith.constant 32 : index
      %get3A_68 = tpu.vector_load %arg8[%get3A_66, %get3A_67] {strides = array<i32>} : memref<64x128xf32, #tpu.memory_space<vmem>>, vector<1x16xf32>,
      %get3A_69 = vector.shape_cast %get3A_68 : vector<1x16xf32> to vector<16xf32>
      %get3A_70 = arith.index_cast %add3A_35 : i32 to index
      %get3A_71 = arith.constant 32 : index
      %get3A_72 = tpu.vector_load %arg9[%get3A_70, %get3A_71] {strides = array<i32>} : memref<64x128xf32, #tpu.memory_space<vmem>>, vector<1x16xf32>,
      %get3A_73 = vector.shape_cast %get3A_72 : vector<1x16xf32> to vector<16xf32>
      %sub3A_74 = arith.subf %get3A_69, %get3A_73 : vector<16xf32>
      %get3A_75 = arith.index_cast %add3A_35 : i32 to index
      %get3A_76 = arith.constant 32 : index
      %get3A_77 = tpu.vector_load %arg10[%get3A_75, %get3A_76] {strides = array<i32>} : memref<64x128xf32, #tpu.memory_space<vmem>>, vector<1x16xf32>,
      %get3A_78 = vector.shape_cast %get3A_77 : vector<1x16xf32> to vector<16xf32>
      %mul3A_79 = arith.mulf %sub3A_74, %get3A_78 : vector<16xf32>
      %add3A_80 = arith.addf %add3A_65, %mul3A_79 : vector<16xf32>
      %get3A_81 = arith.index_cast %add3A_35 : i32 to index
      %get3A_82 = arith.constant 48 : index
      %get3A_83 = tpu.vector_load %arg8[%get3A_81, %get3A_82] {strides = array<i32>} : memref<64x128xf32, #tpu.memory_space<vmem>>, vector<1x16xf32>,
      %get3A_84 = vector.shape_cast %get3A_83 : vector<1x16xf32> to vector<16xf32>
      %get3A_85 = arith.index_cast %add3A_35 : i32 to index
      %get3A_86 = arith.constant 48 : index
      %get3A_87 = tpu.vector_load %arg9[%get3A_85, %get3A_86] {strides = array<i32>} : memref<64x128xf32, #tpu.memory_space<vmem>>, vector<1x16xf32>,
      %get3A_88 = vector.shape_cast %get3A_87 : vector<1x16xf32> to vector<16xf32>
      %sub3A_89 = arith.subf %get3A_84, %get3A_88 : vector<16xf32>
      %get3A_90 = arith.index_cast %add3A_35 : i32 to index
      %get3A_91 = arith.constant 48 : index
      %get3A_92 = tpu.vector_load %arg10[%get3A_90, %get3A_91] {strides = array<i32>} : memref<64x128xf32, #tpu.memory_space<vmem>>, vector<1x16xf32>,
      %get3A_93 = vector.shape_cast %get3A_92 : vector<1x16xf32> to vector<16xf32>
      %mul3A_94 = arith.mulf %sub3A_89, %get3A_93 : vector<16xf32>
      %add3A_95 = arith.addf %add3A_80, %mul3A_94 : vector<16xf32>
      %get3A_96 = arith.index_cast %add3A_35 : i32 to index
      %get3A_97 = arith.constant 64 : index
      %get3A_98 = tpu.vector_load %arg8[%get3A_96, %get3A_97] {strides = array<i32>} : memref<64x128xf32, #tpu.memory_space<vmem>>, vector<1x16xf32>,
      %get3A_99 = vector.shape_cast %get3A_98 : vector<1x16xf32> to vector<16xf32>
      %get3A_100 = arith.index_cast %add3A_35 : i32 to index
      %get3A_101 = arith.constant 64 : index
      %get3A_102 = tpu.vector_load %arg9[%get3A_100, %get3A_101] {strides = array<i32>} : memref<64x128xf32, #tpu.memory_space<vmem>>, vector<1x16xf32>,
      %get3A_103 = vector.shape_cast %get3A_102 : vector<1x16xf32> to vector<16xf32>
      %sub3A_104 = arith.subf %get3A_99, %get3A_103 : vector<16xf32>
      %get3A_105 = arith.index_cast %add3A_35 : i32 to index
      %get3A_106 = arith.constant 64 : index
      %get3A_107 = tpu.vector_load %arg10[%get3A_105, %get3A_106] {strides = array<i32>} : memref<64x128xf32, #tpu.memory_space<vmem>>, vector<1x16xf32>,
      %get3A_108 = vector.shape_cast %get3A_107 : vector<1x16xf32> to vector<16xf32>
      %mul3A_109 = arith.mulf %sub3A_104, %get3A_108 : vector<16xf32>
      %add3A_110 = arith.addf %add3A_95, %mul3A_109 : vector<16xf32>
      %get3A_111 = arith.index_cast %add3A_35 : i32 to index
      %get3A_112 = arith.constant 80 : index
      %get3A_113 = tpu.vector_load %arg8[%get3A_111, %get3A_112] {strides = array<i32>} : memref<64x128xf32, #tpu.memory_space<vmem>>, vector<1x16xf32>,
      %get3A_114 = vector.shape_cast %get3A_113 : vector<1x16xf32> to vector<16xf32>
      %get3A_115 = arith.index_cast %add3A_35 : i32 to index
      %get3A_116 = arith.constant 80 : index
      %get3A_117 = tpu.vector_load %arg9[%get3A_115, %get3A_116] {strides = array<i32>} : memref<64x128xf32, #tpu.memory_space<vmem>>, vector<1x16xf32>,
      %get3A_118 = vector.shape_cast %get3A_117 : vector<1x16xf32> to vector<16xf32>
      %sub3A_119 = arith.subf %get3A_114, %get3A_118 : vector<16xf32>
      %get3A_120 = arith.index_cast %add3A_35 : i32 to index
      %get3A_121 = arith.constant 80 : index
      %get3A_122 = tpu.vector_load %arg10[%get3A_120, %get3A_121] {strides = array<i32>} : memref<64x128xf32, #tpu.memory_space<vmem>>, vector<1x16xf32>,
      %get3A_123 = vector.shape_cast %get3A_122 : vector<1x16xf32> to vector<16xf32>
      %mul3A_124 = arith.mulf %sub3A_119, %get3A_123 : vector<16xf32>
      %add3A_125 = arith.addf %add3A_110, %mul3A_124 : vector<16xf32>
      %get3A_126 = arith.index_cast %add3A_35 : i32 to index
      %get3A_127 = arith.constant 96 : index
      %get3A_128 = tpu.vector_load %arg8[%get3A_126, %get3A_127] {strides = array<i32>} : memref<64x128xf32, #tpu.memory_space<vmem>>, vector<1x16xf32>,
      %get3A_129 = vector.shape_cast %get3A_128 : vector<1x16xf32> to vector<16xf32>
      %get3A_130 = arith.index_cast %add3A_35 : i32 to index
      %get3A_131 = arith.constant 96 : index
      %get3A_132 = tpu.vector_load %arg9[%get3A_130, %get3A_131] {strides = array<i32>} : memref<64x128xf32, #tpu.memory_space<vmem>>, vector<1x16xf32>,
      %get3A_133 = vector.shape_cast %get3A_132 : vector<1x16xf32> to vector<16xf32>
      %sub3A_134 = arith.subf %get3A_129, %get3A_133 : vector<16xf32>
      %get3A_135 = arith.index_cast %add3A_35 : i32 to index
      %get3A_136 = arith.constant 96 : index
      %get3A_137 = tpu.vector_load %arg10[%get3A_135, %get3A_136] {strides = array<i32>} : memref<64x128xf32, #tpu.memory_space<vmem>>, vector<1x16xf32>,
      %get3A_138 = vector.shape_cast %get3A_137 : vector<1x16xf32> to vector<16xf32>
      %mul3A_139 = arith.mulf %sub3A_134, %get3A_138 : vector<16xf32>
      %add3A_140 = arith.addf %add3A_125, %mul3A_139 : vector<16xf32>
      %get3A_141 = arith.index_cast %add3A_35 : i32 to index
      %get3A_142 = arith.constant 112 : index
      %get3A_143 = tpu.vector_load %arg8[%get3A_141, %get3A_142] {strides = array<i32>} : memref<64x128xf32, #tpu.memory_space<vmem>>, vector<1x16xf32>,
      %get3A_144 = vector.shape_cast %get3A_143 : vector<1x16xf32> to vector<16xf32>
      %get3A_145 = arith.index_cast %add3A_35 : i32 to index
      %get3A_146 = arith.constant 112 : index
      %get3A_147 = tpu.vector_load %arg9[%get3A_145, %get3A_146] {strides = array<i32>} : memref<64x128xf32, #tpu.memory_space<vmem>>, vector<1x16xf32>,
      %get3A_148 = vector.shape_cast %get3A_147 : vector<1x16xf32> to vector<16xf32>
      %sub3A_149 = arith.subf %get3A_144, %get3A_148 : vector<16xf32>
      %get3A_150 = arith.index_cast %add3A_35 : i32 to index
      %get3A_151 = arith.constant 112 : index
      %get3A_152 = tpu.vector_load %arg10[%get3A_150, %get3A_151] {strides = array<i32>} : memref<64x128xf32, #tpu.memory_space<vmem>>, vector<1x16xf32>,
      %get3A_153 = vector.shape_cast %get3A_152 : vector<1x16xf32> to vector<16xf32>
      %mul3A_154 = arith.mulf %sub3A_149, %get3A_153 : vector<16xf32>
      %add3A_155 = arith.addf %add3A_140, %mul3A_154 : vector<16xf32>
      %swap3A_156 = arith.constant 0 : index
      %swap3A_157 = tpu.vector_load %arg11[%swap3A_156] {strides = array<i32>} : memref<32xf32, #tpu.memory_space<vmem>>, vector<16xf32>,
      %swap3A_158 = vector.shape_cast %swap3A_157 : vector<16xf32> to vector<16xf32>
      %swap3A_159 = vector.shape_cast %add3A_155 : vector<16xf32> to vector<16xf32>
      tpu.vector_store %arg11[%swap3A_156], %swap3A_159 {strides = array<i32>} : memref<32xf32, #tpu.memory_space<vmem>>, vector<16xf32>,
      %get3A_160 = arith.constant 8 : index
      %get3A_161 = tpu.vector_load %arg11[%get3A_160] {strides = array<i32>} : memref<32xf32, #tpu.memory_space<vmem>>, vector<16xf32>,
      %get3A_162 = vector.shape_cast %get3A_161 : vector<16xf32> to vector<16xf32>
      %add3A_163 = arith.addf %add3A_155, %get3A_162 : vector<16xf32>
      %swap3A_164 = arith.constant 0 : index
      %swap3A_165 = tpu.vector_load %arg11[%swap3A_164] {strides = array<i32>} : memref<32xf32, #tpu.memory_space<vmem>>, vector<16xf32>,
      %swap3A_166 = vector.shape_cast %swap3A_165 : vector<16xf32> to vector<16xf32>
      %swap3A_167 = vector.shape_cast %add3A_163 : vector<16xf32> to vector<16xf32>
      tpu.vector_store %arg11[%swap3A_164], %swap3A_167 {strides = array<i32>} : memref<32xf32, #tpu.memory_space<vmem>>, vector<16xf32>,
      %get3A_168 = arith.constant 4 : index
      %get3A_169 = tpu.vector_load %arg11[%get3A_168] {strides = array<i32>} : memref<32xf32, #tpu.memory_space<vmem>>, vector<16xf32>,
      %get3A_170 = vector.shape_cast %get3A_169 : vector<16xf32> to vector<16xf32>
      %add3A_171 = arith.addf %add3A_163, %get3A_170 : vector<16xf32>
      %swap3A_172 = arith.constant 0 : index
      %swap3A_173 = tpu.vector_load %arg11[%swap3A_172] {strides = array<i32>} : memref<32xf32, #tpu.memory_space<vmem>>, vector<16xf32>,
      %swap3A_174 = vector.shape_cast %swap3A_173 : vector<16xf32> to vector<16xf32>
      %swap3A_175 = vector.shape_cast %add3A_171 : vector<16xf32> to vector<16xf32>
      tpu.vector_store %arg11[%swap3A_172], %swap3A_175 {strides = array<i32>} : memref<32xf32, #tpu.memory_space<vmem>>, vector<16xf32>,
      %get3A_176 = arith.constant 2 : index
      %get3A_177 = tpu.vector_load %arg11[%get3A_176] {strides = array<i32>} : memref<32xf32, #tpu.memory_space<vmem>>, vector<16xf32>,
      %get3A_178 = vector.shape_cast %get3A_177 : vector<16xf32> to vector<16xf32>
      %add3A_179 = arith.addf %add3A_171, %get3A_178 : vector<16xf32>
      %swap3A_180 = arith.constant 0 : index
      %swap3A_181 = tpu.vector_load %arg11[%swap3A_180] {strides = array<i32>} : memref<32xf32, #tpu.memory_space<vmem>>, vector<16xf32>,
      %swap3A_182 = vector.shape_cast %swap3A_181 : vector<16xf32> to vector<16xf32>
      %swap3A_183 = vector.shape_cast %add3A_179 : vector<16xf32> to vector<16xf32>
      tpu.vector_store %arg11[%swap3A_180], %swap3A_183 {strides = array<i32>} : memref<32xf32, #tpu.memory_space<vmem>>, vector<16xf32>,
      %get3A_184 = arith.constant 1 : index
      %get3A_185 = tpu.vector_load %arg11[%get3A_184] {strides = array<i32>} : memref<32xf32, #tpu.memory_space<vmem>>, vector<16xf32>,
      %get3A_186 = vector.shape_cast %get3A_185 : vector<16xf32> to vector<16xf32>
      %add3A_187 = arith.addf %add3A_179, %get3A_186 : vector<16xf32>
      %eq3A = arith.constant 0 : i32
      %eq3A_188 = vector.broadcast %eq3A : i32 to vector<16xi32>
      %eq3A_189 = arith.cmpi eq, %iota3A, %eq3A_188 : vector<16xi32>
      %slice3A = vector.extract_strided_slice %add3A_187 {offsets = [0], sizes = [1], strides = [1]} : vector<16xf32> to vector<1xf32>
      %squeeze3A = vector.extract %slice3A[0] : f32 from vector<1xf32>
      %broadcast_in_dim3A_190 = vector.broadcast %squeeze3A : f32 to vector<16xf32>
      %select_n3A = arith.select %eq3A_189, %broadcast_in_dim3A_190, %broadcast_in_dim3A_31 : vector<16xi1>, vector<16xf32>
      %mul3A_191 = arith.constant 16 : i32
      %mul3A_192 = arith.muli %scan3A_28, %mul3A_191 : i32
      %add3A_193 = arith.constant 1 : i32
      %add3A_194 = arith.addi %mul3A_192, %add3A_193 : i32
      %broadcast_in_dim3A_195 = arith.constant 0.000000e+00 : f32
      %broadcast_in_dim3A_196 = vector.broadcast %broadcast_in_dim3A_195 : f32 to vector<16xf32>
      %get3A_197 = arith.index_cast %add3A_194 : i32 to index
      %get3A_198 = arith.constant 0 : index
      %get3A_199 = tpu.vector_load %arg8[%get3A_197, %get3A_198] {strides = array<i32>} : memref<64x128xf32, #tpu.memory_space<vmem>>, vector<1x16xf32>,
      %get3A_200 = vector.shape_cast %get3A_199 : vector<1x16xf32> to vector<16xf32>
      %get3A_201 = arith.index_cast %add3A_194 : i32 to index
      %get3A_202 = arith.constant 0 : index
      %get3A_203 = tpu.vector_load %arg9[%get3A_201, %get3A_202] {strides = array<i32>} : memref<64x128xf32, #tpu.memory_space<vmem>>, vector<1x16xf32>,
      %get3A_204 = vector.shape_cast %get3A_203 : vector<1x16xf32> to vector<16xf32>
      %sub3A_205 = arith.subf %get3A_200, %get3A_204 : vector<16xf32>
      %get3A_206 = arith.index_cast %add3A_194 : i32 to index
      %get3A_207 = arith.constant 0 : index
      %get3A_208 = tpu.vector_load %arg10[%get3A_206, %get3A_207] {strides = array<i32>} : memref<64x128xf32, #tpu.memory_space<vmem>>, vector<1x16xf32>,
      %get3A_209 = vector.shape_cast %get3A_208 : vector<1x16xf32> to vector<16xf32>
      %mul3A_210 = arith.mulf %sub3A_205, %get3A_209 : vector<16xf32>
      %add3A_211 = arith.addf %broadcast_in_dim3A_196, %mul3A_210 : vector<16xf32>
      %get3A_212 = arith.index_cast %add3A_194 : i32 to index
      %get3A_213 = arith.constant 16 : index
      %get3A_214 = tpu.vector_load %arg8[%get3A_212, %get3A_213] {strides = array<i32>} : memref<64x128xf32, #tpu.memory_space<vmem>>, vector<1x16xf32>,
      %get3A_215 = vector.shape_cast %get3A_214 : vector<1x16xf32> to vector<16xf32>
      %get3A_216 = arith.index_cast %add3A_194 : i32 to index
      %get3A_217 = arith.constant 16 : index
      %get3A_218 = tpu.vector_load %arg9[%get3A_216, %get3A_217] {strides = array<i32>} : memref<64x128xf32, #tpu.memory_space<vmem>>, vector<1x16xf32>,
      %get3A_219 = vector.shape_cast %get3A_218 : vector<1x16xf32> to vector<16xf32>
      %sub3A_220 = arith.subf %get3A_215, %get3A_219 : vector<16xf32>
      %get3A_221 = arith.index_cast %add3A_194 : i32 to index
      %get3A_222 = arith.constant 16 : index
      %get3A_223 = tpu.vector_load %arg10[%get3A_221, %get3A_222] {strides = array<i32>} : memref<64x128xf32, #tpu.memory_space<vmem>>, vector<1x16xf32>,
      %get3A_224 = vector.shape_cast %get3A_223 : vector<1x16xf32> to vector<16xf32>
      %mul3A_225 = arith.mulf %sub3A_220, %get3A_224 : vector<16xf32>
      %add3A_226 = arith.addf %add3A_211, %mul3A_225 : vector<16xf32>
      %get3A_227 = arith.index_cast %add3A_194 : i32 to index
      %get3A_228 = arith.constant 32 : index
      %get3A_229 = tpu.vector_load %arg8[%get3A_227, %get3A_228] {strides = array<i32>} : memref<64x128xf32, #tpu.memory_space<vmem>>, vector<1x16xf32>,
      %get3A_230 = vector.shape_cast %get3A_229 : vector<1x16xf32> to vector<16xf32>
      %get3A_231 = arith.index_cast %add3A_194 : i32 to index
      %get3A_232 = arith.constant 32 : index
      %get3A_233 = tpu.vector_load %arg9[%get3A_231, %get3A_232] {strides = array<i32>} : memref<64x128xf32, #tpu.memory_space<vmem>>, vector<1x16xf32>,
      %get3A_234 = vector.shape_cast %get3A_233 : vector<1x16xf32> to vector<16xf32>
      %sub3A_235 = arith.subf %get3A_230, %get3A_234 : vector<16xf32>
      %get3A_236 = arith.index_cast %add3A_194 : i32 to index
      %get3A_237 = arith.constant 32 : index
      %get3A_238 = tpu.vector_load %arg10[%get3A_236, %get3A_237] {strides = array<i32>} : memref<64x128xf32, #tpu.memory_space<vmem>>, vector<1x16xf32>,
      %get3A_239 = vector.shape_cast %get3A_238 : vector<1x16xf32> to vector<16xf32>
      %mul3A_240 = arith.mulf %sub3A_235, %get3A_239 : vector<16xf32>
      %add3A_241 = arith.addf %add3A_226, %mul3A_240 : vector<16xf32>
      %get3A_242 = arith.index_cast %add3A_194 : i32 to index
      %get3A_243 = arith.constant 48 : index
      %get3A_244 = tpu.vector_load %arg8[%get3A_242, %get3A_243] {strides = array<i32>} : memref<64x128xf32, #tpu.memory_space<vmem>>, vector<1x16xf32>,
      %get3A_245 = vector.shape_cast %get3A_244 : vector<1x16xf32> to vector<16xf32>
      %get3A_246 = arith.index_cast %add3A_194 : i32 to index
      %get3A_247 = arith.constant 48 : index
      %get3A_248 = tpu.vector_load %arg9[%get3A_246, %get3A_247] {strides = array<i32>} : memref<64x128xf32, #tpu.memory_space<vmem>>, vector<1x16xf32>,
      %get3A_249 = vector.shape_cast %get3A_248 : vector<1x16xf32> to vector<16xf32>
      %sub3A_250 = arith.subf %get3A_245, %get3A_249 : vector<16xf32>
      %get3A_251 = arith.index_cast %add3A_194 : i32 to index
      %get3A_252 = arith.constant 48 : index
      %get3A_253 = tpu.vector_load %arg10[%get3A_251, %get3A_252] {strides = array<i32>} : memref<64x128xf32, #tpu.memory_space<vmem>>, vector<1x16xf32>,
      %get3A_254 = vector.shape_cast %get3A_253 : vector<1x16xf32> to vector<16xf32>
      %mul3A_255 = arith.mulf %sub3A_250, %get3A_254 : vector<16xf32>
      %add3A_256 = arith.addf %add3A_241, %mul3A_255 : vector<16xf32>
      %get3A_257 = arith.index_cast %add3A_194 : i32 to index
      %get3A_258 = arith.constant 64 : index
      %get3A_259 = tpu.vector_load %arg8[%get3A_257, %get3A_258] {strides = array<i32>} : memref<64x128xf32, #tpu.memory_space<vmem>>, vector<1x16xf32>,
      %get3A_260 = vector.shape_cast %get3A_259 : vector<1x16xf32> to vector<16xf32>
      %get3A_261 = arith.index_cast %add3A_194 : i32 to index
      %get3A_262 = arith.constant 64 : index
      %get3A_263 = tpu.vector_load %arg9[%get3A_261, %get3A_262] {strides = array<i32>} : memref<64x128xf32, #tpu.memory_space<vmem>>, vector<1x16xf32>,
      %get3A_264 = vector.shape_cast %get3A_263 : vector<1x16xf32> to vector<16xf32>
      %sub3A_265 = arith.subf %get3A_260, %get3A_264 : vector<16xf32>
      %get3A_266 = arith.index_cast %add3A_194 : i32 to index
      %get3A_267 = arith.constant 64 : index
      %get3A_268 = tpu.vector_load %arg10[%get3A_266, %get3A_267] {strides = array<i32>} : memref<64x128xf32, #tpu.memory_space<vmem>>, vector<1x16xf32>,
      %get3A_269 = vector.shape_cast %get3A_268 : vector<1x16xf32> to vector<16xf32>
      %mul3A_270 = arith.mulf %sub3A_265, %get3A_269 : vector<16xf32>
      %add3A_271 = arith.addf %add3A_256, %mul3A_270 : vector<16xf32>
      %get3A_272 = arith.index_cast %add3A_194 : i32 to index
      %get3A_273 = arith.constant 80 : index
      %get3A_274 = tpu.vector_load %arg8[%get3A_272, %get3A_273] {strides = array<i32>} : memref<64x128xf32, #tpu.memory_space<vmem>>, vector<1x16xf32>,
      %get3A_275 = vector.shape_cast %get3A_274 : vector<1x16xf32> to vector<16xf32>
      %get3A_276 = arith.index_cast %add3A_194 : i32 to index
      %get3A_277 = arith.constant 80 : index
      %get3A_278 = tpu.vector_load %arg9[%get3A_276, %get3A_277] {strides = array<i32>} : memref<64x128xf32, #tpu.memory_space<vmem>>, vector<1x16xf32>,
      %get3A_279 = vector.shape_cast %get3A_278 : vector<1x16xf32> to vector<16xf32>
      %sub3A_280 = arith.subf %get3A_275, %get3A_279 : vector<16xf32>
      %get3A_281 = arith.index_cast %add3A_194 : i32 to index
      %get3A_282 = arith.constant 80 : index
      %get3A_283 = tpu.vector_load %arg10[%get3A_281, %get3A_282] {strides = array<i32>} : memref<64x128xf32, #tpu.memory_space<vmem>>, vector<1x16xf32>,
      %get3A_284 = vector.shape_cast %get3A_283 : vector<1x16xf32> to vector<16xf32>
      %mul3A_285 = arith.mulf %sub3A_280, %get3A_284 : vector<16xf32>
      %add3A_286 = arith.addf %add3A_271, %mul3A_285 : vector<16xf32>
      %get3A_287 = arith.index_cast %add3A_194 : i32 to index
      %get3A_288 = arith.constant 96 : index
      %get3A_289 = tpu.vector_load %arg8[%get3A_287, %get3A_288] {strides = array<i32>} : memref<64x128xf32, #tpu.memory_space<vmem>>, vector<1x16xf32>,
      %get3A_290 = vector.shape_cast %get3A_289 : vector<1x16xf32> to vector<16xf32>
      %get3A_291 = arith.index_cast %add3A_194 : i32 to index
      %get3A_292 = arith.constant 96 : index
      %get3A_293 = tpu.vector_load %arg9[%get3A_291, %get3A_292] {strides = array<i32>} : memref<64x128xf32, #tpu.memory_space<vmem>>, vector<1x16xf32>,
      %get3A_294 = vector.shape_cast %get3A_293 : vector<1x16xf32> to vector<16xf32>
      %sub3A_295 = arith.subf %get3A_290, %get3A_294 : vector<16xf32>
      %get3A_296 = arith.index_cast %add3A_194 : i32 to index
      %get3A_297 = arith.constant 96 : index
      %get3A_298 = tpu.vector_load %arg10[%get3A_296, %get3A_297] {strides = array<i32>} : memref<64x128xf32, #tpu.memory_space<vmem>>, vector<1x16xf32>,
      %get3A_299 = vector.shape_cast %get3A_298 : vector<1x16xf32> to vector<16xf32>
      %mul3A_300 = arith.mulf %sub3A_295, %get3A_299 : vector<16xf32>
      %add3A_301 = arith.addf %add3A_286, %mul3A_300 : vector<16xf32>
      %get3A_302 = arith.index_cast %add3A_194 : i32 to index
      %get3A_303 = arith.constant 112 : index
      %get3A_304 = tpu.vector_load %arg8[%get3A_302, %get3A_303] {strides = array<i32>} : memref<64x128xf32, #tpu.memory_space<vmem>>, vector<1x16xf32>,
      %get3A_305 = vector.shape_cast %get3A_304 : vector<1x16xf32> to vector<16xf32>
      %get3A_306 = arith.index_cast %add3A_194 : i32 to index
      %get3A_307 = arith.constant 112 : index
      %get3A_308 = tpu.vector_load %arg9[%get3A_306, %get3A_307] {strides = array<i32>} : memref<64x128xf32, #tpu.memory_space<vmem>>, vector<1x16xf32>,
      %get3A_309 = vector.shape_cast %get3A_308 : vector<1x16xf32> to vector<16xf32>
      %sub3A_310 = arith.subf %get3A_305, %get3A_309 : vector<16xf32>
      %get3A_311 = arith.index_cast %add3A_194 : i32 to index
      %get3A_312 = arith.constant 112 : index
      %get3A_313 = tpu.vector_load %arg10[%get3A_311, %get3A_312] {strides = array<i32>} : memref<64x128xf32, #tpu.memory_space<vmem>>, vector<1x16xf32>,
      %get3A_314 = vector.shape_cast %get3A_313 : vector<1x16xf32> to vector<16xf32>
      %mul3A_315 = arith.mulf %sub3A_310, %get3A_314 : vector<16xf32>
      %add3A_316 = arith.addf %add3A_301, %mul3A_315 : vector<16xf32>
      %swap3A_317 = arith.constant 0 : index
      %swap3A_318 = tpu.vector_load %arg11[%swap3A_317] {strides = array<i32>} : memref<32xf32, #tpu.memory_space<vmem>>, vector<16xf32>,
      %swap3A_319 = vector.shape_cast %swap3A_318 : vector<16xf32> to vector<16xf32>
      %swap3A_320 = vector.shape_cast %add3A_316 : vector<16xf32> to vector<16xf32>
      tpu.vector_store %arg11[%swap3A_317], %swap3A_320 {strides = array<i32>} : memref<32xf32, #tpu.memory_space<vmem>>, vector<16xf32>,
      %get3A_321 = arith.constant 8 : index
      %get3A_322 = tpu.vector_load %arg11[%get3A_321] {strides = array<i32>} : memref<32xf32, #tpu.memory_space<vmem>>, vector<16xf32>,
      %get3A_323 = vector.shape_cast %get3A_322 : vector<16xf32> to vector<16xf32>
      %add3A_324 = arith.addf %add3A_316, %get3A_323 : vector<16xf32>
      %swap3A_325 = arith.constant 0 : index
      %swap3A_326 = tpu.vector_load %arg11[%swap3A_325] {strides = array<i32>} : memref<32xf32, #tpu.memory_space<vmem>>, vector<16xf32>,
      %swap3A_327 = vector.shape_cast %swap3A_326 : vector<16xf32> to vector<16xf32>
      %swap3A_328 = vector.shape_cast %add3A_324 : vector<16xf32> to vector<16xf32>
      tpu.vector_store %arg11[%swap3A_325], %swap3A_328 {strides = array<i32>} : memref<32xf32, #tpu.memory_space<vmem>>, vector<16xf32>,
      %get3A_329 = arith.constant 4 : index
      %get3A_330 = tpu.vector_load %arg11[%get3A_329] {strides = array<i32>} : memref<32xf32, #tpu.memory_space<vmem>>, vector<16xf32>,
      %get3A_331 = vector.shape_cast %get3A_330 : vector<16xf32> to vector<16xf32>
      %add3A_332 = arith.addf %add3A_324, %get3A_331 : vector<16xf32>
      %swap3A_333 = arith.constant 0 : index
      %swap3A_334 = tpu.vector_load %arg11[%swap3A_333] {strides = array<i32>} : memref<32xf32, #tpu.memory_space<vmem>>, vector<16xf32>,
      %swap3A_335 = vector.shape_cast %swap3A_334 : vector<16xf32> to vector<16xf32>
      %swap3A_336 = vector.shape_cast %add3A_332 : vector<16xf32> to vector<16xf32>
      tpu.vector_store %arg11[%swap3A_333], %swap3A_336 {strides = array<i32>} : memref<32xf32, #tpu.memory_space<vmem>>, vector<16xf32>,
      %get3A_337 = arith.constant 2 : index
      %get3A_338 = tpu.vector_load %arg11[%get3A_337] {strides = array<i32>} : memref<32xf32, #tpu.memory_space<vmem>>, vector<16xf32>,
      %get3A_339 = vector.shape_cast %get3A_338 : vector<16xf32> to vector<16xf32>
      %add3A_340 = arith.addf %add3A_332, %get3A_339 : vector<16xf32>
      %swap3A_341 = arith.constant 0 : index
      %swap3A_342 = tpu.vector_load %arg11[%swap3A_341] {strides = array<i32>} : memref<32xf32, #tpu.memory_space<vmem>>, vector<16xf32>,
      %swap3A_343 = vector.shape_cast %swap3A_342 : vector<16xf32> to vector<16xf32>
      %swap3A_344 = vector.shape_cast %add3A_340 : vector<16xf32> to vector<16xf32>
      tpu.vector_store %arg11[%swap3A_341], %swap3A_344 {strides = array<i32>} : memref<32xf32, #tpu.memory_space<vmem>>, vector<16xf32>,
      %get3A_345 = arith.constant 1 : index
      %get3A_346 = tpu.vector_load %arg11[%get3A_345] {strides = array<i32>} : memref<32xf32, #tpu.memory_space<vmem>>, vector<16xf32>,
      %get3A_347 = vector.shape_cast %get3A_346 : vector<16xf32> to vector<16xf32>
      %add3A_348 = arith.addf %add3A_340, %get3A_347 : vector<16xf32>
      %eq3A_349 = arith.constant 1 : i32
      %eq3A_350 = vector.broadcast %eq3A_349 : i32 to vector<16xi32>
      %eq3A_351 = arith.cmpi eq, %iota3A, %eq3A_350 : vector<16xi32>
      %slice3A_352 = vector.extract_strided_slice %add3A_348 {offsets = [0], sizes = [1], strides = [1]} : vector<16xf32> to vector<1xf32>
      %squeeze3A_353 = vector.extract %slice3A_352[0] : f32 from vector<1xf32>
      %broadcast_in_dim3A_354 = vector.broadcast %squeeze3A_353 : f32 to vector<16xf32>
      %select_n3A_355 = arith.select %eq3A_351, %broadcast_in_dim3A_354, %select_n3A : vector<16xi1>, vector<16xf32>
      %mul3A_356 = arith.constant 16 : i32
      %mul3A_357 = arith.muli %scan3A_28, %mul3A_356 : i32
      %add3A_358 = arith.constant 2 : i32
      %add3A_359 = arith.addi %mul3A_357, %add3A_358 : i32
      %broadcast_in_dim3A_360 = arith.constant 0.000000e+00 : f32
      %broadcast_in_dim3A_361 = vector.broadcast %broadcast_in_dim3A_360 : f32 to vector<16xf32>
      %get3A_362 = arith.index_cast %add3A_359 : i32 to index
      %get3A_363 = arith.constant 0 : index
      %get3A_364 = tpu.vector_load %arg8[%get3A_362, %get3A_363] {strides = array<i32>} : memref<64x128xf32, #tpu.memory_space<vmem>>, vector<1x16xf32>,
      %get3A_365 = vector.shape_cast %get3A_364 : vector<1x16xf32> to vector<16xf32>
      %get3A_366 = arith.index_cast %add3A_359 : i32 to index
      %get3A_367 = arith.constant 0 : index
      %get3A_368 = tpu.vector_load %arg9[%get3A_366, %get3A_367] {strides = array<i32>} : memref<64x128xf32, #tpu.memory_space<vmem>>, vector<1x16xf32>,
      %get3A_369 = vector.shape_cast %get3A_368 : vector<1x16xf32> to vector<16xf32>
      %sub3A_370 = arith.subf %get3A_365, %get3A_369 : vector<16xf32>
      %get3A_371 = arith.index_cast %add3A_359 : i32 to index
      %get3A_372 = arith.constant 0 : index
      %get3A_373 = tpu.vector_load %arg10[%get3A_371, %get3A_372] {strides = array<i32>} : memref<64x128xf32, #tpu.memory_space<vmem>>, vector<1x16xf32>,
      %get3A_374 = vector.shape_cast %get3A_373 : vector<1x16xf32> to vector<16xf32>
      %mul3A_375 = arith.mulf %sub3A_370, %get3A_374 : vector<16xf32>
      %add3A_376 = arith.addf %broadcast_in_dim3A_361, %mul3A_375 : vector<16xf32>
      %get3A_377 = arith.index_cast %add3A_359 : i32 to index
      %get3A_378 = arith.constant 16 : index
      %get3A_379 = tpu.vector_load %arg8[%get3A_377, %get3A_378] {strides = array<i32>} : memref<64x128xf32, #tpu.memory_space<vmem>>, vector<1x16xf32>,
      %get3A_380 = vector.shape_cast %get3A_379 : vector<1x16xf32> to vector<16xf32>
      %get3A_381 = arith.index_cast %add3A_359 : i32 to index
      %get3A_382 = arith.constant 16 : index
      %get3A_383 = tpu.vector_load %arg9[%get3A_381, %get3A_382] {strides = array<i32>} : memref<64x128xf32, #tpu.memory_space<vmem>>, vector<1x16xf32>,
      %get3A_384 = vector.shape_cast %get3A_383 : vector<1x16xf32> to vector<16xf32>
      %sub3A_385 = arith.subf %get3A_380, %get3A_384 : vector<16xf32>
      %get3A_386 = arith.index_cast %add3A_359 : i32 to index
      %get3A_387 = arith.constant 16 : index
      %get3A_388 = tpu.vector_load %arg10[%get3A_386, %get3A_387] {strides = array<i32>} : memref<64x128xf32, #tpu.memory_space<vmem>>, vector<1x16xf32>,
      %get3A_389 = vector.shape_cast %get3A_388 : vector<1x16xf32> to vector<16xf32>
      %mul3A_390 = arith.mulf %sub3A_385, %get3A_389 : vector<16xf32>
      %add3A_391 = arith.addf %add3A_376, %mul3A_390 : vector<16xf32>
      %get3A_392 = arith.index_cast %add3A_359 : i32 to index
      %get3A_393 = arith.constant 32 : index
      %get3A_394 = tpu.vector_load %arg8[%get3A_392, %get3A_393] {strides = array<i32>} : memref<64x128xf32, #tpu.memory_space<vmem>>, vector<1x16xf32>,
      %get3A_395 = vector.shape_cast %get3A_394 : vector<1x16xf32> to vector<16xf32>
      %get3A_396 = arith.index_cast %add3A_359 : i32 to index
      %get3A_397 = arith.constant 32 : index
      %get3A_398 = tpu.vector_load %arg9[%get3A_396, %get3A_397] {strides = array<i32>} : memref<64x128xf32, #tpu.memory_space<vmem>>, vector<1x16xf32>,
      %get3A_399 = vector.shape_cast %get3A_398 : vector<1x16xf32> to vector<16xf32>
      %sub3A_400 = arith.subf %get3A_395, %get3A_399 : vector<16xf32>
      %get3A_401 = arith.index_cast %add3A_359 : i32 to index
      %get3A_402 = arith.constant 32 : index
      %get3A_403 = tpu.vector_load %arg10[%get3A_401, %get3A_402] {strides = array<i32>} : memref<64x128xf32, #tpu.memory_space<vmem>>, vector<1x16xf32>,
      %get3A_404 = vector.shape_cast %get3A_403 : vector<1x16xf32> to vector<16xf32>
      %mul3A_405 = arith.mulf %sub3A_400, %get3A_404 : vector<16xf32>
      %add3A_406 = arith.addf %add3A_391, %mul3A_405 : vector<16xf32>
      %get3A_407 = arith.index_cast %add3A_359 : i32 to index
      %get3A_408 = arith.constant 48 : index
      %get3A_409 = tpu.vector_load %arg8[%get3A_407, %get3A_408] {strides = array<i32>} : memref<64x128xf32, #tpu.memory_space<vmem>>, vector<1x16xf32>,
      %get3A_410 = vector.shape_cast %get3A_409 : vector<1x16xf32> to vector<16xf32>
      %get3A_411 = arith.index_cast %add3A_359 : i32 to index
      %get3A_412 = arith.constant 48 : index
      %get3A_413 = tpu.vector_load %arg9[%get3A_411, %get3A_412] {strides = array<i32>} : memref<64x128xf32, #tpu.memory_space<vmem>>, vector<1x16xf32>,
      %get3A_414 = vector.shape_cast %get3A_413 : vector<1x16xf32> to vector<16xf32>
      %sub3A_415 = arith.subf %get3A_410, %get3A_414 : vector<16xf32>
      %get3A_416 = arith.index_cast %add3A_359 : i32 to index
      %get3A_417 = arith.constant 48 : index
      %get3A_418 = tpu.vector_load %arg10[%get3A_416, %get3A_417] {strides = array<i32>} : memref<64x128xf32, #tpu.memory_space<vmem>>, vector<1x16xf32>,
      %get3A_419 = vector.shape_cast %get3A_418 : vector<1x16xf32> to vector<16xf32>
      %mul3A_420 = arith.mulf %sub3A_415, %get3A_419 : vector<16xf32>
      %add3A_421 = arith.addf %add3A_406, %mul3A_420 : vector<16xf32>
      %get3A_422 = arith.index_cast %add3A_359 : i32 to index
      %get3A_423 = arith.constant 64 : index
      %get3A_424 = tpu.vector_load %arg8[%get3A_422, %get3A_423] {strides = array<i32>} : memref<64x128xf32, #tpu.memory_space<vmem>>, vector<1x16xf32>,
      %get3A_425 = vector.shape_cast %get3A_424 : vector<1x16xf32> to vector<16xf32>
      %get3A_426 = arith.index_cast %add3A_359 : i32 to index
      %get3A_427 = arith.constant 64 : index
      %get3A_428 = tpu.vector_load %arg9[%get3A_426, %get3A_427] {strides = array<i32>} : memref<64x128xf32, #tpu.memory_space<vmem>>, vector<1x16xf32>,
      %get3A_429 = vector.shape_cast %get3A_428 : vector<1x16xf32> to vector<16xf32>
      %sub3A_430 = arith.subf %get3A_425, %get3A_429 : vector<16xf32>
      %get3A_431 = arith.index_cast %add3A_359 : i32 to index
      %get3A_432 = arith.constant 64 : index
      %get3A_433 = tpu.vector_load %arg10[%get3A_431, %get3A_432] {strides = array<i32>} : memref<64x128xf32, #tpu.memory_space<vmem>>, vector<1x16xf32>,
      %get3A_434 = vector.shape_cast %get3A_433 : vector<1x16xf32> to vector<16xf32>
      %mul3A_435 = arith.mulf %sub3A_430, %get3A_434 : vector<16xf32>
      %add3A_436 = arith.addf %add3A_421, %mul3A_435 : vector<16xf32>
      %get3A_437 = arith.index_cast %add3A_359 : i32 to index
      %get3A_438 = arith.constant 80 : index
      %get3A_439 = tpu.vector_load %arg8[%get3A_437, %get3A_438] {strides = array<i32>} : memref<64x128xf32, #tpu.memory_space<vmem>>, vector<1x16xf32>,
      %get3A_440 = vector.shape_cast %get3A_439 : vector<1x16xf32> to vector<16xf32>
      %get3A_441 = arith.index_cast %add3A_359 : i32 to index
      %get3A_442 = arith.constant 80 : index
      %get3A_443 = tpu.vector_load %arg9[%get3A_441, %get3A_442] {strides = array<i32>} : memref<64x128xf32, #tpu.memory_space<vmem>>, vector<1x16xf32>,
      %get3A_444 = vector.shape_cast %get3A_443 : vector<1x16xf32> to vector<16xf32>
      %sub3A_445 = arith.subf %get3A_440, %get3A_444 : vector<16xf32>
      %get3A_446 = arith.index_cast %add3A_359 : i32 to index
      %get3A_447 = arith.constant 80 : index
      %get3A_448 = tpu.vector_load %arg10[%get3A_446, %get3A_447] {strides = array<i32>} : memref<64x128xf32, #tpu.memory_space<vmem>>, vector<1x16xf32>,
      %get3A_449 = vector.shape_cast %get3A_448 : vector<1x16xf32> to vector<16xf32>
      %mul3A_450 = arith.mulf %sub3A_445, %get3A_449 : vector<16xf32>
      %add3A_451 = arith.addf %add3A_436, %mul3A_450 : vector<16xf32>
      %get3A_452 = arith.index_cast %add3A_359 : i32 to index
      %get3A_453 = arith.constant 96 : index
      %get3A_454 = tpu.vector_load %arg8[%get3A_452, %get3A_453] {strides = array<i32>} : memref<64x128xf32, #tpu.memory_space<vmem>>, vector<1x16xf32>,
      %get3A_455 = vector.shape_cast %get3A_454 : vector<1x16xf32> to vector<16xf32>
      %get3A_456 = arith.index_cast %add3A_359 : i32 to index
      %get3A_457 = arith.constant 96 : index
      %get3A_458 = tpu.vector_load %arg9[%get3A_456, %get3A_457] {strides = array<i32>} : memref<64x128xf32, #tpu.memory_space<vmem>>, vector<1x16xf32>,
      %get3A_459 = vector.shape_cast %get3A_458 : vector<1x16xf32> to vector<16xf32>
      %sub3A_460 = arith.subf %get3A_455, %get3A_459 : vector<16xf32>
      %get3A_461 = arith.index_cast %add3A_359 : i32 to index
      %get3A_462 = arith.constant 96 : index
      %get3A_463 = tpu.vector_load %arg10[%get3A_461, %get3A_462] {strides = array<i32>} : memref<64x128xf32, #tpu.memory_space<vmem>>, vector<1x16xf32>,
      %get3A_464 = vector.shape_cast %get3A_463 : vector<1x16xf32> to vector<16xf32>
      %mul3A_465 = arith.mulf %sub3A_460, %get3A_464 : vector<16xf32>
      %add3A_466 = arith.addf %add3A_451, %mul3A_465 : vector<16xf32>
      %get3A_467 = arith.index_cast %add3A_359 : i32 to index
      %get3A_468 = arith.constant 112 : index
      %get3A_469 = tpu.vector_load %arg8[%get3A_467, %get3A_468] {strides = array<i32>} : memref<64x128xf32, #tpu.memory_space<vmem>>, vector<1x16xf32>,
      %get3A_470 = vector.shape_cast %get3A_469 : vector<1x16xf32> to vector<16xf32>
      %get3A_471 = arith.index_cast %add3A_359 : i32 to index
      %get3A_472 = arith.constant 112 : index
      %get3A_473 = tpu.vector_load %arg9[%get3A_471, %get3A_472] {strides = array<i32>} : memref<64x128xf32, #tpu.memory_space<vmem>>, vector<1x16xf32>,
      %get3A_474 = vector.shape_cast %get3A_473 : vector<1x16xf32> to vector<16xf32>
      %sub3A_475 = arith.subf %get3A_470, %get3A_474 : vector<16xf32>
      %get3A_476 = arith.index_cast %add3A_359 : i32 to index
      %get3A_477 = arith.constant 112 : index
      %get3A_478 = tpu.vector_load %arg10[%get3A_476, %get3A_477] {strides = array<i32>} : memref<64x128xf32, #tpu.memory_space<vmem>>, vector<1x16xf32>,
      %get3A_479 = vector.shape_cast %get3A_478 : vector<1x16xf32> to vector<16xf32>
      %mul3A_480 = arith.mulf %sub3A_475, %get3A_479 : vector<16xf32>
      %add3A_481 = arith.addf %add3A_466, %mul3A_480 : vector<16xf32>
      %swap3A_482 = arith.constant 0 : index
      %swap3A_483 = tpu.vector_load %arg11[%swap3A_482] {strides = array<i32>} : memref<32xf32, #tpu.memory_space<vmem>>, vector<16xf32>,
      %swap3A_484 = vector.shape_cast %swap3A_483 : vector<16xf32> to vector<16xf32>
      %swap3A_485 = vector.shape_cast %add3A_481 : vector<16xf32> to vector<16xf32>
      tpu.vector_store %arg11[%swap3A_482], %swap3A_485 {strides = array<i32>} : memref<32xf32, #tpu.memory_space<vmem>>, vector<16xf32>,
      %get3A_486 = arith.constant 8 : index
      %get3A_487 = tpu.vector_load %arg11[%get3A_486] {strides = array<i32>} : memref<32xf32, #tpu.memory_space<vmem>>, vector<16xf32>,
      %get3A_488 = vector.shape_cast %get3A_487 : vector<16xf32> to vector<16xf32>
      %add3A_489 = arith.addf %add3A_481, %get3A_488 : vector<16xf32>
      %swap3A_490 = arith.constant 0 : index
      %swap3A_491 = tpu.vector_load %arg11[%swap3A_490] {strides = array<i32>} : memref<32xf32, #tpu.memory_space<vmem>>, vector<16xf32>,
      %swap3A_492 = vector.shape_cast %swap3A_491 : vector<16xf32> to vector<16xf32>
      %swap3A_493 = vector.shape_cast %add3A_489 : vector<16xf32> to vector<16xf32>
      tpu.vector_store %arg11[%swap3A_490], %swap3A_493 {strides = array<i32>} : memref<32xf32, #tpu.memory_space<vmem>>, vector<16xf32>,
      %get3A_494 = arith.constant 4 : index
      %get3A_495 = tpu.vector_load %arg11[%get3A_494] {strides = array<i32>} : memref<32xf32, #tpu.memory_space<vmem>>, vector<16xf32>,
      %get3A_496 = vector.shape_cast %get3A_495 : vector<16xf32> to vector<16xf32>
      %add3A_497 = arith.addf %add3A_489, %get3A_496 : vector<16xf32>
      %swap3A_498 = arith.constant 0 : index
      %swap3A_499 = tpu.vector_load %arg11[%swap3A_498] {strides = array<i32>} : memref<32xf32, #tpu.memory_space<vmem>>, vector<16xf32>,
      %swap3A_500 = vector.shape_cast %swap3A_499 : vector<16xf32> to vector<16xf32>
      %swap3A_501 = vector.shape_cast %add3A_497 : vector<16xf32> to vector<16xf32>
      tpu.vector_store %arg11[%swap3A_498], %swap3A_501 {strides = array<i32>} : memref<32xf32, #tpu.memory_space<vmem>>, vector<16xf32>,
      %get3A_502 = arith.constant 2 : index
      %get3A_503 = tpu.vector_load %arg11[%get3A_502] {strides = array<i32>} : memref<32xf32, #tpu.memory_space<vmem>>, vector<16xf32>,
      %get3A_504 = vector.shape_cast %get3A_503 : vector<16xf32> to vector<16xf32>
      %add3A_505 = arith.addf %add3A_497, %get3A_504 : vector<16xf32>
      %swap3A_506 = arith.constant 0 : index
      %swap3A_507 = tpu.vector_load %arg11[%swap3A_506] {strides = array<i32>} : memref<32xf32, #tpu.memory_space<vmem>>, vector<16xf32>,
      %swap3A_508 = vector.shape_cast %swap3A_507 : vector<16xf32> to vector<16xf32>
      %swap3A_509 = vector.shape_cast %add3A_505 : vector<16xf32> to vector<16xf32>
      tpu.vector_store %arg11[%swap3A_506], %swap3A_509 {strides = array<i32>} : memref<32xf32, #tpu.memory_space<vmem>>, vector<16xf32>,
      %get3A_510 = arith.constant 1 : index
      %get3A_511 = tpu.vector_load %arg11[%get3A_510] {strides = array<i32>} : memref<32xf32, #tpu.memory_space<vmem>>, vector<16xf32>,
      %get3A_512 = vector.shape_cast %get3A_511 : vector<16xf32> to vector<16xf32>
      %add3A_513 = arith.addf %add3A_505, %get3A_512 : vector<16xf32>
      %eq3A_514 = arith.constant 2 : i32
      %eq3A_515 = vector.broadcast %eq3A_514 : i32 to vector<16xi32>
      %eq3A_516 = arith.cmpi eq, %iota3A, %eq3A_515 : vector<16xi32>
      %slice3A_517 = vector.extract_strided_slice %add3A_513 {offsets = [0], sizes = [1], strides = [1]} : vector<16xf32> to vector<1xf32>
      %squeeze3A_518 = vector.extract %slice3A_517[0] : f32 from vector<1xf32>
      %broadcast_in_dim3A_519 = vector.broadcast %squeeze3A_518 : f32 to vector<16xf32>
      %select_n3A_520 = arith.select %eq3A_516, %broadcast_in_dim3A_519, %select_n3A_355 : vector<16xi1>, vector<16xf32>
      %mul3A_521 = arith.constant 16 : i32
      %mul3A_522 = arith.muli %scan3A_28, %mul3A_521 : i32
      %add3A_523 = arith.constant 3 : i32
      %add3A_524 = arith.addi %mul3A_522, %add3A_523 : i32
      %broadcast_in_dim3A_525 = arith.constant 0.000000e+00 : f32
      %broadcast_in_dim3A_526 = vector.broadcast %broadcast_in_dim3A_525 : f32 to vector<16xf32>
      %get3A_527 = arith.index_cast %add3A_524 : i32 to index
      %get3A_528 = arith.constant 0 : index
      %get3A_529 = tpu.vector_load %arg8[%get3A_527, %get3A_528] {strides = array<i32>} : memref<64x128xf32, #tpu.memory_space<vmem>>, vector<1x16xf32>,
      %get3A_530 = vector.shape_cast %get3A_529 : vector<1x16xf32> to vector<16xf32>
      %get3A_531 = arith.index_cast %add3A_524 : i32 to index
      %get3A_532 = arith.constant 0 : index
      %get3A_533 = tpu.vector_load %arg9[%get3A_531, %get3A_532] {strides = array<i32>} : memref<64x128xf32, #tpu.memory_space<vmem>>, vector<1x16xf32>,
      %get3A_534 = vector.shape_cast %get3A_533 : vector<1x16xf32> to vector<16xf32>
      %sub3A_535 = arith.subf %get3A_530, %get3A_534 : vector<16xf32>
      %get3A_536 = arith.index_cast %add3A_524 : i32 to index
      %get3A_537 = arith.constant 0 : index
      %get3A_538 = tpu.vector_load %arg10[%get3A_536, %get3A_537] {strides = array<i32>} : memref<64x128xf32, #tpu.memory_space<vmem>>, vector<1x16xf32>,
      %get3A_539 = vector.shape_cast %get3A_538 : vector<1x16xf32> to vector<16xf32>
      %mul3A_540 = arith.mulf %sub3A_535, %get3A_539 : vector<16xf32>
      %add3A_541 = arith.addf %broadcast_in_dim3A_526, %mul3A_540 : vector<16xf32>
      %get3A_542 = arith.index_cast %add3A_524 : i32 to index
      %get3A_543 = arith.constant 16 : index
      %get3A_544 = tpu.vector_load %arg8[%get3A_542, %get3A_543] {strides = array<i32>} : memref<64x128xf32, #tpu.memory_space<vmem>>, vector<1x16xf32>,
      %get3A_545 = vector.shape_cast %get3A_544 : vector<1x16xf32> to vector<16xf32>
      %get3A_546 = arith.index_cast %add3A_524 : i32 to index
      %get3A_547 = arith.constant 16 : index
      %get3A_548 = tpu.vector_load %arg9[%get3A_546, %get3A_547] {strides = array<i32>} : memref<64x128xf32, #tpu.memory_space<vmem>>, vector<1x16xf32>,
      %get3A_549 = vector.shape_cast %get3A_548 : vector<1x16xf32> to vector<16xf32>
      %sub3A_550 = arith.subf %get3A_545, %get3A_549 : vector<16xf32>
      %get3A_551 = arith.index_cast %add3A_524 : i32 to index
      %get3A_552 = arith.constant 16 : index
      %get3A_553 = tpu.vector_load %arg10[%get3A_551, %get3A_552] {strides = array<i32>} : memref<64x128xf32, #tpu.memory_space<vmem>>, vector<1x16xf32>,
      %get3A_554 = vector.shape_cast %get3A_553 : vector<1x16xf32> to vector<16xf32>
      %mul3A_555 = arith.mulf %sub3A_550, %get3A_554 : vector<16xf32>
      %add3A_556 = arith.addf %add3A_541, %mul3A_555 : vector<16xf32>
      %get3A_557 = arith.index_cast %add3A_524 : i32 to index
      %get3A_558 = arith.constant 32 : index
      %get3A_559 = tpu.vector_load %arg8[%get3A_557, %get3A_558] {strides = array<i32>} : memref<64x128xf32, #tpu.memory_space<vmem>>, vector<1x16xf32>,
      %get3A_560 = vector.shape_cast %get3A_559 : vector<1x16xf32> to vector<16xf32>
      %get3A_561 = arith.index_cast %add3A_524 : i32 to index
      %get3A_562 = arith.constant 32 : index
      %get3A_563 = tpu.vector_load %arg9[%get3A_561, %get3A_562] {strides = array<i32>} : memref<64x128xf32, #tpu.memory_space<vmem>>, vector<1x16xf32>,
      %get3A_564 = vector.shape_cast %get3A_563 : vector<1x16xf32> to vector<16xf32>
      %sub3A_565 = arith.subf %get3A_560, %get3A_564 : vector<16xf32>
      %get3A_566 = arith.index_cast %add3A_524 : i32 to index
      %get3A_567 = arith.constant 32 : index
      %get3A_568 = tpu.vector_load %arg10[%get3A_566, %get3A_567] {strides = array<i32>} : memref<64x128xf32, #tpu.memory_space<vmem>>, vector<1x16xf32>,
      %get3A_569 = vector.shape_cast %get3A_568 : vector<1x16xf32> to vector<16xf32>
      %mul3A_570 = arith.mulf %sub3A_565, %get3A_569 : vector<16xf32>
      %add3A_571 = arith.addf %add3A_556, %mul3A_570 : vector<16xf32>
      %get3A_572 = arith.index_cast %add3A_524 : i32 to index
      %get3A_573 = arith.constant 48 : index
      %get3A_574 = tpu.vector_load %arg8[%get3A_572, %get3A_573] {strides = array<i32>} : memref<64x128xf32, #tpu.memory_space<vmem>>, vector<1x16xf32>,
      %get3A_575 = vector.shape_cast %get3A_574 : vector<1x16xf32> to vector<16xf32>
      %get3A_576 = arith.index_cast %add3A_524 : i32 to index
      %get3A_577 = arith.constant 48 : index
      %get3A_578 = tpu.vector_load %arg9[%get3A_576, %get3A_577] {strides = array<i32>} : memref<64x128xf32, #tpu.memory_space<vmem>>, vector<1x16xf32>,
      %get3A_579 = vector.shape_cast %get3A_578 : vector<1x16xf32> to vector<16xf32>
      %sub3A_580 = arith.subf %get3A_575, %get3A_579 : vector<16xf32>
      %get3A_581 = arith.index_cast %add3A_524 : i32 to index
      %get3A_582 = arith.constant 48 : index
      %get3A_583 = tpu.vector_load %arg10[%get3A_581, %get3A_582] {strides = array<i32>} : memref<64x128xf32, #tpu.memory_space<vmem>>, vector<1x16xf32>,
      %get3A_584 = vector.shape_cast %get3A_583 : vector<1x16xf32> to vector<16xf32>
      %mul3A_585 = arith.mulf %sub3A_580, %get3A_584 : vector<16xf32>
      %add3A_586 = arith.addf %add3A_571, %mul3A_585 : vector<16xf32>
      %get3A_587 = arith.index_cast %add3A_524 : i32 to index
      %get3A_588 = arith.constant 64 : index
      %get3A_589 = tpu.vector_load %arg8[%get3A_587, %get3A_588] {strides = array<i32>} : memref<64x128xf32, #tpu.memory_space<vmem>>, vector<1x16xf32>,
      %get3A_590 = vector.shape_cast %get3A_589 : vector<1x16xf32> to vector<16xf32>
      %get3A_591 = arith.index_cast %add3A_524 : i32 to index
      %get3A_592 = arith.constant 64 : index
      %get3A_593 = tpu.vector_load %arg9[%get3A_591, %get3A_592] {strides = array<i32>} : memref<64x128xf32, #tpu.memory_space<vmem>>, vector<1x16xf32>,
      %get3A_594 = vector.shape_cast %get3A_593 : vector<1x16xf32> to vector<16xf32>
      %sub3A_595 = arith.subf %get3A_590, %get3A_594 : vector<16xf32>
      %get3A_596 = arith.index_cast %add3A_524 : i32 to index
      %get3A_597 = arith.constant 64 : index
      %get3A_598 = tpu.vector_load %arg10[%get3A_596, %get3A_597] {strides = array<i32>} : memref<64x128xf32, #tpu.memory_space<vmem>>, vector<1x16xf32>,
      %get3A_599 = vector.shape_cast %get3A_598 : vector<1x16xf32> to vector<16xf32>
      %mul3A_600 = arith.mulf %sub3A_595, %get3A_599 : vector<16xf32>
      %add3A_601 = arith.addf %add3A_586, %mul3A_600 : vector<16xf32>
      %get3A_602 = arith.index_cast %add3A_524 : i32 to index
      %get3A_603 = arith.constant 80 : index
      %get3A_604 = tpu.vector_load %arg8[%get3A_602, %get3A_603] {strides = array<i32>} : memref<64x128xf32, #tpu.memory_space<vmem>>, vector<1x16xf32>,
      %get3A_605 = vector.shape_cast %get3A_604 : vector<1x16xf32> to vector<16xf32>
      %get3A_606 = arith.index_cast %add3A_524 : i32 to index
      %get3A_607 = arith.constant 80 : index
      %get3A_608 = tpu.vector_load %arg9[%get3A_606, %get3A_607] {strides = array<i32>} : memref<64x128xf32, #tpu.memory_space<vmem>>, vector<1x16xf32>,
      %get3A_609 = vector.shape_cast %get3A_608 : vector<1x16xf32> to vector<16xf32>
      %sub3A_610 = arith.subf %get3A_605, %get3A_609 : vector<16xf32>
      %get3A_611 = arith.index_cast %add3A_524 : i32 to index
      %get3A_612 = arith.constant 80 : index
      %get3A_613 = tpu.vector_load %arg10[%get3A_611, %get3A_612] {strides = array<i32>} : memref<64x128xf32, #tpu.memory_space<vmem>>, vector<1x16xf32>,
      %get3A_614 = vector.shape_cast %get3A_613 : vector<1x16xf32> to vector<16xf32>
      %mul3A_615 = arith.mulf %sub3A_610, %get3A_614 : vector<16xf32>
      %add3A_616 = arith.addf %add3A_601, %mul3A_615 : vector<16xf32>
      %get3A_617 = arith.index_cast %add3A_524 : i32 to index
      %get3A_618 = arith.constant 96 : index
      %get3A_619 = tpu.vector_load %arg8[%get3A_617, %get3A_618] {strides = array<i32>} : memref<64x128xf32, #tpu.memory_space<vmem>>, vector<1x16xf32>,
      %get3A_620 = vector.shape_cast %get3A_619 : vector<1x16xf32> to vector<16xf32>
      %get3A_621 = arith.index_cast %add3A_524 : i32 to index
      %get3A_622 = arith.constant 96 : index
      %get3A_623 = tpu.vector_load %arg9[%get3A_621, %get3A_622] {strides = array<i32>} : memref<64x128xf32, #tpu.memory_space<vmem>>, vector<1x16xf32>,
      %get3A_624 = vector.shape_cast %get3A_623 : vector<1x16xf32> to vector<16xf32>
      %sub3A_625 = arith.subf %get3A_620, %get3A_624 : vector<16xf32>
      %get3A_626 = arith.index_cast %add3A_524 : i32 to index
      %get3A_627 = arith.constant 96 : index
      %get3A_628 = tpu.vector_load %arg10[%get3A_626, %get3A_627] {strides = array<i32>} : memref<64x128xf32, #tpu.memory_space<vmem>>, vector<1x16xf32>,
      %get3A_629 = vector.shape_cast %get3A_628 : vector<1x16xf32> to vector<16xf32>
      %mul3A_630 = arith.mulf %sub3A_625, %get3A_629 : vector<16xf32>
      %add3A_631 = arith.addf %add3A_616, %mul3A_630 : vector<16xf32>
      %get3A_632 = arith.index_cast %add3A_524 : i32 to index
      %get3A_633 = arith.constant 112 : index
      %get3A_634 = tpu.vector_load %arg8[%get3A_632, %get3A_633] {strides = array<i32>} : memref<64x128xf32, #tpu.memory_space<vmem>>, vector<1x16xf32>,
      %get3A_635 = vector.shape_cast %get3A_634 : vector<1x16xf32> to vector<16xf32>
      %get3A_636 = arith.index_cast %add3A_524 : i32 to index
      %get3A_637 = arith.constant 112 : index
      %get3A_638 = tpu.vector_load %arg9[%get3A_636, %get3A_637] {strides = array<i32>} : memref<64x128xf32, #tpu.memory_space<vmem>>, vector<1x16xf32>,
      %get3A_639 = vector.shape_cast %get3A_638 : vector<1x16xf32> to vector<16xf32>
      %sub3A_640 = arith.subf %get3A_635, %get3A_639 : vector<16xf32>
      %get3A_641 = arith.index_cast %add3A_524 : i32 to index
      %get3A_642 = arith.constant 112 : index
      %get3A_643 = tpu.vector_load %arg10[%get3A_641, %get3A_642] {strides = array<i32>} : memref<64x128xf32, #tpu.memory_space<vmem>>, vector<1x16xf32>,
      %get3A_644 = vector.shape_cast %get3A_643 : vector<1x16xf32> to vector<16xf32>
      %mul3A_645 = arith.mulf %sub3A_640, %get3A_644 : vector<16xf32>
      %add3A_646 = arith.addf %add3A_631, %mul3A_645 : vector<16xf32>
      %swap3A_647 = arith.constant 0 : index
      %swap3A_648 = tpu.vector_load %arg11[%swap3A_647] {strides = array<i32>} : memref<32xf32, #tpu.memory_space<vmem>>, vector<16xf32>,
      %swap3A_649 = vector.shape_cast %swap3A_648 : vector<16xf32> to vector<16xf32>
      %swap3A_650 = vector.shape_cast %add3A_646 : vector<16xf32> to vector<16xf32>
      tpu.vector_store %arg11[%swap3A_647], %swap3A_650 {strides = array<i32>} : memref<32xf32, #tpu.memory_space<vmem>>, vector<16xf32>,
      %get3A_651 = arith.constant 8 : index
      %get3A_652 = tpu.vector_load %arg11[%get3A_651] {strides = array<i32>} : memref<32xf32, #tpu.memory_space<vmem>>, vector<16xf32>,
      %get3A_653 = vector.shape_cast %get3A_652 : vector<16xf32> to vector<16xf32>
      %add3A_654 = arith.addf %add3A_646, %get3A_653 : vector<16xf32>
      %swap3A_655 = arith.constant 0 : index
      %swap3A_656 = tpu.vector_load %arg11[%swap3A_655] {strides = array<i32>} : memref<32xf32, #tpu.memory_space<vmem>>, vector<16xf32>,
      %swap3A_657 = vector.shape_cast %swap3A_656 : vector<16xf32> to vector<16xf32>
      %swap3A_658 = vector.shape_cast %add3A_654 : vector<16xf32> to vector<16xf32>
      tpu.vector_store %arg11[%swap3A_655], %swap3A_658 {strides = array<i32>} : memref<32xf32, #tpu.memory_space<vmem>>, vector<16xf32>,
      %get3A_659 = arith.constant 4 : index
      %get3A_660 = tpu.vector_load %arg11[%get3A_659] {strides = array<i32>} : memref<32xf32, #tpu.memory_space<vmem>>, vector<16xf32>,
      %get3A_661 = vector.shape_cast %get3A_660 : vector<16xf32> to vector<16xf32>
      %add3A_662 = arith.addf %add3A_654, %get3A_661 : vector<16xf32>
      %swap3A_663 = arith.constant 0 : index
      %swap3A_664 = tpu.vector_load %arg11[%swap3A_663] {strides = array<i32>} : memref<32xf32, #tpu.memory_space<vmem>>, vector<16xf32>,
      %swap3A_665 = vector.shape_cast %swap3A_664 : vector<16xf32> to vector<16xf32>
      %swap3A_666 = vector.shape_cast %add3A_662 : vector<16xf32> to vector<16xf32>
      tpu.vector_store %arg11[%swap3A_663], %swap3A_666 {strides = array<i32>} : memref<32xf32, #tpu.memory_space<vmem>>, vector<16xf32>,
      %get3A_667 = arith.constant 2 : index
      %get3A_668 = tpu.vector_load %arg11[%get3A_667] {strides = array<i32>} : memref<32xf32, #tpu.memory_space<vmem>>, vector<16xf32>,
      %get3A_669 = vector.shape_cast %get3A_668 : vector<16xf32> to vector<16xf32>
      %add3A_670 = arith.addf %add3A_662, %get3A_669 : vector<16xf32>
      %swap3A_671 = arith.constant 0 : index
      %swap3A_672 = tpu.vector_load %arg11[%swap3A_671] {strides = array<i32>} : memref<32xf32, #tpu.memory_space<vmem>>, vector<16xf32>,
      %swap3A_673 = vector.shape_cast %swap3A_672 : vector<16xf32> to vector<16xf32>
      %swap3A_674 = vector.shape_cast %add3A_670 : vector<16xf32> to vector<16xf32>
      tpu.vector_store %arg11[%swap3A_671], %swap3A_674 {strides = array<i32>} : memref<32xf32, #tpu.memory_space<vmem>>, vector<16xf32>,
      %get3A_675 = arith.constant 1 : index
      %get3A_676 = tpu.vector_load %arg11[%get3A_675] {strides = array<i32>} : memref<32xf32, #tpu.memory_space<vmem>>, vector<16xf32>,
      %get3A_677 = vector.shape_cast %get3A_676 : vector<16xf32> to vector<16xf32>
      %add3A_678 = arith.addf %add3A_670, %get3A_677 : vector<16xf32>
      %eq3A_679 = arith.constant 3 : i32
      %eq3A_680 = vector.broadcast %eq3A_679 : i32 to vector<16xi32>
      %eq3A_681 = arith.cmpi eq, %iota3A, %eq3A_680 : vector<16xi32>
      %slice3A_682 = vector.extract_strided_slice %add3A_678 {offsets = [0], sizes = [1], strides = [1]} : vector<16xf32> to vector<1xf32>
      %squeeze3A_683 = vector.extract %slice3A_682[0] : f32 from vector<1xf32>
      %broadcast_in_dim3A_684 = vector.broadcast %squeeze3A_683 : f32 to vector<16xf32>
      %select_n3A_685 = arith.select %eq3A_681, %broadcast_in_dim3A_684, %select_n3A_520 : vector<16xi1>, vector<16xf32>
      %mul3A_686 = arith.constant 16 : i32
      %mul3A_687 = arith.muli %scan3A_28, %mul3A_686 : i32
      %add3A_688 = arith.constant 4 : i32
      %add3A_689 = arith.addi %mul3A_687, %add3A_688 : i32
      %broadcast_in_dim3A_690 = arith.constant 0.000000e+00 : f32
      %broadcast_in_dim3A_691 = vector.broadcast %broadcast_in_dim3A_690 : f32 to vector<16xf32>
      %get3A_692 = arith.index_cast %add3A_689 : i32 to index
      %get3A_693 = arith.constant 0 : index
      %get3A_694 = tpu.vector_load %arg8[%get3A_692, %get3A_693] {strides = array<i32>} : memref<64x128xf32, #tpu.memory_space<vmem>>, vector<1x16xf32>,
      %get3A_695 = vector.shape_cast %get3A_694 : vector<1x16xf32> to vector<16xf32>
      %get3A_696 = arith.index_cast %add3A_689 : i32 to index
      %get3A_697 = arith.constant 0 : index
      %get3A_698 = tpu.vector_load %arg9[%get3A_696, %get3A_697] {strides = array<i32>} : memref<64x128xf32, #tpu.memory_space<vmem>>, vector<1x16xf32>,
      %get3A_699 = vector.shape_cast %get3A_698 : vector<1x16xf32> to vector<16xf32>
      %sub3A_700 = arith.subf %get3A_695, %get3A_699 : vector<16xf32>
      %get3A_701 = arith.index_cast %add3A_689 : i32 to index
      %get3A_702 = arith.constant 0 : index
      %get3A_703 = tpu.vector_load %arg10[%get3A_701, %get3A_702] {strides = array<i32>} : memref<64x128xf32, #tpu.memory_space<vmem>>, vector<1x16xf32>,
      %get3A_704 = vector.shape_cast %get3A_703 : vector<1x16xf32> to vector<16xf32>
      %mul3A_705 = arith.mulf %sub3A_700, %get3A_704 : vector<16xf32>
      %add3A_706 = arith.addf %broadcast_in_dim3A_691, %mul3A_705 : vector<16xf32>
      %get3A_707 = arith.index_cast %add3A_689 : i32 to index
      %get3A_708 = arith.constant 16 : index
      %get3A_709 = tpu.vector_load %arg8[%get3A_707, %get3A_708] {strides = array<i32>} : memref<64x128xf32, #tpu.memory_space<vmem>>, vector<1x16xf32>,
      %get3A_710 = vector.shape_cast %get3A_709 : vector<1x16xf32> to vector<16xf32>
      %get3A_711 = arith.index_cast %add3A_689 : i32 to index
      %get3A_712 = arith.constant 16 : index
      %get3A_713 = tpu.vector_load %arg9[%get3A_711, %get3A_712] {strides = array<i32>} : memref<64x128xf32, #tpu.memory_space<vmem>>, vector<1x16xf32>,
      %get3A_714 = vector.shape_cast %get3A_713 : vector<1x16xf32> to vector<16xf32>
      %sub3A_715 = arith.subf %get3A_710, %get3A_714 : vector<16xf32>
      %get3A_716 = arith.index_cast %add3A_689 : i32 to index
      %get3A_717 = arith.constant 16 : index
      %get3A_718 = tpu.vector_load %arg10[%get3A_716, %get3A_717] {strides = array<i32>} : memref<64x128xf32, #tpu.memory_space<vmem>>, vector<1x16xf32>,
      %get3A_719 = vector.shape_cast %get3A_718 : vector<1x16xf32> to vector<16xf32>
      %mul3A_720 = arith.mulf %sub3A_715, %get3A_719 : vector<16xf32>
      %add3A_721 = arith.addf %add3A_706, %mul3A_720 : vector<16xf32>
      %get3A_722 = arith.index_cast %add3A_689 : i32 to index
      %get3A_723 = arith.constant 32 : index
      %get3A_724 = tpu.vector_load %arg8[%get3A_722, %get3A_723] {strides = array<i32>} : memref<64x128xf32, #tpu.memory_space<vmem>>, vector<1x16xf32>,
      %get3A_725 = vector.shape_cast %get3A_724 : vector<1x16xf32> to vector<16xf32>
      %get3A_726 = arith.index_cast %add3A_689 : i32 to index
      %get3A_727 = arith.constant 32 : index
      %get3A_728 = tpu.vector_load %arg9[%get3A_726, %get3A_727] {strides = array<i32>} : memref<64x128xf32, #tpu.memory_space<vmem>>, vector<1x16xf32>,
      %get3A_729 = vector.shape_cast %get3A_728 : vector<1x16xf32> to vector<16xf32>
      %sub3A_730 = arith.subf %get3A_725, %get3A_729 : vector<16xf32>
      %get3A_731 = arith.index_cast %add3A_689 : i32 to index
      %get3A_732 = arith.constant 32 : index
      %get3A_733 = tpu.vector_load %arg10[%get3A_731, %get3A_732] {strides = array<i32>} : memref<64x128xf32, #tpu.memory_space<vmem>>, vector<1x16xf32>,
      %get3A_734 = vector.shape_cast %get3A_733 : vector<1x16xf32> to vector<16xf32>
      %mul3A_735 = arith.mulf %sub3A_730, %get3A_734 : vector<16xf32>
      %add3A_736 = arith.addf %add3A_721, %mul3A_735 : vector<16xf32>
      %get3A_737 = arith.index_cast %add3A_689 : i32 to index
      %get3A_738 = arith.constant 48 : index
      %get3A_739 = tpu.vector_load %arg8[%get3A_737, %get3A_738] {strides = array<i32>} : memref<64x128xf32, #tpu.memory_space<vmem>>, vector<1x16xf32>,
      %get3A_740 = vector.shape_cast %get3A_739 : vector<1x16xf32> to vector<16xf32>
      %get3A_741 = arith.index_cast %add3A_689 : i32 to index
      %get3A_742 = arith.constant 48 : index
      %get3A_743 = tpu.vector_load %arg9[%get3A_741, %get3A_742] {strides = array<i32>} : memref<64x128xf32, #tpu.memory_space<vmem>>, vector<1x16xf32>,
      %get3A_744 = vector.shape_cast %get3A_743 : vector<1x16xf32> to vector<16xf32>
      %sub3A_745 = arith.subf %get3A_740, %get3A_744 : vector<16xf32>
      %get3A_746 = arith.index_cast %add3A_689 : i32 to index
      %get3A_747 = arith.constant 48 : index
      %get3A_748 = tpu.vector_load %arg10[%get3A_746, %get3A_747] {strides = array<i32>} : memref<64x128xf32, #tpu.memory_space<vmem>>, vector<1x16xf32>,
      %get3A_749 = vector.shape_cast %get3A_748 : vector<1x16xf32> to vector<16xf32>
      %mul3A_750 = arith.mulf %sub3A_745, %get3A_749 : vector<16xf32>
      %add3A_751 = arith.addf %add3A_736, %mul3A_750 : vector<16xf32>
      %get3A_752 = arith.index_cast %add3A_689 : i32 to index
      %get3A_753 = arith.constant 64 : index
      %get3A_754 = tpu.vector_load %arg8[%get3A_752, %get3A_753] {strides = array<i32>} : memref<64x128xf32, #tpu.memory_space<vmem>>, vector<1x16xf32>,
      %get3A_755 = vector.shape_cast %get3A_754 : vector<1x16xf32> to vector<16xf32>
      %get3A_756 = arith.index_cast %add3A_689 : i32 to index
      %get3A_757 = arith.constant 64 : index
      %get3A_758 = tpu.vector_load %arg9[%get3A_756, %get3A_757] {strides = array<i32>} : memref<64x128xf32, #tpu.memory_space<vmem>>, vector<1x16xf32>,
      %get3A_759 = vector.shape_cast %get3A_758 : vector<1x16xf32> to vector<16xf32>
      %sub3A_760 = arith.subf %get3A_755, %get3A_759 : vector<16xf32>
      %get3A_761 = arith.index_cast %add3A_689 : i32 to index
      %get3A_762 = arith.constant 64 : index
      %get3A_763 = tpu.vector_load %arg10[%get3A_761, %get3A_762] {strides = array<i32>} : memref<64x128xf32, #tpu.memory_space<vmem>>, vector<1x16xf32>,
      %get3A_764 = vector.shape_cast %get3A_763 : vector<1x16xf32> to vector<16xf32>
      %mul3A_765 = arith.mulf %sub3A_760, %get3A_764 : vector<16xf32>
      %add3A_766 = arith.addf %add3A_751, %mul3A_765 : vector<16xf32>
      %get3A_767 = arith.index_cast %add3A_689 : i32 to index
      %get3A_768 = arith.constant 80 : index
      %get3A_769 = tpu.vector_load %arg8[%get3A_767, %get3A_768] {strides = array<i32>} : memref<64x128xf32, #tpu.memory_space<vmem>>, vector<1x16xf32>,
      %get3A_770 = vector.shape_cast %get3A_769 : vector<1x16xf32> to vector<16xf32>
      %get3A_771 = arith.index_cast %add3A_689 : i32 to index
      %get3A_772 = arith.constant 80 : index
      %get3A_773 = tpu.vector_load %arg9[%get3A_771, %get3A_772] {strides = array<i32>} : memref<64x128xf32, #tpu.memory_space<vmem>>, vector<1x16xf32>,
      %get3A_774 = vector.shape_cast %get3A_773 : vector<1x16xf32> to vector<16xf32>
      %sub3A_775 = arith.subf %get3A_770, %get3A_774 : vector<16xf32>
      %get3A_776 = arith.index_cast %add3A_689 : i32 to index
      %get3A_777 = arith.constant 80 : index
      %get3A_778 = tpu.vector_load %arg10[%get3A_776, %get3A_777] {strides = array<i32>} : memref<64x128xf32, #tpu.memory_space<vmem>>, vector<1x16xf32>,
      %get3A_779 = vector.shape_cast %get3A_778 : vector<1x16xf32> to vector<16xf32>
      %mul3A_780 = arith.mulf %sub3A_775, %get3A_779 : vector<16xf32>
      %add3A_781 = arith.addf %add3A_766, %mul3A_780 : vector<16xf32>
      %get3A_782 = arith.index_cast %add3A_689 : i32 to index
      %get3A_783 = arith.constant 96 : index
      %get3A_784 = tpu.vector_load %arg8[%get3A_782, %get3A_783] {strides = array<i32>} : memref<64x128xf32, #tpu.memory_space<vmem>>, vector<1x16xf32>,
      %get3A_785 = vector.shape_cast %get3A_784 : vector<1x16xf32> to vector<16xf32>
      %get3A_786 = arith.index_cast %add3A_689 : i32 to index
      %get3A_787 = arith.constant 96 : index
      %get3A_788 = tpu.vector_load %arg9[%get3A_786, %get3A_787] {strides = array<i32>} : memref<64x128xf32, #tpu.memory_space<vmem>>, vector<1x16xf32>,
      %get3A_789 = vector.shape_cast %get3A_788 : vector<1x16xf32> to vector<16xf32>
      %sub3A_790 = arith.subf %get3A_785, %get3A_789 : vector<16xf32>
      %get3A_791 = arith.index_cast %add3A_689 : i32 to index
      %get3A_792 = arith.constant 96 : index
      %get3A_793 = tpu.vector_load %arg10[%get3A_791, %get3A_792] {strides = array<i32>} : memref<64x128xf32, #tpu.memory_space<vmem>>, vector<1x16xf32>,
      %get3A_794 = vector.shape_cast %get3A_793 : vector<1x16xf32> to vector<16xf32>
      %mul3A_795 = arith.mulf %sub3A_790, %get3A_794 : vector<16xf32>
      %add3A_796 = arith.addf %add3A_781, %mul3A_795 : vector<16xf32>
      %get3A_797 = arith.index_cast %add3A_689 : i32 to index
      %get3A_798 = arith.constant 112 : index
      %get3A_799 = tpu.vector_load %arg8[%get3A_797, %get3A_798] {strides = array<i32>} : memref<64x128xf32, #tpu.memory_space<vmem>>, vector<1x16xf32>,
      %get3A_800 = vector.shape_cast %get3A_799 : vector<1x16xf32> to vector<16xf32>
      %get3A_801 = arith.index_cast %add3A_689 : i32 to index
      %get3A_802 = arith.constant 112 : index
      %get3A_803 = tpu.vector_load %arg9[%get3A_801, %get3A_802] {strides = array<i32>} : memref<64x128xf32, #tpu.memory_space<vmem>>, vector<1x16xf32>,
      %get3A_804 = vector.shape_cast %get3A_803 : vector<1x16xf32> to vector<16xf32>
      %sub3A_805 = arith.subf %get3A_800, %get3A_804 : vector<16xf32>
      %get3A_806 = arith.index_cast %add3A_689 : i32 to index
      %get3A_807 = arith.constant 112 : index
      %get3A_808 = tpu.vector_load %arg10[%get3A_806, %get3A_807] {strides = array<i32>} : memref<64x128xf32, #tpu.memory_space<vmem>>, vector<1x16xf32>,
      %get3A_809 = vector.shape_cast %get3A_808 : vector<1x16xf32> to vector<16xf32>
      %mul3A_810 = arith.mulf %sub3A_805, %get3A_809 : vector<16xf32>
      %add3A_811 = arith.addf %add3A_796, %mul3A_810 : vector<16xf32>
      %swap3A_812 = arith.constant 0 : index
      %swap3A_813 = tpu.vector_load %arg11[%swap3A_812] {strides = array<i32>} : memref<32xf32, #tpu.memory_space<vmem>>, vector<16xf32>,
      %swap3A_814 = vector.shape_cast %swap3A_813 : vector<16xf32> to vector<16xf32>
      %swap3A_815 = vector.shape_cast %add3A_811 : vector<16xf32> to vector<16xf32>
      tpu.vector_store %arg11[%swap3A_812], %swap3A_815 {strides = array<i32>} : memref<32xf32, #tpu.memory_space<vmem>>, vector<16xf32>,
      %get3A_816 = arith.constant 8 : index
      %get3A_817 = tpu.vector_load %arg11[%get3A_816] {strides = array<i32>} : memref<32xf32, #tpu.memory_space<vmem>>, vector<16xf32>,
      %get3A_818 = vector.shape_cast %get3A_817 : vector<16xf32> to vector<16xf32>
      %add3A_819 = arith.addf %add3A_811, %get3A_818 : vector<16xf32>
      %swap3A_820 = arith.constant 0 : index
      %swap3A_821 = tpu.vector_load %arg11[%swap3A_820] {strides = array<i32>} : memref<32xf32, #tpu.memory_space<vmem>>, vector<16xf32>,
      %swap3A_822 = vector.shape_cast %swap3A_821 : vector<16xf32> to vector<16xf32>
      %swap3A_823 = vector.shape_cast %add3A_819 : vector<16xf32> to vector<16xf32>
      tpu.vector_store %arg11[%swap3A_820], %swap3A_823 {strides = array<i32>} : memref<32xf32, #tpu.memory_space<vmem>>, vector<16xf32>,
      %get3A_824 = arith.constant 4 : index
      %get3A_825 = tpu.vector_load %arg11[%get3A_824] {strides = array<i32>} : memref<32xf32, #tpu.memory_space<vmem>>, vector<16xf32>,
      %get3A_826 = vector.shape_cast %get3A_825 : vector<16xf32> to vector<16xf32>
      %add3A_827 = arith.addf %add3A_819, %get3A_826 : vector<16xf32>
      %swap3A_828 = arith.constant 0 : index
      %swap3A_829 = tpu.vector_load %arg11[%swap3A_828] {strides = array<i32>} : memref<32xf32, #tpu.memory_space<vmem>>, vector<16xf32>,
      %swap3A_830 = vector.shape_cast %swap3A_829 : vector<16xf32> to vector<16xf32>
      %swap3A_831 = vector.shape_cast %add3A_827 : vector<16xf32> to vector<16xf32>
      tpu.vector_store %arg11[%swap3A_828], %swap3A_831 {strides = array<i32>} : memref<32xf32, #tpu.memory_space<vmem>>, vector<16xf32>,
      %get3A_832 = arith.constant 2 : index
      %get3A_833 = tpu.vector_load %arg11[%get3A_832] {strides = array<i32>} : memref<32xf32, #tpu.memory_space<vmem>>, vector<16xf32>,
      %get3A_834 = vector.shape_cast %get3A_833 : vector<16xf32> to vector<16xf32>
      %add3A_835 = arith.addf %add3A_827, %get3A_834 : vector<16xf32>
      %swap3A_836 = arith.constant 0 : index
      %swap3A_837 = tpu.vector_load %arg11[%swap3A_836] {strides = array<i32>} : memref<32xf32, #tpu.memory_space<vmem>>, vector<16xf32>,
      %swap3A_838 = vector.shape_cast %swap3A_837 : vector<16xf32> to vector<16xf32>
      %swap3A_839 = vector.shape_cast %add3A_835 : vector<16xf32> to vector<16xf32>
      tpu.vector_store %arg11[%swap3A_836], %swap3A_839 {strides = array<i32>} : memref<32xf32, #tpu.memory_space<vmem>>, vector<16xf32>,
      %get3A_840 = arith.constant 1 : index
      %get3A_841 = tpu.vector_load %arg11[%get3A_840] {strides = array<i32>} : memref<32xf32, #tpu.memory_space<vmem>>, vector<16xf32>,
      %get3A_842 = vector.shape_cast %get3A_841 : vector<16xf32> to vector<16xf32>
      %add3A_843 = arith.addf %add3A_835, %get3A_842 : vector<16xf32>
      %eq3A_844 = arith.constant 4 : i32
      %eq3A_845 = vector.broadcast %eq3A_844 : i32 to vector<16xi32>
      %eq3A_846 = arith.cmpi eq, %iota3A, %eq3A_845 : vector<16xi32>
      %slice3A_847 = vector.extract_strided_slice %add3A_843 {offsets = [0], sizes = [1], strides = [1]} : vector<16xf32> to vector<1xf32>
      %squeeze3A_848 = vector.extract %slice3A_847[0] : f32 from vector<1xf32>
      %broadcast_in_dim3A_849 = vector.broadcast %squeeze3A_848 : f32 to vector<16xf32>
      %select_n3A_850 = arith.select %eq3A_846, %broadcast_in_dim3A_849, %select_n3A_685 : vector<16xi1>, vector<16xf32>
      %mul3A_851 = arith.constant 16 : i32
      %mul3A_852 = arith.muli %scan3A_28, %mul3A_851 : i32
      %add3A_853 = arith.constant 5 : i32
      %add3A_854 = arith.addi %mul3A_852, %add3A_853 : i32
      %broadcast_in_dim3A_855 = arith.constant 0.000000e+00 : f32
      %broadcast_in_dim3A_856 = vector.broadcast %broadcast_in_dim3A_855 : f32 to vector<16xf32>
      %get3A_857 = arith.index_cast %add3A_854 : i32 to index
      %get3A_858 = arith.constant 0 : index
      %get3A_859 = tpu.vector_load %arg8[%get3A_857, %get3A_858] {strides = array<i32>} : memref<64x128xf32, #tpu.memory_space<vmem>>, vector<1x16xf32>,
      %get3A_860 = vector.shape_cast %get3A_859 : vector<1x16xf32> to vector<16xf32>
      %get3A_861 = arith.index_cast %add3A_854 : i32 to index
      %get3A_862 = arith.constant 0 : index
      %get3A_863 = tpu.vector_load %arg9[%get3A_861, %get3A_862] {strides = array<i32>} : memref<64x128xf32, #tpu.memory_space<vmem>>, vector<1x16xf32>,
      %get3A_864 = vector.shape_cast %get3A_863 : vector<1x16xf32> to vector<16xf32>
      %sub3A_865 = arith.subf %get3A_860, %get3A_864 : vector<16xf32>
      %get3A_866 = arith.index_cast %add3A_854 : i32 to index
      %get3A_867 = arith.constant 0 : index
      %get3A_868 = tpu.vector_load %arg10[%get3A_866, %get3A_867] {strides = array<i32>} : memref<64x128xf32, #tpu.memory_space<vmem>>, vector<1x16xf32>,
      %get3A_869 = vector.shape_cast %get3A_868 : vector<1x16xf32> to vector<16xf32>
      %mul3A_870 = arith.mulf %sub3A_865, %get3A_869 : vector<16xf32>
      %add3A_871 = arith.addf %broadcast_in_dim3A_856, %mul3A_870 : vector<16xf32>
      %get3A_872 = arith.index_cast %add3A_854 : i32 to index
      %get3A_873 = arith.constant 16 : index
      %get3A_874 = tpu.vector_load %arg8[%get3A_872, %get3A_873] {strides = array<i32>} : memref<64x128xf32, #tpu.memory_space<vmem>>, vector<1x16xf32>,
      %get3A_875 = vector.shape_cast %get3A_874 : vector<1x16xf32> to vector<16xf32>
      %get3A_876 = arith.index_cast %add3A_854 : i32 to index
      %get3A_877 = arith.constant 16 : index
      %get3A_878 = tpu.vector_load %arg9[%get3A_876, %get3A_877] {strides = array<i32>} : memref<64x128xf32, #tpu.memory_space<vmem>>, vector<1x16xf32>,
      %get3A_879 = vector.shape_cast %get3A_878 : vector<1x16xf32> to vector<16xf32>
      %sub3A_880 = arith.subf %get3A_875, %get3A_879 : vector<16xf32>
      %get3A_881 = arith.index_cast %add3A_854 : i32 to index
      %get3A_882 = arith.constant 16 : index
      %get3A_883 = tpu.vector_load %arg10[%get3A_881, %get3A_882] {strides = array<i32>} : memref<64x128xf32, #tpu.memory_space<vmem>>, vector<1x16xf32>,
      %get3A_884 = vector.shape_cast %get3A_883 : vector<1x16xf32> to vector<16xf32>
      %mul3A_885 = arith.mulf %sub3A_880, %get3A_884 : vector<16xf32>
      %add3A_886 = arith.addf %add3A_871, %mul3A_885 : vector<16xf32>
      %get3A_887 = arith.index_cast %add3A_854 : i32 to index
      %get3A_888 = arith.constant 32 : index
      %get3A_889 = tpu.vector_load %arg8[%get3A_887, %get3A_888] {strides = array<i32>} : memref<64x128xf32, #tpu.memory_space<vmem>>, vector<1x16xf32>,
      %get3A_890 = vector.shape_cast %get3A_889 : vector<1x16xf32> to vector<16xf32>
      %get3A_891 = arith.index_cast %add3A_854 : i32 to index
      %get3A_892 = arith.constant 32 : index
      %get3A_893 = tpu.vector_load %arg9[%get3A_891, %get3A_892] {strides = array<i32>} : memref<64x128xf32, #tpu.memory_space<vmem>>, vector<1x16xf32>,
      %get3A_894 = vector.shape_cast %get3A_893 : vector<1x16xf32> to vector<16xf32>
      %sub3A_895 = arith.subf %get3A_890, %get3A_894 : vector<16xf32>
      %get3A_896 = arith.index_cast %add3A_854 : i32 to index
      %get3A_897 = arith.constant 32 : index
      %get3A_898 = tpu.vector_load %arg10[%get3A_896, %get3A_897] {strides = array<i32>} : memref<64x128xf32, #tpu.memory_space<vmem>>, vector<1x16xf32>,
      %get3A_899 = vector.shape_cast %get3A_898 : vector<1x16xf32> to vector<16xf32>
      %mul3A_900 = arith.mulf %sub3A_895, %get3A_899 : vector<16xf32>
      %add3A_901 = arith.addf %add3A_886, %mul3A_900 : vector<16xf32>
      %get3A_902 = arith.index_cast %add3A_854 : i32 to index
      %get3A_903 = arith.constant 48 : index
      %get3A_904 = tpu.vector_load %arg8[%get3A_902, %get3A_903] {strides = array<i32>} : memref<64x128xf32, #tpu.memory_space<vmem>>, vector<1x16xf32>,
      %get3A_905 = vector.shape_cast %get3A_904 : vector<1x16xf32> to vector<16xf32>
      %get3A_906 = arith.index_cast %add3A_854 : i32 to index
      %get3A_907 = arith.constant 48 : index
      %get3A_908 = tpu.vector_load %arg9[%get3A_906, %get3A_907] {strides = array<i32>} : memref<64x128xf32, #tpu.memory_space<vmem>>, vector<1x16xf32>,
      %get3A_909 = vector.shape_cast %get3A_908 : vector<1x16xf32> to vector<16xf32>
      %sub3A_910 = arith.subf %get3A_905, %get3A_909 : vector<16xf32>
      %get3A_911 = arith.index_cast %add3A_854 : i32 to index
      %get3A_912 = arith.constant 48 : index
      %get3A_913 = tpu.vector_load %arg10[%get3A_911, %get3A_912] {strides = array<i32>} : memref<64x128xf32, #tpu.memory_space<vmem>>, vector<1x16xf32>,
      %get3A_914 = vector.shape_cast %get3A_913 : vector<1x16xf32> to vector<16xf32>
      %mul3A_915 = arith.mulf %sub3A_910, %get3A_914 : vector<16xf32>
      %add3A_916 = arith.addf %add3A_901, %mul3A_915 : vector<16xf32>
      %get3A_917 = arith.index_cast %add3A_854 : i32 to index
      %get3A_918 = arith.constant 64 : index
      %get3A_919 = tpu.vector_load %arg8[%get3A_917, %get3A_918] {strides = array<i32>} : memref<64x128xf32, #tpu.memory_space<vmem>>, vector<1x16xf32>,
      %get3A_920 = vector.shape_cast %get3A_919 : vector<1x16xf32> to vector<16xf32>
      %get3A_921 = arith.index_cast %add3A_854 : i32 to index
      %get3A_922 = arith.constant 64 : index
      %get3A_923 = tpu.vector_load %arg9[%get3A_921, %get3A_922] {strides = array<i32>} : memref<64x128xf32, #tpu.memory_space<vmem>>, vector<1x16xf32>,
      %get3A_924 = vector.shape_cast %get3A_923 : vector<1x16xf32> to vector<16xf32>
      %sub3A_925 = arith.subf %get3A_920, %get3A_924 : vector<16xf32>
      %get3A_926 = arith.index_cast %add3A_854 : i32 to index
      %get3A_927 = arith.constant 64 : index
      %get3A_928 = tpu.vector_load %arg10[%get3A_926, %get3A_927] {strides = array<i32>} : memref<64x128xf32, #tpu.memory_space<vmem>>, vector<1x16xf32>,
      %get3A_929 = vector.shape_cast %get3A_928 : vector<1x16xf32> to vector<16xf32>
      %mul3A_930 = arith.mulf %sub3A_925, %get3A_929 : vector<16xf32>
      %add3A_931 = arith.addf %add3A_916, %mul3A_930 : vector<16xf32>
      %get3A_932 = arith.index_cast %add3A_854 : i32 to index
      %get3A_933 = arith.constant 80 : index
      %get3A_934 = tpu.vector_load %arg8[%get3A_932, %get3A_933] {strides = array<i32>} : memref<64x128xf32, #tpu.memory_space<vmem>>, vector<1x16xf32>,
      %get3A_935 = vector.shape_cast %get3A_934 : vector<1x16xf32> to vector<16xf32>
      %get3A_936 = arith.index_cast %add3A_854 : i32 to index
      %get3A_937 = arith.constant 80 : index
      %get3A_938 = tpu.vector_load %arg9[%get3A_936, %get3A_937] {strides = array<i32>} : memref<64x128xf32, #tpu.memory_space<vmem>>, vector<1x16xf32>,
      %get3A_939 = vector.shape_cast %get3A_938 : vector<1x16xf32> to vector<16xf32>
      %sub3A_940 = arith.subf %get3A_935, %get3A_939 : vector<16xf32>
      %get3A_941 = arith.index_cast %add3A_854 : i32 to index
      %get3A_942 = arith.constant 80 : index
      %get3A_943 = tpu.vector_load %arg10[%get3A_941, %get3A_942] {strides = array<i32>} : memref<64x128xf32, #tpu.memory_space<vmem>>, vector<1x16xf32>,
      %get3A_944 = vector.shape_cast %get3A_943 : vector<1x16xf32> to vector<16xf32>
      %mul3A_945 = arith.mulf %sub3A_940, %get3A_944 : vector<16xf32>
      %add3A_946 = arith.addf %add3A_931, %mul3A_945 : vector<16xf32>
      %get3A_947 = arith.index_cast %add3A_854 : i32 to index
      %get3A_948 = arith.constant 96 : index
      %get3A_949 = tpu.vector_load %arg8[%get3A_947, %get3A_948] {strides = array<i32>} : memref<64x128xf32, #tpu.memory_space<vmem>>, vector<1x16xf32>,
      %get3A_950 = vector.shape_cast %get3A_949 : vector<1x16xf32> to vector<16xf32>
      %get3A_951 = arith.index_cast %add3A_854 : i32 to index
      %get3A_952 = arith.constant 96 : index
      %get3A_953 = tpu.vector_load %arg9[%get3A_951, %get3A_952] {strides = array<i32>} : memref<64x128xf32, #tpu.memory_space<vmem>>, vector<1x16xf32>,
      %get3A_954 = vector.shape_cast %get3A_953 : vector<1x16xf32> to vector<16xf32>
      %sub3A_955 = arith.subf %get3A_950, %get3A_954 : vector<16xf32>
      %get3A_956 = arith.index_cast %add3A_854 : i32 to index
      %get3A_957 = arith.constant 96 : index
      %get3A_958 = tpu.vector_load %arg10[%get3A_956, %get3A_957] {strides = array<i32>} : memref<64x128xf32, #tpu.memory_space<vmem>>, vector<1x16xf32>,
      %get3A_959 = vector.shape_cast %get3A_958 : vector<1x16xf32> to vector<16xf32>
      %mul3A_960 = arith.mulf %sub3A_955, %get3A_959 : vector<16xf32>
      %add3A_961 = arith.addf %add3A_946, %mul3A_960 : vector<16xf32>
      %get3A_962 = arith.index_cast %add3A_854 : i32 to index
      %get3A_963 = arith.constant 112 : index
      %get3A_964 = tpu.vector_load %arg8[%get3A_962, %get3A_963] {strides = array<i32>} : memref<64x128xf32, #tpu.memory_space<vmem>>, vector<1x16xf32>,
      %get3A_965 = vector.shape_cast %get3A_964 : vector<1x16xf32> to vector<16xf32>
      %get3A_966 = arith.index_cast %add3A_854 : i32 to index
      %get3A_967 = arith.constant 112 : index
      %get3A_968 = tpu.vector_load %arg9[%get3A_966, %get3A_967] {strides = array<i32>} : memref<64x128xf32, #tpu.memory_space<vmem>>, vector<1x16xf32>,
      %get3A_969 = vector.shape_cast %get3A_968 : vector<1x16xf32> to vector<16xf32>
      %sub3A_970 = arith.subf %get3A_965, %get3A_969 : vector<16xf32>
      %get3A_971 = arith.index_cast %add3A_854 : i32 to index
      %get3A_972 = arith.constant 112 : index
      %get3A_973 = tpu.vector_load %arg10[%get3A_971, %get3A_972] {strides = array<i32>} : memref<64x128xf32, #tpu.memory_space<vmem>>, vector<1x16xf32>,
      %get3A_974 = vector.shape_cast %get3A_973 : vector<1x16xf32> to vector<16xf32>
      %mul3A_975 = arith.mulf %sub3A_970, %get3A_974 : vector<16xf32>
      %add3A_976 = arith.addf %add3A_961, %mul3A_975 : vector<16xf32>
      %swap3A_977 = arith.constant 0 : index
      %swap3A_978 = tpu.vector_load %arg11[%swap3A_977] {strides = array<i32>} : memref<32xf32, #tpu.memory_space<vmem>>, vector<16xf32>,
      %swap3A_979 = vector.shape_cast %swap3A_978 : vector<16xf32> to vector<16xf32>
      %swap3A_980 = vector.shape_cast %add3A_976 : vector<16xf32> to vector<16xf32>
      tpu.vector_store %arg11[%swap3A_977], %swap3A_980 {strides = array<i32>} : memref<32xf32, #tpu.memory_space<vmem>>, vector<16xf32>,
      %get3A_981 = arith.constant 8 : index
      %get3A_982 = tpu.vector_load %arg11[%get3A_981] {strides = array<i32>} : memref<32xf32, #tpu.memory_space<vmem>>, vector<16xf32>,
      %get3A_983 = vector.shape_cast %get3A_982 : vector<16xf32> to vector<16xf32>
      %add3A_984 = arith.addf %add3A_976, %get3A_983 : vector<16xf32>
      %swap3A_985 = arith.constant 0 : index
      %swap3A_986 = tpu.vector_load %arg11[%swap3A_985] {strides = array<i32>} : memref<32xf32, #tpu.memory_space<vmem>>, vector<16xf32>,
      %swap3A_987 = vector.shape_cast %swap3A_986 : vector<16xf32> to vector<16xf32>
      %swap3A_988 = vector.shape_cast %add3A_984 : vector<16xf32> to vector<16xf32>
      tpu.vector_store %arg11[%swap3A_985], %swap3A_988 {strides = array<i32>} : memref<32xf32, #tpu.memory_space<vmem>>, vector<16xf32>,
      %get3A_989 = arith.constant 4 : index
      %get3A_990 = tpu.vector_load %arg11[%get3A_989] {strides = array<i32>} : memref<32xf32, #tpu.memory_space<vmem>>, vector<16xf32>,
      %get3A_991 = vector.shape_cast %get3A_990 : vector<16xf32> to vector<16xf32>
      %add3A_992 = arith.addf %add3A_984, %get3A_991 : vector<16xf32>
      %swap3A_993 = arith.constant 0 : index
      %swap3A_994 = tpu.vector_load %arg11[%swap3A_993] {strides = array<i32>} : memref<32xf32, #tpu.memory_space<vmem>>, vector<16xf32>,
      %swap3A_995 = vector.shape_cast %swap3A_994 : vector<16xf32> to vector<16xf32>
      %swap3A_996 = vector.shape_cast %add3A_992 : vector<16xf32> to vector<16xf32>
      tpu.vector_store %arg11[%swap3A_993], %swap3A_996 {strides = array<i32>} : memref<32xf32, #tpu.memory_space<vmem>>, vector<16xf32>,
      %get3A_997 = arith.constant 2 : index
      %get3A_998 = tpu.vector_load %arg11[%get3A_997] {strides = array<i32>} : memref<32xf32, #tpu.memory_space<vmem>>, vector<16xf32>,
      %get3A_999 = vector.shape_cast %get3A_998 : vector<16xf32> to vector<16xf32>
      %add3A_1000 = arith.addf %add3A_992, %get3A_999 : vector<16xf32>
      %swap3A_1001 = arith.constant 0 : index
      %swap3A_1002 = tpu.vector_load %arg11[%swap3A_1001] {strides = array<i32>} : memref<32xf32, #tpu.memory_space<vmem>>, vector<16xf32>,
      %swap3A_1003 = vector.shape_cast %swap3A_1002 : vector<16xf32> to vector<16xf32>
      %swap3A_1004 = vector.shape_cast %add3A_1000 : vector<16xf32> to vector<16xf32>
      tpu.vector_store %arg11[%swap3A_1001], %swap3A_1004 {strides = array<i32>} : memref<32xf32, #tpu.memory_space<vmem>>, vector<16xf32>,
      %get3A_1005 = arith.constant 1 : index
      %get3A_1006 = tpu.vector_load %arg11[%get3A_1005] {strides = array<i32>} : memref<32xf32, #tpu.memory_space<vmem>>, vector<16xf32>,
      %get3A_1007 = vector.shape_cast %get3A_1006 : vector<16xf32> to vector<16xf32>
      %add3A_1008 = arith.addf %add3A_1000, %get3A_1007 : vector<16xf32>
      %eq3A_1009 = arith.constant 5 : i32
      %eq3A_1010 = vector.broadcast %eq3A_1009 : i32 to vector<16xi32>
      %eq3A_1011 = arith.cmpi eq, %iota3A, %eq3A_1010 : vector<16xi32>
      %slice3A_1012 = vector.extract_strided_slice %add3A_1008 {offsets = [0], sizes = [1], strides = [1]} : vector<16xf32> to vector<1xf32>
      %squeeze3A_1013 = vector.extract %slice3A_1012[0] : f32 from vector<1xf32>
      %broadcast_in_dim3A_1014 = vector.broadcast %squeeze3A_1013 : f32 to vector<16xf32>
      %select_n3A_1015 = arith.select %eq3A_1011, %broadcast_in_dim3A_1014, %select_n3A_850 : vector<16xi1>, vector<16xf32>
      %mul3A_1016 = arith.constant 16 : i32
      %mul3A_1017 = arith.muli %scan3A_28, %mul3A_1016 : i32
      %add3A_1018 = arith.constant 6 : i32
      %add3A_1019 = arith.addi %mul3A_1017, %add3A_1018 : i32
      %broadcast_in_dim3A_1020 = arith.constant 0.000000e+00 : f32
      %broadcast_in_dim3A_1021 = vector.broadcast %broadcast_in_dim3A_1020 : f32 to vector<16xf32>
      %get3A_1022 = arith.index_cast %add3A_1019 : i32 to index
      %get3A_1023 = arith.constant 0 : index
      %get3A_1024 = tpu.vector_load %arg8[%get3A_1022, %get3A_1023] {strides = array<i32>} : memref<64x128xf32, #tpu.memory_space<vmem>>, vector<1x16xf32>,
      %get3A_1025 = vector.shape_cast %get3A_1024 : vector<1x16xf32> to vector<16xf32>
      %get3A_1026 = arith.index_cast %add3A_1019 : i32 to index
      %get3A_1027 = arith.constant 0 : index
      %get3A_1028 = tpu.vector_load %arg9[%get3A_1026, %get3A_1027] {strides = array<i32>} : memref<64x128xf32, #tpu.memory_space<vmem>>, vector<1x16xf32>,
      %get3A_1029 = vector.shape_cast %get3A_1028 : vector<1x16xf32> to vector<16xf32>
      %sub3A_1030 = arith.subf %get3A_1025, %get3A_1029 : vector<16xf32>
      %get3A_1031 = arith.index_cast %add3A_1019 : i32 to index
      %get3A_1032 = arith.constant 0 : index
      %get3A_1033 = tpu.vector_load %arg10[%get3A_1031, %get3A_1032] {strides = array<i32>} : memref<64x128xf32, #tpu.memory_space<vmem>>, vector<1x16xf32>,
      %get3A_1034 = vector.shape_cast %get3A_1033 : vector<1x16xf32> to vector<16xf32>
      %mul3A_1035 = arith.mulf %sub3A_1030, %get3A_1034 : vector<16xf32>
      %add3A_1036 = arith.addf %broadcast_in_dim3A_1021, %mul3A_1035 : vector<16xf32>
      %get3A_1037 = arith.index_cast %add3A_1019 : i32 to index
      %get3A_1038 = arith.constant 16 : index
      %get3A_1039 = tpu.vector_load %arg8[%get3A_1037, %get3A_1038] {strides = array<i32>} : memref<64x128xf32, #tpu.memory_space<vmem>>, vector<1x16xf32>,
      %get3A_1040 = vector.shape_cast %get3A_1039 : vector<1x16xf32> to vector<16xf32>
      %get3A_1041 = arith.index_cast %add3A_1019 : i32 to index
      %get3A_1042 = arith.constant 16 : index
      %get3A_1043 = tpu.vector_load %arg9[%get3A_1041, %get3A_1042] {strides = array<i32>} : memref<64x128xf32, #tpu.memory_space<vmem>>, vector<1x16xf32>,
      %get3A_1044 = vector.shape_cast %get3A_1043 : vector<1x16xf32> to vector<16xf32>
      %sub3A_1045 = arith.subf %get3A_1040, %get3A_1044 : vector<16xf32>
      %get3A_1046 = arith.index_cast %add3A_1019 : i32 to index
      %get3A_1047 = arith.constant 16 : index
      %get3A_1048 = tpu.vector_load %arg10[%get3A_1046, %get3A_1047] {strides = array<i32>} : memref<64x128xf32, #tpu.memory_space<vmem>>, vector<1x16xf32>,
      %get3A_1049 = vector.shape_cast %get3A_1048 : vector<1x16xf32> to vector<16xf32>
      %mul3A_1050 = arith.mulf %sub3A_1045, %get3A_1049 : vector<16xf32>
      %add3A_1051 = arith.addf %add3A_1036, %mul3A_1050 : vector<16xf32>
      %get3A_1052 = arith.index_cast %add3A_1019 : i32 to index
      %get3A_1053 = arith.constant 32 : index
      %get3A_1054 = tpu.vector_load %arg8[%get3A_1052, %get3A_1053] {strides = array<i32>} : memref<64x128xf32, #tpu.memory_space<vmem>>, vector<1x16xf32>,
      %get3A_1055 = vector.shape_cast %get3A_1054 : vector<1x16xf32> to vector<16xf32>
      %get3A_1056 = arith.index_cast %add3A_1019 : i32 to index
      %get3A_1057 = arith.constant 32 : index
      %get3A_1058 = tpu.vector_load %arg9[%get3A_1056, %get3A_1057] {strides = array<i32>} : memref<64x128xf32, #tpu.memory_space<vmem>>, vector<1x16xf32>,
      %get3A_1059 = vector.shape_cast %get3A_1058 : vector<1x16xf32> to vector<16xf32>
      %sub3A_1060 = arith.subf %get3A_1055, %get3A_1059 : vector<16xf32>
      %get3A_1061 = arith.index_cast %add3A_1019 : i32 to index
      %get3A_1062 = arith.constant 32 : index
      %get3A_1063 = tpu.vector_load %arg10[%get3A_1061, %get3A_1062] {strides = array<i32>} : memref<64x128xf32, #tpu.memory_space<vmem>>, vector<1x16xf32>,
      %get3A_1064 = vector.shape_cast %get3A_1063 : vector<1x16xf32> to vector<16xf32>
      %mul3A_1065 = arith.mulf %sub3A_1060, %get3A_1064 : vector<16xf32>
      %add3A_1066 = arith.addf %add3A_1051, %mul3A_1065 : vector<16xf32>
      %get3A_1067 = arith.index_cast %add3A_1019 : i32 to index
      %get3A_1068 = arith.constant 48 : index
      %get3A_1069 = tpu.vector_load %arg8[%get3A_1067, %get3A_1068] {strides = array<i32>} : memref<64x128xf32, #tpu.memory_space<vmem>>, vector<1x16xf32>,
      %get3A_1070 = vector.shape_cast %get3A_1069 : vector<1x16xf32> to vector<16xf32>
      %get3A_1071 = arith.index_cast %add3A_1019 : i32 to index
      %get3A_1072 = arith.constant 48 : index
      %get3A_1073 = tpu.vector_load %arg9[%get3A_1071, %get3A_1072] {strides = array<i32>} : memref<64x128xf32, #tpu.memory_space<vmem>>, vector<1x16xf32>,
      %get3A_1074 = vector.shape_cast %get3A_1073 : vector<1x16xf32> to vector<16xf32>
      %sub3A_1075 = arith.subf %get3A_1070, %get3A_1074 : vector<16xf32>
      %get3A_1076 = arith.index_cast %add3A_1019 : i32 to index
      %get3A_1077 = arith.constant 48 : index
      %get3A_1078 = tpu.vector_load %arg10[%get3A_1076, %get3A_1077] {strides = array<i32>} : memref<64x128xf32, #tpu.memory_space<vmem>>, vector<1x16xf32>,
      %get3A_1079 = vector.shape_cast %get3A_1078 : vector<1x16xf32> to vector<16xf32>
      %mul3A_1080 = arith.mulf %sub3A_1075, %get3A_1079 : vector<16xf32>
      %add3A_1081 = arith.addf %add3A_1066, %mul3A_1080 : vector<16xf32>
      %get3A_1082 = arith.index_cast %add3A_1019 : i32 to index
      %get3A_1083 = arith.constant 64 : index
      %get3A_1084 = tpu.vector_load %arg8[%get3A_1082, %get3A_1083] {strides = array<i32>} : memref<64x128xf32, #tpu.memory_space<vmem>>, vector<1x16xf32>,
      %get3A_1085 = vector.shape_cast %get3A_1084 : vector<1x16xf32> to vector<16xf32>
      %get3A_1086 = arith.index_cast %add3A_1019 : i32 to index
      %get3A_1087 = arith.constant 64 : index
      %get3A_1088 = tpu.vector_load %arg9[%get3A_1086, %get3A_1087] {strides = array<i32>} : memref<64x128xf32, #tpu.memory_space<vmem>>, vector<1x16xf32>,
      %get3A_1089 = vector.shape_cast %get3A_1088 : vector<1x16xf32> to vector<16xf32>
      %sub3A_1090 = arith.subf %get3A_1085, %get3A_1089 : vector<16xf32>
      %get3A_1091 = arith.index_cast %add3A_1019 : i32 to index
      %get3A_1092 = arith.constant 64 : index
      %get3A_1093 = tpu.vector_load %arg10[%get3A_1091, %get3A_1092] {strides = array<i32>} : memref<64x128xf32, #tpu.memory_space<vmem>>, vector<1x16xf32>,
      %get3A_1094 = vector.shape_cast %get3A_1093 : vector<1x16xf32> to vector<16xf32>
      %mul3A_1095 = arith.mulf %sub3A_1090, %get3A_1094 : vector<16xf32>
      %add3A_1096 = arith.addf %add3A_1081, %mul3A_1095 : vector<16xf32>
      %get3A_1097 = arith.index_cast %add3A_1019 : i32 to index
      %get3A_1098 = arith.constant 80 : index
      %get3A_1099 = tpu.vector_load %arg8[%get3A_1097, %get3A_1098] {strides = array<i32>} : memref<64x128xf32, #tpu.memory_space<vmem>>, vector<1x16xf32>,
      %get3A_1100 = vector.shape_cast %get3A_1099 : vector<1x16xf32> to vector<16xf32>
      %get3A_1101 = arith.index_cast %add3A_1019 : i32 to index
      %get3A_1102 = arith.constant 80 : index
      %get3A_1103 = tpu.vector_load %arg9[%get3A_1101, %get3A_1102] {strides = array<i32>} : memref<64x128xf32, #tpu.memory_space<vmem>>, vector<1x16xf32>,
      %get3A_1104 = vector.shape_cast %get3A_1103 : vector<1x16xf32> to vector<16xf32>
      %sub3A_1105 = arith.subf %get3A_1100, %get3A_1104 : vector<16xf32>
      %get3A_1106 = arith.index_cast %add3A_1019 : i32 to index
      %get3A_1107 = arith.constant 80 : index
      %get3A_1108 = tpu.vector_load %arg10[%get3A_1106, %get3A_1107] {strides = array<i32>} : memref<64x128xf32, #tpu.memory_space<vmem>>, vector<1x16xf32>,
      %get3A_1109 = vector.shape_cast %get3A_1108 : vector<1x16xf32> to vector<16xf32>
      %mul3A_1110 = arith.mulf %sub3A_1105, %get3A_1109 : vector<16xf32>
      %add3A_1111 = arith.addf %add3A_1096, %mul3A_1110 : vector<16xf32>
      %get3A_1112 = arith.index_cast %add3A_1019 : i32 to index
      %get3A_1113 = arith.constant 96 : index
      %get3A_1114 = tpu.vector_load %arg8[%get3A_1112, %get3A_1113] {strides = array<i32>} : memref<64x128xf32, #tpu.memory_space<vmem>>, vector<1x16xf32>,
      %get3A_1115 = vector.shape_cast %get3A_1114 : vector<1x16xf32> to vector<16xf32>
      %get3A_1116 = arith.index_cast %add3A_1019 : i32 to index
      %get3A_1117 = arith.constant 96 : index
      %get3A_1118 = tpu.vector_load %arg9[%get3A_1116, %get3A_1117] {strides = array<i32>} : memref<64x128xf32, #tpu.memory_space<vmem>>, vector<1x16xf32>,
      %get3A_1119 = vector.shape_cast %get3A_1118 : vector<1x16xf32> to vector<16xf32>
      %sub3A_1120 = arith.subf %get3A_1115, %get3A_1119 : vector<16xf32>
      %get3A_1121 = arith.index_cast %add3A_1019 : i32 to index
      %get3A_1122 = arith.constant 96 : index
      %get3A_1123 = tpu.vector_load %arg10[%get3A_1121, %get3A_1122] {strides = array<i32>} : memref<64x128xf32, #tpu.memory_space<vmem>>, vector<1x16xf32>,
      %get3A_1124 = vector.shape_cast %get3A_1123 : vector<1x16xf32> to vector<16xf32>
      %mul3A_1125 = arith.mulf %sub3A_1120, %get3A_1124 : vector<16xf32>
      %add3A_1126 = arith.addf %add3A_1111, %mul3A_1125 : vector<16xf32>
      %get3A_1127 = arith.index_cast %add3A_1019 : i32 to index
      %get3A_1128 = arith.constant 112 : index
      %get3A_1129 = tpu.vector_load %arg8[%get3A_1127, %get3A_1128] {strides = array<i32>} : memref<64x128xf32, #tpu.memory_space<vmem>>, vector<1x16xf32>,
      %get3A_1130 = vector.shape_cast %get3A_1129 : vector<1x16xf32> to vector<16xf32>
      %get3A_1131 = arith.index_cast %add3A_1019 : i32 to index
      %get3A_1132 = arith.constant 112 : index
      %get3A_1133 = tpu.vector_load %arg9[%get3A_1131, %get3A_1132] {strides = array<i32>} : memref<64x128xf32, #tpu.memory_space<vmem>>, vector<1x16xf32>,
      %get3A_1134 = vector.shape_cast %get3A_1133 : vector<1x16xf32> to vector<16xf32>
      %sub3A_1135 = arith.subf %get3A_1130, %get3A_1134 : vector<16xf32>
      %get3A_1136 = arith.index_cast %add3A_1019 : i32 to index
      %get3A_1137 = arith.constant 112 : index
      %get3A_1138 = tpu.vector_load %arg10[%get3A_1136, %get3A_1137] {strides = array<i32>} : memref<64x128xf32, #tpu.memory_space<vmem>>, vector<1x16xf32>,
      %get3A_1139 = vector.shape_cast %get3A_1138 : vector<1x16xf32> to vector<16xf32>
      %mul3A_1140 = arith.mulf %sub3A_1135, %get3A_1139 : vector<16xf32>
      %add3A_1141 = arith.addf %add3A_1126, %mul3A_1140 : vector<16xf32>
      %swap3A_1142 = arith.constant 0 : index
      %swap3A_1143 = tpu.vector_load %arg11[%swap3A_1142] {strides = array<i32>} : memref<32xf32, #tpu.memory_space<vmem>>, vector<16xf32>,
      %swap3A_1144 = vector.shape_cast %swap3A_1143 : vector<16xf32> to vector<16xf32>
      %swap3A_1145 = vector.shape_cast %add3A_1141 : vector<16xf32> to vector<16xf32>
      tpu.vector_store %arg11[%swap3A_1142], %swap3A_1145 {strides = array<i32>} : memref<32xf32, #tpu.memory_space<vmem>>, vector<16xf32>,
      %get3A_1146 = arith.constant 8 : index
      %get3A_1147 = tpu.vector_load %arg11[%get3A_1146] {strides = array<i32>} : memref<32xf32, #tpu.memory_space<vmem>>, vector<16xf32>,
      %get3A_1148 = vector.shape_cast %get3A_1147 : vector<16xf32> to vector<16xf32>
      %add3A_1149 = arith.addf %add3A_1141, %get3A_1148 : vector<16xf32>
      %swap3A_1150 = arith.constant 0 : index
      %swap3A_1151 = tpu.vector_load %arg11[%swap3A_1150] {strides = array<i32>} : memref<32xf32, #tpu.memory_space<vmem>>, vector<16xf32>,
      %swap3A_1152 = vector.shape_cast %swap3A_1151 : vector<16xf32> to vector<16xf32>
      %swap3A_1153 = vector.shape_cast %add3A_1149 : vector<16xf32> to vector<16xf32>
      tpu.vector_store %arg11[%swap3A_1150], %swap3A_1153 {strides = array<i32>} : memref<32xf32, #tpu.memory_space<vmem>>, vector<16xf32>,
      %get3A_1154 = arith.constant 4 : index
      %get3A_1155 = tpu.vector_load %arg11[%get3A_1154] {strides = array<i32>} : memref<32xf32, #tpu.memory_space<vmem>>, vector<16xf32>,
      %get3A_1156 = vector.shape_cast %get3A_1155 : vector<16xf32> to vector<16xf32>
      %add3A_1157 = arith.addf %add3A_1149, %get3A_1156 : vector<16xf32>
      %swap3A_1158 = arith.constant 0 : index
      %swap3A_1159 = tpu.vector_load %arg11[%swap3A_1158] {strides = array<i32>} : memref<32xf32, #tpu.memory_space<vmem>>, vector<16xf32>,
      %swap3A_1160 = vector.shape_cast %swap3A_1159 : vector<16xf32> to vector<16xf32>
      %swap3A_1161 = vector.shape_cast %add3A_1157 : vector<16xf32> to vector<16xf32>
      tpu.vector_store %arg11[%swap3A_1158], %swap3A_1161 {strides = array<i32>} : memref<32xf32, #tpu.memory_space<vmem>>, vector<16xf32>,
      %get3A_1162 = arith.constant 2 : index
      %get3A_1163 = tpu.vector_load %arg11[%get3A_1162] {strides = array<i32>} : memref<32xf32, #tpu.memory_space<vmem>>, vector<16xf32>,
      %get3A_1164 = vector.shape_cast %get3A_1163 : vector<16xf32> to vector<16xf32>
      %add3A_1165 = arith.addf %add3A_1157, %get3A_1164 : vector<16xf32>
      %swap3A_1166 = arith.constant 0 : index
      %swap3A_1167 = tpu.vector_load %arg11[%swap3A_1166] {strides = array<i32>} : memref<32xf32, #tpu.memory_space<vmem>>, vector<16xf32>,
      %swap3A_1168 = vector.shape_cast %swap3A_1167 : vector<16xf32> to vector<16xf32>
      %swap3A_1169 = vector.shape_cast %add3A_1165 : vector<16xf32> to vector<16xf32>
      tpu.vector_store %arg11[%swap3A_1166], %swap3A_1169 {strides = array<i32>} : memref<32xf32, #tpu.memory_space<vmem>>, vector<16xf32>,
      %get3A_1170 = arith.constant 1 : index
      %get3A_1171 = tpu.vector_load %arg11[%get3A_1170] {strides = array<i32>} : memref<32xf32, #tpu.memory_space<vmem>>, vector<16xf32>,
      %get3A_1172 = vector.shape_cast %get3A_1171 : vector<16xf32> to vector<16xf32>
      %add3A_1173 = arith.addf %add3A_1165, %get3A_1172 : vector<16xf32>
      %eq3A_1174 = arith.constant 6 : i32
      %eq3A_1175 = vector.broadcast %eq3A_1174 : i32 to vector<16xi32>
      %eq3A_1176 = arith.cmpi eq, %iota3A, %eq3A_1175 : vector<16xi32>
      %slice3A_1177 = vector.extract_strided_slice %add3A_1173 {offsets = [0], sizes = [1], strides = [1]} : vector<16xf32> to vector<1xf32>
      %squeeze3A_1178 = vector.extract %slice3A_1177[0] : f32 from vector<1xf32>
      %broadcast_in_dim3A_1179 = vector.broadcast %squeeze3A_1178 : f32 to vector<16xf32>
      %select_n3A_1180 = arith.select %eq3A_1176, %broadcast_in_dim3A_1179, %select_n3A_1015 : vector<16xi1>, vector<16xf32>
      %mul3A_1181 = arith.constant 16 : i32
      %mul3A_1182 = arith.muli %scan3A_28, %mul3A_1181 : i32
      %add3A_1183 = arith.constant 7 : i32
      %add3A_1184 = arith.addi %mul3A_1182, %add3A_1183 : i32
      %broadcast_in_dim3A_1185 = arith.constant 0.000000e+00 : f32
      %broadcast_in_dim3A_1186 = vector.broadcast %broadcast_in_dim3A_1185 : f32 to vector<16xf32>
      %get3A_1187 = arith.index_cast %add3A_1184 : i32 to index
      %get3A_1188 = arith.constant 0 : index
      %get3A_1189 = tpu.vector_load %arg8[%get3A_1187, %get3A_1188] {strides = array<i32>} : memref<64x128xf32, #tpu.memory_space<vmem>>, vector<1x16xf32>,
      %get3A_1190 = vector.shape_cast %get3A_1189 : vector<1x16xf32> to vector<16xf32>
      %get3A_1191 = arith.index_cast %add3A_1184 : i32 to index
      %get3A_1192 = arith.constant 0 : index
      %get3A_1193 = tpu.vector_load %arg9[%get3A_1191, %get3A_1192] {strides = array<i32>} : memref<64x128xf32, #tpu.memory_space<vmem>>, vector<1x16xf32>,
      %get3A_1194 = vector.shape_cast %get3A_1193 : vector<1x16xf32> to vector<16xf32>
      %sub3A_1195 = arith.subf %get3A_1190, %get3A_1194 : vector<16xf32>
      %get3A_1196 = arith.index_cast %add3A_1184 : i32 to index
      %get3A_1197 = arith.constant 0 : index
      %get3A_1198 = tpu.vector_load %arg10[%get3A_1196, %get3A_1197] {strides = array<i32>} : memref<64x128xf32, #tpu.memory_space<vmem>>, vector<1x16xf32>,
      %get3A_1199 = vector.shape_cast %get3A_1198 : vector<1x16xf32> to vector<16xf32>
      %mul3A_1200 = arith.mulf %sub3A_1195, %get3A_1199 : vector<16xf32>
      %add3A_1201 = arith.addf %broadcast_in_dim3A_1186, %mul3A_1200 : vector<16xf32>
      %get3A_1202 = arith.index_cast %add3A_1184 : i32 to index
      %get3A_1203 = arith.constant 16 : index
      %get3A_1204 = tpu.vector_load %arg8[%get3A_1202, %get3A_1203] {strides = array<i32>} : memref<64x128xf32, #tpu.memory_space<vmem>>, vector<1x16xf32>,
      %get3A_1205 = vector.shape_cast %get3A_1204 : vector<1x16xf32> to vector<16xf32>
      %get3A_1206 = arith.index_cast %add3A_1184 : i32 to index
      %get3A_1207 = arith.constant 16 : index
      %get3A_1208 = tpu.vector_load %arg9[%get3A_1206, %get3A_1207] {strides = array<i32>} : memref<64x128xf32, #tpu.memory_space<vmem>>, vector<1x16xf32>,
      %get3A_1209 = vector.shape_cast %get3A_1208 : vector<1x16xf32> to vector<16xf32>
      %sub3A_1210 = arith.subf %get3A_1205, %get3A_1209 : vector<16xf32>
      %get3A_1211 = arith.index_cast %add3A_1184 : i32 to index
      %get3A_1212 = arith.constant 16 : index
      %get3A_1213 = tpu.vector_load %arg10[%get3A_1211, %get3A_1212] {strides = array<i32>} : memref<64x128xf32, #tpu.memory_space<vmem>>, vector<1x16xf32>,
      %get3A_1214 = vector.shape_cast %get3A_1213 : vector<1x16xf32> to vector<16xf32>
      %mul3A_1215 = arith.mulf %sub3A_1210, %get3A_1214 : vector<16xf32>
      %add3A_1216 = arith.addf %add3A_1201, %mul3A_1215 : vector<16xf32>
      %get3A_1217 = arith.index_cast %add3A_1184 : i32 to index
      %get3A_1218 = arith.constant 32 : index
      %get3A_1219 = tpu.vector_load %arg8[%get3A_1217, %get3A_1218] {strides = array<i32>} : memref<64x128xf32, #tpu.memory_space<vmem>>, vector<1x16xf32>,
      %get3A_1220 = vector.shape_cast %get3A_1219 : vector<1x16xf32> to vector<16xf32>
      %get3A_1221 = arith.index_cast %add3A_1184 : i32 to index
      %get3A_1222 = arith.constant 32 : index
      %get3A_1223 = tpu.vector_load %arg9[%get3A_1221, %get3A_1222] {strides = array<i32>} : memref<64x128xf32, #tpu.memory_space<vmem>>, vector<1x16xf32>,
      %get3A_1224 = vector.shape_cast %get3A_1223 : vector<1x16xf32> to vector<16xf32>
      %sub3A_1225 = arith.subf %get3A_1220, %get3A_1224 : vector<16xf32>
      %get3A_1226 = arith.index_cast %add3A_1184 : i32 to index
      %get3A_1227 = arith.constant 32 : index
      %get3A_1228 = tpu.vector_load %arg10[%get3A_1226, %get3A_1227] {strides = array<i32>} : memref<64x128xf32, #tpu.memory_space<vmem>>, vector<1x16xf32>,
      %get3A_1229 = vector.shape_cast %get3A_1228 : vector<1x16xf32> to vector<16xf32>
      %mul3A_1230 = arith.mulf %sub3A_1225, %get3A_1229 : vector<16xf32>
      %add3A_1231 = arith.addf %add3A_1216, %mul3A_1230 : vector<16xf32>
      %get3A_1232 = arith.index_cast %add3A_1184 : i32 to index
      %get3A_1233 = arith.constant 48 : index
      %get3A_1234 = tpu.vector_load %arg8[%get3A_1232, %get3A_1233] {strides = array<i32>} : memref<64x128xf32, #tpu.memory_space<vmem>>, vector<1x16xf32>,
      %get3A_1235 = vector.shape_cast %get3A_1234 : vector<1x16xf32> to vector<16xf32>
      %get3A_1236 = arith.index_cast %add3A_1184 : i32 to index
      %get3A_1237 = arith.constant 48 : index
      %get3A_1238 = tpu.vector_load %arg9[%get3A_1236, %get3A_1237] {strides = array<i32>} : memref<64x128xf32, #tpu.memory_space<vmem>>, vector<1x16xf32>,
      %get3A_1239 = vector.shape_cast %get3A_1238 : vector<1x16xf32> to vector<16xf32>
      %sub3A_1240 = arith.subf %get3A_1235, %get3A_1239 : vector<16xf32>
      %get3A_1241 = arith.index_cast %add3A_1184 : i32 to index
      %get3A_1242 = arith.constant 48 : index
      %get3A_1243 = tpu.vector_load %arg10[%get3A_1241, %get3A_1242] {strides = array<i32>} : memref<64x128xf32, #tpu.memory_space<vmem>>, vector<1x16xf32>,
      %get3A_1244 = vector.shape_cast %get3A_1243 : vector<1x16xf32> to vector<16xf32>
      %mul3A_1245 = arith.mulf %sub3A_1240, %get3A_1244 : vector<16xf32>
      %add3A_1246 = arith.addf %add3A_1231, %mul3A_1245 : vector<16xf32>
      %get3A_1247 = arith.index_cast %add3A_1184 : i32 to index
      %get3A_1248 = arith.constant 64 : index
      %get3A_1249 = tpu.vector_load %arg8[%get3A_1247, %get3A_1248] {strides = array<i32>} : memref<64x128xf32, #tpu.memory_space<vmem>>, vector<1x16xf32>,
      %get3A_1250 = vector.shape_cast %get3A_1249 : vector<1x16xf32> to vector<16xf32>
      %get3A_1251 = arith.index_cast %add3A_1184 : i32 to index
      %get3A_1252 = arith.constant 64 : index
      %get3A_1253 = tpu.vector_load %arg9[%get3A_1251, %get3A_1252] {strides = array<i32>} : memref<64x128xf32, #tpu.memory_space<vmem>>, vector<1x16xf32>,
      %get3A_1254 = vector.shape_cast %get3A_1253 : vector<1x16xf32> to vector<16xf32>
      %sub3A_1255 = arith.subf %get3A_1250, %get3A_1254 : vector<16xf32>
      %get3A_1256 = arith.index_cast %add3A_1184 : i32 to index
      %get3A_1257 = arith.constant 64 : index
      %get3A_1258 = tpu.vector_load %arg10[%get3A_1256, %get3A_1257] {strides = array<i32>} : memref<64x128xf32, #tpu.memory_space<vmem>>, vector<1x16xf32>,
      %get3A_1259 = vector.shape_cast %get3A_1258 : vector<1x16xf32> to vector<16xf32>
      %mul3A_1260 = arith.mulf %sub3A_1255, %get3A_1259 : vector<16xf32>
      %add3A_1261 = arith.addf %add3A_1246, %mul3A_1260 : vector<16xf32>
      %get3A_1262 = arith.index_cast %add3A_1184 : i32 to index
      %get3A_1263 = arith.constant 80 : index
      %get3A_1264 = tpu.vector_load %arg8[%get3A_1262, %get3A_1263] {strides = array<i32>} : memref<64x128xf32, #tpu.memory_space<vmem>>, vector<1x16xf32>,
      %get3A_1265 = vector.shape_cast %get3A_1264 : vector<1x16xf32> to vector<16xf32>
      %get3A_1266 = arith.index_cast %add3A_1184 : i32 to index
      %get3A_1267 = arith.constant 80 : index
      %get3A_1268 = tpu.vector_load %arg9[%get3A_1266, %get3A_1267] {strides = array<i32>} : memref<64x128xf32, #tpu.memory_space<vmem>>, vector<1x16xf32>,
      %get3A_1269 = vector.shape_cast %get3A_1268 : vector<1x16xf32> to vector<16xf32>
      %sub3A_1270 = arith.subf %get3A_1265, %get3A_1269 : vector<16xf32>
      %get3A_1271 = arith.index_cast %add3A_1184 : i32 to index
      %get3A_1272 = arith.constant 80 : index
      %get3A_1273 = tpu.vector_load %arg10[%get3A_1271, %get3A_1272] {strides = array<i32>} : memref<64x128xf32, #tpu.memory_space<vmem>>, vector<1x16xf32>,
      %get3A_1274 = vector.shape_cast %get3A_1273 : vector<1x16xf32> to vector<16xf32>
      %mul3A_1275 = arith.mulf %sub3A_1270, %get3A_1274 : vector<16xf32>
      %add3A_1276 = arith.addf %add3A_1261, %mul3A_1275 : vector<16xf32>
      %get3A_1277 = arith.index_cast %add3A_1184 : i32 to index
      %get3A_1278 = arith.constant 96 : index
      %get3A_1279 = tpu.vector_load %arg8[%get3A_1277, %get3A_1278] {strides = array<i32>} : memref<64x128xf32, #tpu.memory_space<vmem>>, vector<1x16xf32>,
      %get3A_1280 = vector.shape_cast %get3A_1279 : vector<1x16xf32> to vector<16xf32>
      %get3A_1281 = arith.index_cast %add3A_1184 : i32 to index
      %get3A_1282 = arith.constant 96 : index
      %get3A_1283 = tpu.vector_load %arg9[%get3A_1281, %get3A_1282] {strides = array<i32>} : memref<64x128xf32, #tpu.memory_space<vmem>>, vector<1x16xf32>,
      %get3A_1284 = vector.shape_cast %get3A_1283 : vector<1x16xf32> to vector<16xf32>
      %sub3A_1285 = arith.subf %get3A_1280, %get3A_1284 : vector<16xf32>
      %get3A_1286 = arith.index_cast %add3A_1184 : i32 to index
      %get3A_1287 = arith.constant 96 : index
      %get3A_1288 = tpu.vector_load %arg10[%get3A_1286, %get3A_1287] {strides = array<i32>} : memref<64x128xf32, #tpu.memory_space<vmem>>, vector<1x16xf32>,
      %get3A_1289 = vector.shape_cast %get3A_1288 : vector<1x16xf32> to vector<16xf32>
      %mul3A_1290 = arith.mulf %sub3A_1285, %get3A_1289 : vector<16xf32>
      %add3A_1291 = arith.addf %add3A_1276, %mul3A_1290 : vector<16xf32>
      %get3A_1292 = arith.index_cast %add3A_1184 : i32 to index
      %get3A_1293 = arith.constant 112 : index
      %get3A_1294 = tpu.vector_load %arg8[%get3A_1292, %get3A_1293] {strides = array<i32>} : memref<64x128xf32, #tpu.memory_space<vmem>>, vector<1x16xf32>,
      %get3A_1295 = vector.shape_cast %get3A_1294 : vector<1x16xf32> to vector<16xf32>
      %get3A_1296 = arith.index_cast %add3A_1184 : i32 to index
      %get3A_1297 = arith.constant 112 : index
      %get3A_1298 = tpu.vector_load %arg9[%get3A_1296, %get3A_1297] {strides = array<i32>} : memref<64x128xf32, #tpu.memory_space<vmem>>, vector<1x16xf32>,
      %get3A_1299 = vector.shape_cast %get3A_1298 : vector<1x16xf32> to vector<16xf32>
      %sub3A_1300 = arith.subf %get3A_1295, %get3A_1299 : vector<16xf32>
      %get3A_1301 = arith.index_cast %add3A_1184 : i32 to index
      %get3A_1302 = arith.constant 112 : index
      %get3A_1303 = tpu.vector_load %arg10[%get3A_1301, %get3A_1302] {strides = array<i32>} : memref<64x128xf32, #tpu.memory_space<vmem>>, vector<1x16xf32>,
      %get3A_1304 = vector.shape_cast %get3A_1303 : vector<1x16xf32> to vector<16xf32>
      %mul3A_1305 = arith.mulf %sub3A_1300, %get3A_1304 : vector<16xf32>
      %add3A_1306 = arith.addf %add3A_1291, %mul3A_1305 : vector<16xf32>
      %swap3A_1307 = arith.constant 0 : index
      %swap3A_1308 = tpu.vector_load %arg11[%swap3A_1307] {strides = array<i32>} : memref<32xf32, #tpu.memory_space<vmem>>, vector<16xf32>,
      %swap3A_1309 = vector.shape_cast %swap3A_1308 : vector<16xf32> to vector<16xf32>
      %swap3A_1310 = vector.shape_cast %add3A_1306 : vector<16xf32> to vector<16xf32>
      tpu.vector_store %arg11[%swap3A_1307], %swap3A_1310 {strides = array<i32>} : memref<32xf32, #tpu.memory_space<vmem>>, vector<16xf32>,
      %get3A_1311 = arith.constant 8 : index
      %get3A_1312 = tpu.vector_load %arg11[%get3A_1311] {strides = array<i32>} : memref<32xf32, #tpu.memory_space<vmem>>, vector<16xf32>,
      %get3A_1313 = vector.shape_cast %get3A_1312 : vector<16xf32> to vector<16xf32>
      %add3A_1314 = arith.addf %add3A_1306, %get3A_1313 : vector<16xf32>
      %swap3A_1315 = arith.constant 0 : index
      %swap3A_1316 = tpu.vector_load %arg11[%swap3A_1315] {strides = array<i32>} : memref<32xf32, #tpu.memory_space<vmem>>, vector<16xf32>,
      %swap3A_1317 = vector.shape_cast %swap3A_1316 : vector<16xf32> to vector<16xf32>
      %swap3A_1318 = vector.shape_cast %add3A_1314 : vector<16xf32> to vector<16xf32>
      tpu.vector_store %arg11[%swap3A_1315], %swap3A_1318 {strides = array<i32>} : memref<32xf32, #tpu.memory_space<vmem>>, vector<16xf32>,
      %get3A_1319 = arith.constant 4 : index
      %get3A_1320 = tpu.vector_load %arg11[%get3A_1319] {strides = array<i32>} : memref<32xf32, #tpu.memory_space<vmem>>, vector<16xf32>,
      %get3A_1321 = vector.shape_cast %get3A_1320 : vector<16xf32> to vector<16xf32>
      %add3A_1322 = arith.addf %add3A_1314, %get3A_1321 : vector<16xf32>
      %swap3A_1323 = arith.constant 0 : index
      %swap3A_1324 = tpu.vector_load %arg11[%swap3A_1323] {strides = array<i32>} : memref<32xf32, #tpu.memory_space<vmem>>, vector<16xf32>,
      %swap3A_1325 = vector.shape_cast %swap3A_1324 : vector<16xf32> to vector<16xf32>
      %swap3A_1326 = vector.shape_cast %add3A_1322 : vector<16xf32> to vector<16xf32>
      tpu.vector_store %arg11[%swap3A_1323], %swap3A_1326 {strides = array<i32>} : memref<32xf32, #tpu.memory_space<vmem>>, vector<16xf32>,
      %get3A_1327 = arith.constant 2 : index
      %get3A_1328 = tpu.vector_load %arg11[%get3A_1327] {strides = array<i32>} : memref<32xf32, #tpu.memory_space<vmem>>, vector<16xf32>,
      %get3A_1329 = vector.shape_cast %get3A_1328 : vector<16xf32> to vector<16xf32>
      %add3A_1330 = arith.addf %add3A_1322, %get3A_1329 : vector<16xf32>
      %swap3A_1331 = arith.constant 0 : index
      %swap3A_1332 = tpu.vector_load %arg11[%swap3A_1331] {strides = array<i32>} : memref<32xf32, #tpu.memory_space<vmem>>, vector<16xf32>,
      %swap3A_1333 = vector.shape_cast %swap3A_1332 : vector<16xf32> to vector<16xf32>
      %swap3A_1334 = vector.shape_cast %add3A_1330 : vector<16xf32> to vector<16xf32>
      tpu.vector_store %arg11[%swap3A_1331], %swap3A_1334 {strides = array<i32>} : memref<32xf32, #tpu.memory_space<vmem>>, vector<16xf32>,
      %get3A_1335 = arith.constant 1 : index
      %get3A_1336 = tpu.vector_load %arg11[%get3A_1335] {strides = array<i32>} : memref<32xf32, #tpu.memory_space<vmem>>, vector<16xf32>,
      %get3A_1337 = vector.shape_cast %get3A_1336 : vector<16xf32> to vector<16xf32>
      %add3A_1338 = arith.addf %add3A_1330, %get3A_1337 : vector<16xf32>
      %eq3A_1339 = arith.constant 7 : i32
      %eq3A_1340 = vector.broadcast %eq3A_1339 : i32 to vector<16xi32>
      %eq3A_1341 = arith.cmpi eq, %iota3A, %eq3A_1340 : vector<16xi32>
      %slice3A_1342 = vector.extract_strided_slice %add3A_1338 {offsets = [0], sizes = [1], strides = [1]} : vector<16xf32> to vector<1xf32>
      %squeeze3A_1343 = vector.extract %slice3A_1342[0] : f32 from vector<1xf32>
      %broadcast_in_dim3A_1344 = vector.broadcast %squeeze3A_1343 : f32 to vector<16xf32>
      %select_n3A_1345 = arith.select %eq3A_1341, %broadcast_in_dim3A_1344, %select_n3A_1180 : vector<16xi1>, vector<16xf32>
      %mul3A_1346 = arith.constant 16 : i32
      %mul3A_1347 = arith.muli %scan3A_28, %mul3A_1346 : i32
      %add3A_1348 = arith.constant 8 : i32
      %add3A_1349 = arith.addi %mul3A_1347, %add3A_1348 : i32
      %broadcast_in_dim3A_1350 = arith.constant 0.000000e+00 : f32
      %broadcast_in_dim3A_1351 = vector.broadcast %broadcast_in_dim3A_1350 : f32 to vector<16xf32>
      %get3A_1352 = arith.index_cast %add3A_1349 : i32 to index
      %get3A_1353 = arith.constant 0 : index
      %get3A_1354 = tpu.vector_load %arg8[%get3A_1352, %get3A_1353] {strides = array<i32>} : memref<64x128xf32, #tpu.memory_space<vmem>>, vector<1x16xf32>,
      %get3A_1355 = vector.shape_cast %get3A_1354 : vector<1x16xf32> to vector<16xf32>
      %get3A_1356 = arith.index_cast %add3A_1349 : i32 to index
      %get3A_1357 = arith.constant 0 : index
      %get3A_1358 = tpu.vector_load %arg9[%get3A_1356, %get3A_1357] {strides = array<i32>} : memref<64x128xf32, #tpu.memory_space<vmem>>, vector<1x16xf32>,
      %get3A_1359 = vector.shape_cast %get3A_1358 : vector<1x16xf32> to vector<16xf32>
      %sub3A_1360 = arith.subf %get3A_1355, %get3A_1359 : vector<16xf32>
      %get3A_1361 = arith.index_cast %add3A_1349 : i32 to index
      %get3A_1362 = arith.constant 0 : index
      %get3A_1363 = tpu.vector_load %arg10[%get3A_1361, %get3A_1362] {strides = array<i32>} : memref<64x128xf32, #tpu.memory_space<vmem>>, vector<1x16xf32>,
      %get3A_1364 = vector.shape_cast %get3A_1363 : vector<1x16xf32> to vector<16xf32>
      %mul3A_1365 = arith.mulf %sub3A_1360, %get3A_1364 : vector<16xf32>
      %add3A_1366 = arith.addf %broadcast_in_dim3A_1351, %mul3A_1365 : vector<16xf32>
      %get3A_1367 = arith.index_cast %add3A_1349 : i32 to index
      %get3A_1368 = arith.constant 16 : index
      %get3A_1369 = tpu.vector_load %arg8[%get3A_1367, %get3A_1368] {strides = array<i32>} : memref<64x128xf32, #tpu.memory_space<vmem>>, vector<1x16xf32>,
      %get3A_1370 = vector.shape_cast %get3A_1369 : vector<1x16xf32> to vector<16xf32>
      %get3A_1371 = arith.index_cast %add3A_1349 : i32 to index
      %get3A_1372 = arith.constant 16 : index
      %get3A_1373 = tpu.vector_load %arg9[%get3A_1371, %get3A_1372] {strides = array<i32>} : memref<64x128xf32, #tpu.memory_space<vmem>>, vector<1x16xf32>,
      %get3A_1374 = vector.shape_cast %get3A_1373 : vector<1x16xf32> to vector<16xf32>
      %sub3A_1375 = arith.subf %get3A_1370, %get3A_1374 : vector<16xf32>
      %get3A_1376 = arith.index_cast %add3A_1349 : i32 to index
      %get3A_1377 = arith.constant 16 : index
      %get3A_1378 = tpu.vector_load %arg10[%get3A_1376, %get3A_1377] {strides = array<i32>} : memref<64x128xf32, #tpu.memory_space<vmem>>, vector<1x16xf32>,
      %get3A_1379 = vector.shape_cast %get3A_1378 : vector<1x16xf32> to vector<16xf32>
      %mul3A_1380 = arith.mulf %sub3A_1375, %get3A_1379 : vector<16xf32>
      %add3A_1381 = arith.addf %add3A_1366, %mul3A_1380 : vector<16xf32>
      %get3A_1382 = arith.index_cast %add3A_1349 : i32 to index
      %get3A_1383 = arith.constant 32 : index
      %get3A_1384 = tpu.vector_load %arg8[%get3A_1382, %get3A_1383] {strides = array<i32>} : memref<64x128xf32, #tpu.memory_space<vmem>>, vector<1x16xf32>,
      %get3A_1385 = vector.shape_cast %get3A_1384 : vector<1x16xf32> to vector<16xf32>
      %get3A_1386 = arith.index_cast %add3A_1349 : i32 to index
      %get3A_1387 = arith.constant 32 : index
      %get3A_1388 = tpu.vector_load %arg9[%get3A_1386, %get3A_1387] {strides = array<i32>} : memref<64x128xf32, #tpu.memory_space<vmem>>, vector<1x16xf32>,
      %get3A_1389 = vector.shape_cast %get3A_1388 : vector<1x16xf32> to vector<16xf32>
      %sub3A_1390 = arith.subf %get3A_1385, %get3A_1389 : vector<16xf32>
      %get3A_1391 = arith.index_cast %add3A_1349 : i32 to index
      %get3A_1392 = arith.constant 32 : index
      %get3A_1393 = tpu.vector_load %arg10[%get3A_1391, %get3A_1392] {strides = array<i32>} : memref<64x128xf32, #tpu.memory_space<vmem>>, vector<1x16xf32>,
      %get3A_1394 = vector.shape_cast %get3A_1393 : vector<1x16xf32> to vector<16xf32>
      %mul3A_1395 = arith.mulf %sub3A_1390, %get3A_1394 : vector<16xf32>
      %add3A_1396 = arith.addf %add3A_1381, %mul3A_1395 : vector<16xf32>
      %get3A_1397 = arith.index_cast %add3A_1349 : i32 to index
      %get3A_1398 = arith.constant 48 : index
      %get3A_1399 = tpu.vector_load %arg8[%get3A_1397, %get3A_1398] {strides = array<i32>} : memref<64x128xf32, #tpu.memory_space<vmem>>, vector<1x16xf32>,
      %get3A_1400 = vector.shape_cast %get3A_1399 : vector<1x16xf32> to vector<16xf32>
      %get3A_1401 = arith.index_cast %add3A_1349 : i32 to index
      %get3A_1402 = arith.constant 48 : index
      %get3A_1403 = tpu.vector_load %arg9[%get3A_1401, %get3A_1402] {strides = array<i32>} : memref<64x128xf32, #tpu.memory_space<vmem>>, vector<1x16xf32>,
      %get3A_1404 = vector.shape_cast %get3A_1403 : vector<1x16xf32> to vector<16xf32>
      %sub3A_1405 = arith.subf %get3A_1400, %get3A_1404 : vector<16xf32>
      %get3A_1406 = arith.index_cast %add3A_1349 : i32 to index
      %get3A_1407 = arith.constant 48 : index
      %get3A_1408 = tpu.vector_load %arg10[%get3A_1406, %get3A_1407] {strides = array<i32>} : memref<64x128xf32, #tpu.memory_space<vmem>>, vector<1x16xf32>,
      %get3A_1409 = vector.shape_cast %get3A_1408 : vector<1x16xf32> to vector<16xf32>
      %mul3A_1410 = arith.mulf %sub3A_1405, %get3A_1409 : vector<16xf32>
      %add3A_1411 = arith.addf %add3A_1396, %mul3A_1410 : vector<16xf32>
      %get3A_1412 = arith.index_cast %add3A_1349 : i32 to index
      %get3A_1413 = arith.constant 64 : index
      %get3A_1414 = tpu.vector_load %arg8[%get3A_1412, %get3A_1413] {strides = array<i32>} : memref<64x128xf32, #tpu.memory_space<vmem>>, vector<1x16xf32>,
      %get3A_1415 = vector.shape_cast %get3A_1414 : vector<1x16xf32> to vector<16xf32>
      %get3A_1416 = arith.index_cast %add3A_1349 : i32 to index
      %get3A_1417 = arith.constant 64 : index
      %get3A_1418 = tpu.vector_load %arg9[%get3A_1416, %get3A_1417] {strides = array<i32>} : memref<64x128xf32, #tpu.memory_space<vmem>>, vector<1x16xf32>,
      %get3A_1419 = vector.shape_cast %get3A_1418 : vector<1x16xf32> to vector<16xf32>
      %sub3A_1420 = arith.subf %get3A_1415, %get3A_1419 : vector<16xf32>
      %get3A_1421 = arith.index_cast %add3A_1349 : i32 to index
      %get3A_1422 = arith.constant 64 : index
      %get3A_1423 = tpu.vector_load %arg10[%get3A_1421, %get3A_1422] {strides = array<i32>} : memref<64x128xf32, #tpu.memory_space<vmem>>, vector<1x16xf32>,
      %get3A_1424 = vector.shape_cast %get3A_1423 : vector<1x16xf32> to vector<16xf32>
      %mul3A_1425 = arith.mulf %sub3A_1420, %get3A_1424 : vector<16xf32>
      %add3A_1426 = arith.addf %add3A_1411, %mul3A_1425 : vector<16xf32>
      %get3A_1427 = arith.index_cast %add3A_1349 : i32 to index
      %get3A_1428 = arith.constant 80 : index
      %get3A_1429 = tpu.vector_load %arg8[%get3A_1427, %get3A_1428] {strides = array<i32>} : memref<64x128xf32, #tpu.memory_space<vmem>>, vector<1x16xf32>,
      %get3A_1430 = vector.shape_cast %get3A_1429 : vector<1x16xf32> to vector<16xf32>
      %get3A_1431 = arith.index_cast %add3A_1349 : i32 to index
      %get3A_1432 = arith.constant 80 : index
      %get3A_1433 = tpu.vector_load %arg9[%get3A_1431, %get3A_1432] {strides = array<i32>} : memref<64x128xf32, #tpu.memory_space<vmem>>, vector<1x16xf32>,
      %get3A_1434 = vector.shape_cast %get3A_1433 : vector<1x16xf32> to vector<16xf32>
      %sub3A_1435 = arith.subf %get3A_1430, %get3A_1434 : vector<16xf32>
      %get3A_1436 = arith.index_cast %add3A_1349 : i32 to index
      %get3A_1437 = arith.constant 80 : index
      %get3A_1438 = tpu.vector_load %arg10[%get3A_1436, %get3A_1437] {strides = array<i32>} : memref<64x128xf32, #tpu.memory_space<vmem>>, vector<1x16xf32>,
      %get3A_1439 = vector.shape_cast %get3A_1438 : vector<1x16xf32> to vector<16xf32>
      %mul3A_1440 = arith.mulf %sub3A_1435, %get3A_1439 : vector<16xf32>
      %add3A_1441 = arith.addf %add3A_1426, %mul3A_1440 : vector<16xf32>
      %get3A_1442 = arith.index_cast %add3A_1349 : i32 to index
      %get3A_1443 = arith.constant 96 : index
      %get3A_1444 = tpu.vector_load %arg8[%get3A_1442, %get3A_1443] {strides = array<i32>} : memref<64x128xf32, #tpu.memory_space<vmem>>, vector<1x16xf32>,
      %get3A_1445 = vector.shape_cast %get3A_1444 : vector<1x16xf32> to vector<16xf32>
      %get3A_1446 = arith.index_cast %add3A_1349 : i32 to index
      %get3A_1447 = arith.constant 96 : index
      %get3A_1448 = tpu.vector_load %arg9[%get3A_1446, %get3A_1447] {strides = array<i32>} : memref<64x128xf32, #tpu.memory_space<vmem>>, vector<1x16xf32>,
      %get3A_1449 = vector.shape_cast %get3A_1448 : vector<1x16xf32> to vector<16xf32>
      %sub3A_1450 = arith.subf %get3A_1445, %get3A_1449 : vector<16xf32>
      %get3A_1451 = arith.index_cast %add3A_1349 : i32 to index
      %get3A_1452 = arith.constant 96 : index
      %get3A_1453 = tpu.vector_load %arg10[%get3A_1451, %get3A_1452] {strides = array<i32>} : memref<64x128xf32, #tpu.memory_space<vmem>>, vector<1x16xf32>,
      %get3A_1454 = vector.shape_cast %get3A_1453 : vector<1x16xf32> to vector<16xf32>
      %mul3A_1455 = arith.mulf %sub3A_1450, %get3A_1454 : vector<16xf32>
      %add3A_1456 = arith.addf %add3A_1441, %mul3A_1455 : vector<16xf32>
      %get3A_1457 = arith.index_cast %add3A_1349 : i32 to index
      %get3A_1458 = arith.constant 112 : index
      %get3A_1459 = tpu.vector_load %arg8[%get3A_1457, %get3A_1458] {strides = array<i32>} : memref<64x128xf32, #tpu.memory_space<vmem>>, vector<1x16xf32>,
      %get3A_1460 = vector.shape_cast %get3A_1459 : vector<1x16xf32> to vector<16xf32>
      %get3A_1461 = arith.index_cast %add3A_1349 : i32 to index
      %get3A_1462 = arith.constant 112 : index
      %get3A_1463 = tpu.vector_load %arg9[%get3A_1461, %get3A_1462] {strides = array<i32>} : memref<64x128xf32, #tpu.memory_space<vmem>>, vector<1x16xf32>,
      %get3A_1464 = vector.shape_cast %get3A_1463 : vector<1x16xf32> to vector<16xf32>
      %sub3A_1465 = arith.subf %get3A_1460, %get3A_1464 : vector<16xf32>
      %get3A_1466 = arith.index_cast %add3A_1349 : i32 to index
      %get3A_1467 = arith.constant 112 : index
      %get3A_1468 = tpu.vector_load %arg10[%get3A_1466, %get3A_1467] {strides = array<i32>} : memref<64x128xf32, #tpu.memory_space<vmem>>, vector<1x16xf32>,
      %get3A_1469 = vector.shape_cast %get3A_1468 : vector<1x16xf32> to vector<16xf32>
      %mul3A_1470 = arith.mulf %sub3A_1465, %get3A_1469 : vector<16xf32>
      %add3A_1471 = arith.addf %add3A_1456, %mul3A_1470 : vector<16xf32>
      %swap3A_1472 = arith.constant 0 : index
      %swap3A_1473 = tpu.vector_load %arg11[%swap3A_1472] {strides = array<i32>} : memref<32xf32, #tpu.memory_space<vmem>>, vector<16xf32>,
      %swap3A_1474 = vector.shape_cast %swap3A_1473 : vector<16xf32> to vector<16xf32>
      %swap3A_1475 = vector.shape_cast %add3A_1471 : vector<16xf32> to vector<16xf32>
      tpu.vector_store %arg11[%swap3A_1472], %swap3A_1475 {strides = array<i32>} : memref<32xf32, #tpu.memory_space<vmem>>, vector<16xf32>,
      %get3A_1476 = arith.constant 8 : index
      %get3A_1477 = tpu.vector_load %arg11[%get3A_1476] {strides = array<i32>} : memref<32xf32, #tpu.memory_space<vmem>>, vector<16xf32>,
      %get3A_1478 = vector.shape_cast %get3A_1477 : vector<16xf32> to vector<16xf32>
      %add3A_1479 = arith.addf %add3A_1471, %get3A_1478 : vector<16xf32>
      %swap3A_1480 = arith.constant 0 : index
      %swap3A_1481 = tpu.vector_load %arg11[%swap3A_1480] {strides = array<i32>} : memref<32xf32, #tpu.memory_space<vmem>>, vector<16xf32>,
      %swap3A_1482 = vector.shape_cast %swap3A_1481 : vector<16xf32> to vector<16xf32>
      %swap3A_1483 = vector.shape_cast %add3A_1479 : vector<16xf32> to vector<16xf32>
      tpu.vector_store %arg11[%swap3A_1480], %swap3A_1483 {strides = array<i32>} : memref<32xf32, #tpu.memory_space<vmem>>, vector<16xf32>,
      %get3A_1484 = arith.constant 4 : index
      %get3A_1485 = tpu.vector_load %arg11[%get3A_1484] {strides = array<i32>} : memref<32xf32, #tpu.memory_space<vmem>>, vector<16xf32>,
      %get3A_1486 = vector.shape_cast %get3A_1485 : vector<16xf32> to vector<16xf32>
      %add3A_1487 = arith.addf %add3A_1479, %get3A_1486 : vector<16xf32>
      %swap3A_1488 = arith.constant 0 : index
      %swap3A_1489 = tpu.vector_load %arg11[%swap3A_1488] {strides = array<i32>} : memref<32xf32, #tpu.memory_space<vmem>>, vector<16xf32>,
      %swap3A_1490 = vector.shape_cast %swap3A_1489 : vector<16xf32> to vector<16xf32>
      %swap3A_1491 = vector.shape_cast %add3A_1487 : vector<16xf32> to vector<16xf32>
      tpu.vector_store %arg11[%swap3A_1488], %swap3A_1491 {strides = array<i32>} : memref<32xf32, #tpu.memory_space<vmem>>, vector<16xf32>,
      %get3A_1492 = arith.constant 2 : index
      %get3A_1493 = tpu.vector_load %arg11[%get3A_1492] {strides = array<i32>} : memref<32xf32, #tpu.memory_space<vmem>>, vector<16xf32>,
      %get3A_1494 = vector.shape_cast %get3A_1493 : vector<16xf32> to vector<16xf32>
      %add3A_1495 = arith.addf %add3A_1487, %get3A_1494 : vector<16xf32>
      %swap3A_1496 = arith.constant 0 : index
      %swap3A_1497 = tpu.vector_load %arg11[%swap3A_1496] {strides = array<i32>} : memref<32xf32, #tpu.memory_space<vmem>>, vector<16xf32>,
      %swap3A_1498 = vector.shape_cast %swap3A_1497 : vector<16xf32> to vector<16xf32>
      %swap3A_1499 = vector.shape_cast %add3A_1495 : vector<16xf32> to vector<16xf32>
      tpu.vector_store %arg11[%swap3A_1496], %swap3A_1499 {strides = array<i32>} : memref<32xf32, #tpu.memory_space<vmem>>, vector<16xf32>,
      %get3A_1500 = arith.constant 1 : index
      %get3A_1501 = tpu.vector_load %arg11[%get3A_1500] {strides = array<i32>} : memref<32xf32, #tpu.memory_space<vmem>>, vector<16xf32>,
      %get3A_1502 = vector.shape_cast %get3A_1501 : vector<16xf32> to vector<16xf32>
      %add3A_1503 = arith.addf %add3A_1495, %get3A_1502 : vector<16xf32>
      %eq3A_1504 = arith.constant 8 : i32
      %eq3A_1505 = vector.broadcast %eq3A_1504 : i32 to vector<16xi32>
      %eq3A_1506 = arith.cmpi eq, %iota3A, %eq3A_1505 : vector<16xi32>
      %slice3A_1507 = vector.extract_strided_slice %add3A_1503 {offsets = [0], sizes = [1], strides = [1]} : vector<16xf32> to vector<1xf32>
      %squeeze3A_1508 = vector.extract %slice3A_1507[0] : f32 from vector<1xf32>
      %broadcast_in_dim3A_1509 = vector.broadcast %squeeze3A_1508 : f32 to vector<16xf32>
      %select_n3A_1510 = arith.select %eq3A_1506, %broadcast_in_dim3A_1509, %select_n3A_1345 : vector<16xi1>, vector<16xf32>
      %mul3A_1511 = arith.constant 16 : i32
      %mul3A_1512 = arith.muli %scan3A_28, %mul3A_1511 : i32
      %add3A_1513 = arith.constant 9 : i32
      %add3A_1514 = arith.addi %mul3A_1512, %add3A_1513 : i32
      %broadcast_in_dim3A_1515 = arith.constant 0.000000e+00 : f32
      %broadcast_in_dim3A_1516 = vector.broadcast %broadcast_in_dim3A_1515 : f32 to vector<16xf32>
      %get3A_1517 = arith.index_cast %add3A_1514 : i32 to index
      %get3A_1518 = arith.constant 0 : index
      %get3A_1519 = tpu.vector_load %arg8[%get3A_1517, %get3A_1518] {strides = array<i32>} : memref<64x128xf32, #tpu.memory_space<vmem>>, vector<1x16xf32>,
      %get3A_1520 = vector.shape_cast %get3A_1519 : vector<1x16xf32> to vector<16xf32>
      %get3A_1521 = arith.index_cast %add3A_1514 : i32 to index
      %get3A_1522 = arith.constant 0 : index
      %get3A_1523 = tpu.vector_load %arg9[%get3A_1521, %get3A_1522] {strides = array<i32>} : memref<64x128xf32, #tpu.memory_space<vmem>>, vector<1x16xf32>,
      %get3A_1524 = vector.shape_cast %get3A_1523 : vector<1x16xf32> to vector<16xf32>
      %sub3A_1525 = arith.subf %get3A_1520, %get3A_1524 : vector<16xf32>
      %get3A_1526 = arith.index_cast %add3A_1514 : i32 to index
      %get3A_1527 = arith.constant 0 : index
      %get3A_1528 = tpu.vector_load %arg10[%get3A_1526, %get3A_1527] {strides = array<i32>} : memref<64x128xf32, #tpu.memory_space<vmem>>, vector<1x16xf32>,
      %get3A_1529 = vector.shape_cast %get3A_1528 : vector<1x16xf32> to vector<16xf32>
      %mul3A_1530 = arith.mulf %sub3A_1525, %get3A_1529 : vector<16xf32>
      %add3A_1531 = arith.addf %broadcast_in_dim3A_1516, %mul3A_1530 : vector<16xf32>
      %get3A_1532 = arith.index_cast %add3A_1514 : i32 to index
      %get3A_1533 = arith.constant 16 : index
      %get3A_1534 = tpu.vector_load %arg8[%get3A_1532, %get3A_1533] {strides = array<i32>} : memref<64x128xf32, #tpu.memory_space<vmem>>, vector<1x16xf32>,
      %get3A_1535 = vector.shape_cast %get3A_1534 : vector<1x16xf32> to vector<16xf32>
      %get3A_1536 = arith.index_cast %add3A_1514 : i32 to index
      %get3A_1537 = arith.constant 16 : index
      %get3A_1538 = tpu.vector_load %arg9[%get3A_1536, %get3A_1537] {strides = array<i32>} : memref<64x128xf32, #tpu.memory_space<vmem>>, vector<1x16xf32>,
      %get3A_1539 = vector.shape_cast %get3A_1538 : vector<1x16xf32> to vector<16xf32>
      %sub3A_1540 = arith.subf %get3A_1535, %get3A_1539 : vector<16xf32>
      %get3A_1541 = arith.index_cast %add3A_1514 : i32 to index
      %get3A_1542 = arith.constant 16 : index
      %get3A_1543 = tpu.vector_load %arg10[%get3A_1541, %get3A_1542] {strides = array<i32>} : memref<64x128xf32, #tpu.memory_space<vmem>>, vector<1x16xf32>,
      %get3A_1544 = vector.shape_cast %get3A_1543 : vector<1x16xf32> to vector<16xf32>
      %mul3A_1545 = arith.mulf %sub3A_1540, %get3A_1544 : vector<16xf32>
      %add3A_1546 = arith.addf %add3A_1531, %mul3A_1545 : vector<16xf32>
      %get3A_1547 = arith.index_cast %add3A_1514 : i32 to index
      %get3A_1548 = arith.constant 32 : index
      %get3A_1549 = tpu.vector_load %arg8[%get3A_1547, %get3A_1548] {strides = array<i32>} : memref<64x128xf32, #tpu.memory_space<vmem>>, vector<1x16xf32>,
      %get3A_1550 = vector.shape_cast %get3A_1549 : vector<1x16xf32> to vector<16xf32>
      %get3A_1551 = arith.index_cast %add3A_1514 : i32 to index
      %get3A_1552 = arith.constant 32 : index
      %get3A_1553 = tpu.vector_load %arg9[%get3A_1551, %get3A_1552] {strides = array<i32>} : memref<64x128xf32, #tpu.memory_space<vmem>>, vector<1x16xf32>,
      %get3A_1554 = vector.shape_cast %get3A_1553 : vector<1x16xf32> to vector<16xf32>
      %sub3A_1555 = arith.subf %get3A_1550, %get3A_1554 : vector<16xf32>
      %get3A_1556 = arith.index_cast %add3A_1514 : i32 to index
      %get3A_1557 = arith.constant 32 : index
      %get3A_1558 = tpu.vector_load %arg10[%get3A_1556, %get3A_1557] {strides = array<i32>} : memref<64x128xf32, #tpu.memory_space<vmem>>, vector<1x16xf32>,
      %get3A_1559 = vector.shape_cast %get3A_1558 : vector<1x16xf32> to vector<16xf32>
      %mul3A_1560 = arith.mulf %sub3A_1555, %get3A_1559 : vector<16xf32>
      %add3A_1561 = arith.addf %add3A_1546, %mul3A_1560 : vector<16xf32>
      %get3A_1562 = arith.index_cast %add3A_1514 : i32 to index
      %get3A_1563 = arith.constant 48 : index
      %get3A_1564 = tpu.vector_load %arg8[%get3A_1562, %get3A_1563] {strides = array<i32>} : memref<64x128xf32, #tpu.memory_space<vmem>>, vector<1x16xf32>,
      %get3A_1565 = vector.shape_cast %get3A_1564 : vector<1x16xf32> to vector<16xf32>
      %get3A_1566 = arith.index_cast %add3A_1514 : i32 to index
      %get3A_1567 = arith.constant 48 : index
      %get3A_1568 = tpu.vector_load %arg9[%get3A_1566, %get3A_1567] {strides = array<i32>} : memref<64x128xf32, #tpu.memory_space<vmem>>, vector<1x16xf32>,
      %get3A_1569 = vector.shape_cast %get3A_1568 : vector<1x16xf32> to vector<16xf32>
      %sub3A_1570 = arith.subf %get3A_1565, %get3A_1569 : vector<16xf32>
      %get3A_1571 = arith.index_cast %add3A_1514 : i32 to index
      %get3A_1572 = arith.constant 48 : index
      %get3A_1573 = tpu.vector_load %arg10[%get3A_1571, %get3A_1572] {strides = array<i32>} : memref<64x128xf32, #tpu.memory_space<vmem>>, vector<1x16xf32>,
      %get3A_1574 = vector.shape_cast %get3A_1573 : vector<1x16xf32> to vector<16xf32>
      %mul3A_1575 = arith.mulf %sub3A_1570, %get3A_1574 : vector<16xf32>
      %add3A_1576 = arith.addf %add3A_1561, %mul3A_1575 : vector<16xf32>
      %get3A_1577 = arith.index_cast %add3A_1514 : i32 to index
      %get3A_1578 = arith.constant 64 : index
      %get3A_1579 = tpu.vector_load %arg8[%get3A_1577, %get3A_1578] {strides = array<i32>} : memref<64x128xf32, #tpu.memory_space<vmem>>, vector<1x16xf32>,
      %get3A_1580 = vector.shape_cast %get3A_1579 : vector<1x16xf32> to vector<16xf32>
      %get3A_1581 = arith.index_cast %add3A_1514 : i32 to index
      %get3A_1582 = arith.constant 64 : index
      %get3A_1583 = tpu.vector_load %arg9[%get3A_1581, %get3A_1582] {strides = array<i32>} : memref<64x128xf32, #tpu.memory_space<vmem>>, vector<1x16xf32>,
      %get3A_1584 = vector.shape_cast %get3A_1583 : vector<1x16xf32> to vector<16xf32>
      %sub3A_1585 = arith.subf %get3A_1580, %get3A_1584 : vector<16xf32>
      %get3A_1586 = arith.index_cast %add3A_1514 : i32 to index
      %get3A_1587 = arith.constant 64 : index
      %get3A_1588 = tpu.vector_load %arg10[%get3A_1586, %get3A_1587] {strides = array<i32>} : memref<64x128xf32, #tpu.memory_space<vmem>>, vector<1x16xf32>,
      %get3A_1589 = vector.shape_cast %get3A_1588 : vector<1x16xf32> to vector<16xf32>
      %mul3A_1590 = arith.mulf %sub3A_1585, %get3A_1589 : vector<16xf32>
      %add3A_1591 = arith.addf %add3A_1576, %mul3A_1590 : vector<16xf32>
      %get3A_1592 = arith.index_cast %add3A_1514 : i32 to index
      %get3A_1593 = arith.constant 80 : index
      %get3A_1594 = tpu.vector_load %arg8[%get3A_1592, %get3A_1593] {strides = array<i32>} : memref<64x128xf32, #tpu.memory_space<vmem>>, vector<1x16xf32>,
      %get3A_1595 = vector.shape_cast %get3A_1594 : vector<1x16xf32> to vector<16xf32>
      %get3A_1596 = arith.index_cast %add3A_1514 : i32 to index
      %get3A_1597 = arith.constant 80 : index
      %get3A_1598 = tpu.vector_load %arg9[%get3A_1596, %get3A_1597] {strides = array<i32>} : memref<64x128xf32, #tpu.memory_space<vmem>>, vector<1x16xf32>,
      %get3A_1599 = vector.shape_cast %get3A_1598 : vector<1x16xf32> to vector<16xf32>
      %sub3A_1600 = arith.subf %get3A_1595, %get3A_1599 : vector<16xf32>
      %get3A_1601 = arith.index_cast %add3A_1514 : i32 to index
      %get3A_1602 = arith.constant 80 : index
      %get3A_1603 = tpu.vector_load %arg10[%get3A_1601, %get3A_1602] {strides = array<i32>} : memref<64x128xf32, #tpu.memory_space<vmem>>, vector<1x16xf32>,
      %get3A_1604 = vector.shape_cast %get3A_1603 : vector<1x16xf32> to vector<16xf32>
      %mul3A_1605 = arith.mulf %sub3A_1600, %get3A_1604 : vector<16xf32>
      %add3A_1606 = arith.addf %add3A_1591, %mul3A_1605 : vector<16xf32>
      %get3A_1607 = arith.index_cast %add3A_1514 : i32 to index
      %get3A_1608 = arith.constant 96 : index
      %get3A_1609 = tpu.vector_load %arg8[%get3A_1607, %get3A_1608] {strides = array<i32>} : memref<64x128xf32, #tpu.memory_space<vmem>>, vector<1x16xf32>,
      %get3A_1610 = vector.shape_cast %get3A_1609 : vector<1x16xf32> to vector<16xf32>
      %get3A_1611 = arith.index_cast %add3A_1514 : i32 to index
      %get3A_1612 = arith.constant 96 : index
      %get3A_1613 = tpu.vector_load %arg9[%get3A_1611, %get3A_1612] {strides = array<i32>} : memref<64x128xf32, #tpu.memory_space<vmem>>, vector<1x16xf32>,
      %get3A_1614 = vector.shape_cast %get3A_1613 : vector<1x16xf32> to vector<16xf32>
      %sub3A_1615 = arith.subf %get3A_1610, %get3A_1614 : vector<16xf32>
      %get3A_1616 = arith.index_cast %add3A_1514 : i32 to index
      %get3A_1617 = arith.constant 96 : index
      %get3A_1618 = tpu.vector_load %arg10[%get3A_1616, %get3A_1617] {strides = array<i32>} : memref<64x128xf32, #tpu.memory_space<vmem>>, vector<1x16xf32>,
      %get3A_1619 = vector.shape_cast %get3A_1618 : vector<1x16xf32> to vector<16xf32>
      %mul3A_1620 = arith.mulf %sub3A_1615, %get3A_1619 : vector<16xf32>
      %add3A_1621 = arith.addf %add3A_1606, %mul3A_1620 : vector<16xf32>
      %get3A_1622 = arith.index_cast %add3A_1514 : i32 to index
      %get3A_1623 = arith.constant 112 : index
      %get3A_1624 = tpu.vector_load %arg8[%get3A_1622, %get3A_1623] {strides = array<i32>} : memref<64x128xf32, #tpu.memory_space<vmem>>, vector<1x16xf32>,
      %get3A_1625 = vector.shape_cast %get3A_1624 : vector<1x16xf32> to vector<16xf32>
      %get3A_1626 = arith.index_cast %add3A_1514 : i32 to index
      %get3A_1627 = arith.constant 112 : index
      %get3A_1628 = tpu.vector_load %arg9[%get3A_1626, %get3A_1627] {strides = array<i32>} : memref<64x128xf32, #tpu.memory_space<vmem>>, vector<1x16xf32>,
      %get3A_1629 = vector.shape_cast %get3A_1628 : vector<1x16xf32> to vector<16xf32>
      %sub3A_1630 = arith.subf %get3A_1625, %get3A_1629 : vector<16xf32>
      %get3A_1631 = arith.index_cast %add3A_1514 : i32 to index
      %get3A_1632 = arith.constant 112 : index
      %get3A_1633 = tpu.vector_load %arg10[%get3A_1631, %get3A_1632] {strides = array<i32>} : memref<64x128xf32, #tpu.memory_space<vmem>>, vector<1x16xf32>,
      %get3A_1634 = vector.shape_cast %get3A_1633 : vector<1x16xf32> to vector<16xf32>
      %mul3A_1635 = arith.mulf %sub3A_1630, %get3A_1634 : vector<16xf32>
      %add3A_1636 = arith.addf %add3A_1621, %mul3A_1635 : vector<16xf32>
      %swap3A_1637 = arith.constant 0 : index
      %swap3A_1638 = tpu.vector_load %arg11[%swap3A_1637] {strides = array<i32>} : memref<32xf32, #tpu.memory_space<vmem>>, vector<16xf32>,
      %swap3A_1639 = vector.shape_cast %swap3A_1638 : vector<16xf32> to vector<16xf32>
      %swap3A_1640 = vector.shape_cast %add3A_1636 : vector<16xf32> to vector<16xf32>
      tpu.vector_store %arg11[%swap3A_1637], %swap3A_1640 {strides = array<i32>} : memref<32xf32, #tpu.memory_space<vmem>>, vector<16xf32>,
      %get3A_1641 = arith.constant 8 : index
      %get3A_1642 = tpu.vector_load %arg11[%get3A_1641] {strides = array<i32>} : memref<32xf32, #tpu.memory_space<vmem>>, vector<16xf32>,
      %get3A_1643 = vector.shape_cast %get3A_1642 : vector<16xf32> to vector<16xf32>
      %add3A_1644 = arith.addf %add3A_1636, %get3A_1643 : vector<16xf32>
      %swap3A_1645 = arith.constant 0 : index
      %swap3A_1646 = tpu.vector_load %arg11[%swap3A_1645] {strides = array<i32>} : memref<32xf32, #tpu.memory_space<vmem>>, vector<16xf32>,
      %swap3A_1647 = vector.shape_cast %swap3A_1646 : vector<16xf32> to vector<16xf32>
      %swap3A_1648 = vector.shape_cast %add3A_1644 : vector<16xf32> to vector<16xf32>
      tpu.vector_store %arg11[%swap3A_1645], %swap3A_1648 {strides = array<i32>} : memref<32xf32, #tpu.memory_space<vmem>>, vector<16xf32>,
      %get3A_1649 = arith.constant 4 : index
      %get3A_1650 = tpu.vector_load %arg11[%get3A_1649] {strides = array<i32>} : memref<32xf32, #tpu.memory_space<vmem>>, vector<16xf32>,
      %get3A_1651 = vector.shape_cast %get3A_1650 : vector<16xf32> to vector<16xf32>
      %add3A_1652 = arith.addf %add3A_1644, %get3A_1651 : vector<16xf32>
      %swap3A_1653 = arith.constant 0 : index
      %swap3A_1654 = tpu.vector_load %arg11[%swap3A_1653] {strides = array<i32>} : memref<32xf32, #tpu.memory_space<vmem>>, vector<16xf32>,
      %swap3A_1655 = vector.shape_cast %swap3A_1654 : vector<16xf32> to vector<16xf32>
      %swap3A_1656 = vector.shape_cast %add3A_1652 : vector<16xf32> to vector<16xf32>
      tpu.vector_store %arg11[%swap3A_1653], %swap3A_1656 {strides = array<i32>} : memref<32xf32, #tpu.memory_space<vmem>>, vector<16xf32>,
      %get3A_1657 = arith.constant 2 : index
      %get3A_1658 = tpu.vector_load %arg11[%get3A_1657] {strides = array<i32>} : memref<32xf32, #tpu.memory_space<vmem>>, vector<16xf32>,
      %get3A_1659 = vector.shape_cast %get3A_1658 : vector<16xf32> to vector<16xf32>
      %add3A_1660 = arith.addf %add3A_1652, %get3A_1659 : vector<16xf32>
      %swap3A_1661 = arith.constant 0 : index
      %swap3A_1662 = tpu.vector_load %arg11[%swap3A_1661] {strides = array<i32>} : memref<32xf32, #tpu.memory_space<vmem>>, vector<16xf32>,
      %swap3A_1663 = vector.shape_cast %swap3A_1662 : vector<16xf32> to vector<16xf32>
      %swap3A_1664 = vector.shape_cast %add3A_1660 : vector<16xf32> to vector<16xf32>
      tpu.vector_store %arg11[%swap3A_1661], %swap3A_1664 {strides = array<i32>} : memref<32xf32, #tpu.memory_space<vmem>>, vector<16xf32>,
      %get3A_1665 = arith.constant 1 : index
      %get3A_1666 = tpu.vector_load %arg11[%get3A_1665] {strides = array<i32>} : memref<32xf32, #tpu.memory_space<vmem>>, vector<16xf32>,
      %get3A_1667 = vector.shape_cast %get3A_1666 : vector<16xf32> to vector<16xf32>
      %add3A_1668 = arith.addf %add3A_1660, %get3A_1667 : vector<16xf32>
      %eq3A_1669 = arith.constant 9 : i32
      %eq3A_1670 = vector.broadcast %eq3A_1669 : i32 to vector<16xi32>
      %eq3A_1671 = arith.cmpi eq, %iota3A, %eq3A_1670 : vector<16xi32>
      %slice3A_1672 = vector.extract_strided_slice %add3A_1668 {offsets = [0], sizes = [1], strides = [1]} : vector<16xf32> to vector<1xf32>
      %squeeze3A_1673 = vector.extract %slice3A_1672[0] : f32 from vector<1xf32>
      %broadcast_in_dim3A_1674 = vector.broadcast %squeeze3A_1673 : f32 to vector<16xf32>
      %select_n3A_1675 = arith.select %eq3A_1671, %broadcast_in_dim3A_1674, %select_n3A_1510 : vector<16xi1>, vector<16xf32>
      %mul3A_1676 = arith.constant 16 : i32
      %mul3A_1677 = arith.muli %scan3A_28, %mul3A_1676 : i32
      %add3A_1678 = arith.constant 10 : i32
      %add3A_1679 = arith.addi %mul3A_1677, %add3A_1678 : i32
      %broadcast_in_dim3A_1680 = arith.constant 0.000000e+00 : f32
      %broadcast_in_dim3A_1681 = vector.broadcast %broadcast_in_dim3A_1680 : f32 to vector<16xf32>
      %get3A_1682 = arith.index_cast %add3A_1679 : i32 to index
      %get3A_1683 = arith.constant 0 : index
      %get3A_1684 = tpu.vector_load %arg8[%get3A_1682, %get3A_1683] {strides = array<i32>} : memref<64x128xf32, #tpu.memory_space<vmem>>, vector<1x16xf32>,
      %get3A_1685 = vector.shape_cast %get3A_1684 : vector<1x16xf32> to vector<16xf32>
      %get3A_1686 = arith.index_cast %add3A_1679 : i32 to index
      %get3A_1687 = arith.constant 0 : index
      %get3A_1688 = tpu.vector_load %arg9[%get3A_1686, %get3A_1687] {strides = array<i32>} : memref<64x128xf32, #tpu.memory_space<vmem>>, vector<1x16xf32>,
      %get3A_1689 = vector.shape_cast %get3A_1688 : vector<1x16xf32> to vector<16xf32>
      %sub3A_1690 = arith.subf %get3A_1685, %get3A_1689 : vector<16xf32>
      %get3A_1691 = arith.index_cast %add3A_1679 : i32 to index
      %get3A_1692 = arith.constant 0 : index
      %get3A_1693 = tpu.vector_load %arg10[%get3A_1691, %get3A_1692] {strides = array<i32>} : memref<64x128xf32, #tpu.memory_space<vmem>>, vector<1x16xf32>,
      %get3A_1694 = vector.shape_cast %get3A_1693 : vector<1x16xf32> to vector<16xf32>
      %mul3A_1695 = arith.mulf %sub3A_1690, %get3A_1694 : vector<16xf32>
      %add3A_1696 = arith.addf %broadcast_in_dim3A_1681, %mul3A_1695 : vector<16xf32>
      %get3A_1697 = arith.index_cast %add3A_1679 : i32 to index
      %get3A_1698 = arith.constant 16 : index
      %get3A_1699 = tpu.vector_load %arg8[%get3A_1697, %get3A_1698] {strides = array<i32>} : memref<64x128xf32, #tpu.memory_space<vmem>>, vector<1x16xf32>,
      %get3A_1700 = vector.shape_cast %get3A_1699 : vector<1x16xf32> to vector<16xf32>
      %get3A_1701 = arith.index_cast %add3A_1679 : i32 to index
      %get3A_1702 = arith.constant 16 : index
      %get3A_1703 = tpu.vector_load %arg9[%get3A_1701, %get3A_1702] {strides = array<i32>} : memref<64x128xf32, #tpu.memory_space<vmem>>, vector<1x16xf32>,
      %get3A_1704 = vector.shape_cast %get3A_1703 : vector<1x16xf32> to vector<16xf32>
      %sub3A_1705 = arith.subf %get3A_1700, %get3A_1704 : vector<16xf32>
      %get3A_1706 = arith.index_cast %add3A_1679 : i32 to index
      %get3A_1707 = arith.constant 16 : index
      %get3A_1708 = tpu.vector_load %arg10[%get3A_1706, %get3A_1707] {strides = array<i32>} : memref<64x128xf32, #tpu.memory_space<vmem>>, vector<1x16xf32>,
      %get3A_1709 = vector.shape_cast %get3A_1708 : vector<1x16xf32> to vector<16xf32>
      %mul3A_1710 = arith.mulf %sub3A_1705, %get3A_1709 : vector<16xf32>
      %add3A_1711 = arith.addf %add3A_1696, %mul3A_1710 : vector<16xf32>
      %get3A_1712 = arith.index_cast %add3A_1679 : i32 to index
      %get3A_1713 = arith.constant 32 : index
      %get3A_1714 = tpu.vector_load %arg8[%get3A_1712, %get3A_1713] {strides = array<i32>} : memref<64x128xf32, #tpu.memory_space<vmem>>, vector<1x16xf32>,
      %get3A_1715 = vector.shape_cast %get3A_1714 : vector<1x16xf32> to vector<16xf32>
      %get3A_1716 = arith.index_cast %add3A_1679 : i32 to index
      %get3A_1717 = arith.constant 32 : index
      %get3A_1718 = tpu.vector_load %arg9[%get3A_1716, %get3A_1717] {strides = array<i32>} : memref<64x128xf32, #tpu.memory_space<vmem>>, vector<1x16xf32>,
      %get3A_1719 = vector.shape_cast %get3A_1718 : vector<1x16xf32> to vector<16xf32>
      %sub3A_1720 = arith.subf %get3A_1715, %get3A_1719 : vector<16xf32>
      %get3A_1721 = arith.index_cast %add3A_1679 : i32 to index
      %get3A_1722 = arith.constant 32 : index
      %get3A_1723 = tpu.vector_load %arg10[%get3A_1721, %get3A_1722] {strides = array<i32>} : memref<64x128xf32, #tpu.memory_space<vmem>>, vector<1x16xf32>,
      %get3A_1724 = vector.shape_cast %get3A_1723 : vector<1x16xf32> to vector<16xf32>
      %mul3A_1725 = arith.mulf %sub3A_1720, %get3A_1724 : vector<16xf32>
      %add3A_1726 = arith.addf %add3A_1711, %mul3A_1725 : vector<16xf32>
      %get3A_1727 = arith.index_cast %add3A_1679 : i32 to index
      %get3A_1728 = arith.constant 48 : index
      %get3A_1729 = tpu.vector_load %arg8[%get3A_1727, %get3A_1728] {strides = array<i32>} : memref<64x128xf32, #tpu.memory_space<vmem>>, vector<1x16xf32>,
      %get3A_1730 = vector.shape_cast %get3A_1729 : vector<1x16xf32> to vector<16xf32>
      %get3A_1731 = arith.index_cast %add3A_1679 : i32 to index
      %get3A_1732 = arith.constant 48 : index
      %get3A_1733 = tpu.vector_load %arg9[%get3A_1731, %get3A_1732] {strides = array<i32>} : memref<64x128xf32, #tpu.memory_space<vmem>>, vector<1x16xf32>,
      %get3A_1734 = vector.shape_cast %get3A_1733 : vector<1x16xf32> to vector<16xf32>
      %sub3A_1735 = arith.subf %get3A_1730, %get3A_1734 : vector<16xf32>
      %get3A_1736 = arith.index_cast %add3A_1679 : i32 to index
      %get3A_1737 = arith.constant 48 : index
      %get3A_1738 = tpu.vector_load %arg10[%get3A_1736, %get3A_1737] {strides = array<i32>} : memref<64x128xf32, #tpu.memory_space<vmem>>, vector<1x16xf32>,
      %get3A_1739 = vector.shape_cast %get3A_1738 : vector<1x16xf32> to vector<16xf32>
      %mul3A_1740 = arith.mulf %sub3A_1735, %get3A_1739 : vector<16xf32>
      %add3A_1741 = arith.addf %add3A_1726, %mul3A_1740 : vector<16xf32>
      %get3A_1742 = arith.index_cast %add3A_1679 : i32 to index
      %get3A_1743 = arith.constant 64 : index
      %get3A_1744 = tpu.vector_load %arg8[%get3A_1742, %get3A_1743] {strides = array<i32>} : memref<64x128xf32, #tpu.memory_space<vmem>>, vector<1x16xf32>,
      %get3A_1745 = vector.shape_cast %get3A_1744 : vector<1x16xf32> to vector<16xf32>
      %get3A_1746 = arith.index_cast %add3A_1679 : i32 to index
      %get3A_1747 = arith.constant 64 : index
      %get3A_1748 = tpu.vector_load %arg9[%get3A_1746, %get3A_1747] {strides = array<i32>} : memref<64x128xf32, #tpu.memory_space<vmem>>, vector<1x16xf32>,
      %get3A_1749 = vector.shape_cast %get3A_1748 : vector<1x16xf32> to vector<16xf32>
      %sub3A_1750 = arith.subf %get3A_1745, %get3A_1749 : vector<16xf32>
      %get3A_1751 = arith.index_cast %add3A_1679 : i32 to index
      %get3A_1752 = arith.constant 64 : index
      %get3A_1753 = tpu.vector_load %arg10[%get3A_1751, %get3A_1752] {strides = array<i32>} : memref<64x128xf32, #tpu.memory_space<vmem>>, vector<1x16xf32>,
      %get3A_1754 = vector.shape_cast %get3A_1753 : vector<1x16xf32> to vector<16xf32>
      %mul3A_1755 = arith.mulf %sub3A_1750, %get3A_1754 : vector<16xf32>
      %add3A_1756 = arith.addf %add3A_1741, %mul3A_1755 : vector<16xf32>
      %get3A_1757 = arith.index_cast %add3A_1679 : i32 to index
      %get3A_1758 = arith.constant 80 : index
      %get3A_1759 = tpu.vector_load %arg8[%get3A_1757, %get3A_1758] {strides = array<i32>} : memref<64x128xf32, #tpu.memory_space<vmem>>, vector<1x16xf32>,
      %get3A_1760 = vector.shape_cast %get3A_1759 : vector<1x16xf32> to vector<16xf32>
      %get3A_1761 = arith.index_cast %add3A_1679 : i32 to index
      %get3A_1762 = arith.constant 80 : index
      %get3A_1763 = tpu.vector_load %arg9[%get3A_1761, %get3A_1762] {strides = array<i32>} : memref<64x128xf32, #tpu.memory_space<vmem>>, vector<1x16xf32>,
      %get3A_1764 = vector.shape_cast %get3A_1763 : vector<1x16xf32> to vector<16xf32>
      %sub3A_1765 = arith.subf %get3A_1760, %get3A_1764 : vector<16xf32>
      %get3A_1766 = arith.index_cast %add3A_1679 : i32 to index
      %get3A_1767 = arith.constant 80 : index
      %get3A_1768 = tpu.vector_load %arg10[%get3A_1766, %get3A_1767] {strides = array<i32>} : memref<64x128xf32, #tpu.memory_space<vmem>>, vector<1x16xf32>,
      %get3A_1769 = vector.shape_cast %get3A_1768 : vector<1x16xf32> to vector<16xf32>
      %mul3A_1770 = arith.mulf %sub3A_1765, %get3A_1769 : vector<16xf32>
      %add3A_1771 = arith.addf %add3A_1756, %mul3A_1770 : vector<16xf32>
      %get3A_1772 = arith.index_cast %add3A_1679 : i32 to index
      %get3A_1773 = arith.constant 96 : index
      %get3A_1774 = tpu.vector_load %arg8[%get3A_1772, %get3A_1773] {strides = array<i32>} : memref<64x128xf32, #tpu.memory_space<vmem>>, vector<1x16xf32>,
      %get3A_1775 = vector.shape_cast %get3A_1774 : vector<1x16xf32> to vector<16xf32>
      %get3A_1776 = arith.index_cast %add3A_1679 : i32 to index
      %get3A_1777 = arith.constant 96 : index
      %get3A_1778 = tpu.vector_load %arg9[%get3A_1776, %get3A_1777] {strides = array<i32>} : memref<64x128xf32, #tpu.memory_space<vmem>>, vector<1x16xf32>,
      %get3A_1779 = vector.shape_cast %get3A_1778 : vector<1x16xf32> to vector<16xf32>
      %sub3A_1780 = arith.subf %get3A_1775, %get3A_1779 : vector<16xf32>
      %get3A_1781 = arith.index_cast %add3A_1679 : i32 to index
      %get3A_1782 = arith.constant 96 : index
      %get3A_1783 = tpu.vector_load %arg10[%get3A_1781, %get3A_1782] {strides = array<i32>} : memref<64x128xf32, #tpu.memory_space<vmem>>, vector<1x16xf32>,
      %get3A_1784 = vector.shape_cast %get3A_1783 : vector<1x16xf32> to vector<16xf32>
      %mul3A_1785 = arith.mulf %sub3A_1780, %get3A_1784 : vector<16xf32>
      %add3A_1786 = arith.addf %add3A_1771, %mul3A_1785 : vector<16xf32>
      %get3A_1787 = arith.index_cast %add3A_1679 : i32 to index
      %get3A_1788 = arith.constant 112 : index
      %get3A_1789 = tpu.vector_load %arg8[%get3A_1787, %get3A_1788] {strides = array<i32>} : memref<64x128xf32, #tpu.memory_space<vmem>>, vector<1x16xf32>,
      %get3A_1790 = vector.shape_cast %get3A_1789 : vector<1x16xf32> to vector<16xf32>
      %get3A_1791 = arith.index_cast %add3A_1679 : i32 to index
      %get3A_1792 = arith.constant 112 : index
      %get3A_1793 = tpu.vector_load %arg9[%get3A_1791, %get3A_1792] {strides = array<i32>} : memref<64x128xf32, #tpu.memory_space<vmem>>, vector<1x16xf32>,
      %get3A_1794 = vector.shape_cast %get3A_1793 : vector<1x16xf32> to vector<16xf32>
      %sub3A_1795 = arith.subf %get3A_1790, %get3A_1794 : vector<16xf32>
      %get3A_1796 = arith.index_cast %add3A_1679 : i32 to index
      %get3A_1797 = arith.constant 112 : index
      %get3A_1798 = tpu.vector_load %arg10[%get3A_1796, %get3A_1797] {strides = array<i32>} : memref<64x128xf32, #tpu.memory_space<vmem>>, vector<1x16xf32>,
      %get3A_1799 = vector.shape_cast %get3A_1798 : vector<1x16xf32> to vector<16xf32>
      %mul3A_1800 = arith.mulf %sub3A_1795, %get3A_1799 : vector<16xf32>
      %add3A_1801 = arith.addf %add3A_1786, %mul3A_1800 : vector<16xf32>
      %swap3A_1802 = arith.constant 0 : index
      %swap3A_1803 = tpu.vector_load %arg11[%swap3A_1802] {strides = array<i32>} : memref<32xf32, #tpu.memory_space<vmem>>, vector<16xf32>,
      %swap3A_1804 = vector.shape_cast %swap3A_1803 : vector<16xf32> to vector<16xf32>
      %swap3A_1805 = vector.shape_cast %add3A_1801 : vector<16xf32> to vector<16xf32>
      tpu.vector_store %arg11[%swap3A_1802], %swap3A_1805 {strides = array<i32>} : memref<32xf32, #tpu.memory_space<vmem>>, vector<16xf32>,
      %get3A_1806 = arith.constant 8 : index
      %get3A_1807 = tpu.vector_load %arg11[%get3A_1806] {strides = array<i32>} : memref<32xf32, #tpu.memory_space<vmem>>, vector<16xf32>,
      %get3A_1808 = vector.shape_cast %get3A_1807 : vector<16xf32> to vector<16xf32>
      %add3A_1809 = arith.addf %add3A_1801, %get3A_1808 : vector<16xf32>
      %swap3A_1810 = arith.constant 0 : index
      %swap3A_1811 = tpu.vector_load %arg11[%swap3A_1810] {strides = array<i32>} : memref<32xf32, #tpu.memory_space<vmem>>, vector<16xf32>,
      %swap3A_1812 = vector.shape_cast %swap3A_1811 : vector<16xf32> to vector<16xf32>
      %swap3A_1813 = vector.shape_cast %add3A_1809 : vector<16xf32> to vector<16xf32>
      tpu.vector_store %arg11[%swap3A_1810], %swap3A_1813 {strides = array<i32>} : memref<32xf32, #tpu.memory_space<vmem>>, vector<16xf32>,
      %get3A_1814 = arith.constant 4 : index
      %get3A_1815 = tpu.vector_load %arg11[%get3A_1814] {strides = array<i32>} : memref<32xf32, #tpu.memory_space<vmem>>, vector<16xf32>,
      %get3A_1816 = vector.shape_cast %get3A_1815 : vector<16xf32> to vector<16xf32>
      %add3A_1817 = arith.addf %add3A_1809, %get3A_1816 : vector<16xf32>
      %swap3A_1818 = arith.constant 0 : index
      %swap3A_1819 = tpu.vector_load %arg11[%swap3A_1818] {strides = array<i32>} : memref<32xf32, #tpu.memory_space<vmem>>, vector<16xf32>,
      %swap3A_1820 = vector.shape_cast %swap3A_1819 : vector<16xf32> to vector<16xf32>
      %swap3A_1821 = vector.shape_cast %add3A_1817 : vector<16xf32> to vector<16xf32>
      tpu.vector_store %arg11[%swap3A_1818], %swap3A_1821 {strides = array<i32>} : memref<32xf32, #tpu.memory_space<vmem>>, vector<16xf32>,
      %get3A_1822 = arith.constant 2 : index
      %get3A_1823 = tpu.vector_load %arg11[%get3A_1822] {strides = array<i32>} : memref<32xf32, #tpu.memory_space<vmem>>, vector<16xf32>,
      %get3A_1824 = vector.shape_cast %get3A_1823 : vector<16xf32> to vector<16xf32>
      %add3A_1825 = arith.addf %add3A_1817, %get3A_1824 : vector<16xf32>
      %swap3A_1826 = arith.constant 0 : index
      %swap3A_1827 = tpu.vector_load %arg11[%swap3A_1826] {strides = array<i32>} : memref<32xf32, #tpu.memory_space<vmem>>, vector<16xf32>,
      %swap3A_1828 = vector.shape_cast %swap3A_1827 : vector<16xf32> to vector<16xf32>
      %swap3A_1829 = vector.shape_cast %add3A_1825 : vector<16xf32> to vector<16xf32>
      tpu.vector_store %arg11[%swap3A_1826], %swap3A_1829 {strides = array<i32>} : memref<32xf32, #tpu.memory_space<vmem>>, vector<16xf32>,
      %get3A_1830 = arith.constant 1 : index
      %get3A_1831 = tpu.vector_load %arg11[%get3A_1830] {strides = array<i32>} : memref<32xf32, #tpu.memory_space<vmem>>, vector<16xf32>,
      %get3A_1832 = vector.shape_cast %get3A_1831 : vector<16xf32> to vector<16xf32>
      %add3A_1833 = arith.addf %add3A_1825, %get3A_1832 : vector<16xf32>
      %eq3A_1834 = arith.constant 10 : i32
      %eq3A_1835 = vector.broadcast %eq3A_1834 : i32 to vector<16xi32>
      %eq3A_1836 = arith.cmpi eq, %iota3A, %eq3A_1835 : vector<16xi32>
      %slice3A_1837 = vector.extract_strided_slice %add3A_1833 {offsets = [0], sizes = [1], strides = [1]} : vector<16xf32> to vector<1xf32>
      %squeeze3A_1838 = vector.extract %slice3A_1837[0] : f32 from vector<1xf32>
      %broadcast_in_dim3A_1839 = vector.broadcast %squeeze3A_1838 : f32 to vector<16xf32>
      %select_n3A_1840 = arith.select %eq3A_1836, %broadcast_in_dim3A_1839, %select_n3A_1675 : vector<16xi1>, vector<16xf32>
      %mul3A_1841 = arith.constant 16 : i32
      %mul3A_1842 = arith.muli %scan3A_28, %mul3A_1841 : i32
      %add3A_1843 = arith.constant 11 : i32
      %add3A_1844 = arith.addi %mul3A_1842, %add3A_1843 : i32
      %broadcast_in_dim3A_1845 = arith.constant 0.000000e+00 : f32
      %broadcast_in_dim3A_1846 = vector.broadcast %broadcast_in_dim3A_1845 : f32 to vector<16xf32>
      %get3A_1847 = arith.index_cast %add3A_1844 : i32 to index
      %get3A_1848 = arith.constant 0 : index
      %get3A_1849 = tpu.vector_load %arg8[%get3A_1847, %get3A_1848] {strides = array<i32>} : memref<64x128xf32, #tpu.memory_space<vmem>>, vector<1x16xf32>,
      %get3A_1850 = vector.shape_cast %get3A_1849 : vector<1x16xf32> to vector<16xf32>
      %get3A_1851 = arith.index_cast %add3A_1844 : i32 to index
      %get3A_1852 = arith.constant 0 : index
      %get3A_1853 = tpu.vector_load %arg9[%get3A_1851, %get3A_1852] {strides = array<i32>} : memref<64x128xf32, #tpu.memory_space<vmem>>, vector<1x16xf32>,
      %get3A_1854 = vector.shape_cast %get3A_1853 : vector<1x16xf32> to vector<16xf32>
      %sub3A_1855 = arith.subf %get3A_1850, %get3A_1854 : vector<16xf32>
      %get3A_1856 = arith.index_cast %add3A_1844 : i32 to index
      %get3A_1857 = arith.constant 0 : index
      %get3A_1858 = tpu.vector_load %arg10[%get3A_1856, %get3A_1857] {strides = array<i32>} : memref<64x128xf32, #tpu.memory_space<vmem>>, vector<1x16xf32>,
      %get3A_1859 = vector.shape_cast %get3A_1858 : vector<1x16xf32> to vector<16xf32>
      %mul3A_1860 = arith.mulf %sub3A_1855, %get3A_1859 : vector<16xf32>
      %add3A_1861 = arith.addf %broadcast_in_dim3A_1846, %mul3A_1860 : vector<16xf32>
      %get3A_1862 = arith.index_cast %add3A_1844 : i32 to index
      %get3A_1863 = arith.constant 16 : index
      %get3A_1864 = tpu.vector_load %arg8[%get3A_1862, %get3A_1863] {strides = array<i32>} : memref<64x128xf32, #tpu.memory_space<vmem>>, vector<1x16xf32>,
      %get3A_1865 = vector.shape_cast %get3A_1864 : vector<1x16xf32> to vector<16xf32>
      %get3A_1866 = arith.index_cast %add3A_1844 : i32 to index
      %get3A_1867 = arith.constant 16 : index
      %get3A_1868 = tpu.vector_load %arg9[%get3A_1866, %get3A_1867] {strides = array<i32>} : memref<64x128xf32, #tpu.memory_space<vmem>>, vector<1x16xf32>,
      %get3A_1869 = vector.shape_cast %get3A_1868 : vector<1x16xf32> to vector<16xf32>
      %sub3A_1870 = arith.subf %get3A_1865, %get3A_1869 : vector<16xf32>
      %get3A_1871 = arith.index_cast %add3A_1844 : i32 to index
      %get3A_1872 = arith.constant 16 : index
      %get3A_1873 = tpu.vector_load %arg10[%get3A_1871, %get3A_1872] {strides = array<i32>} : memref<64x128xf32, #tpu.memory_space<vmem>>, vector<1x16xf32>,
      %get3A_1874 = vector.shape_cast %get3A_1873 : vector<1x16xf32> to vector<16xf32>
      %mul3A_1875 = arith.mulf %sub3A_1870, %get3A_1874 : vector<16xf32>
      %add3A_1876 = arith.addf %add3A_1861, %mul3A_1875 : vector<16xf32>
      %get3A_1877 = arith.index_cast %add3A_1844 : i32 to index
      %get3A_1878 = arith.constant 32 : index
      %get3A_1879 = tpu.vector_load %arg8[%get3A_1877, %get3A_1878] {strides = array<i32>} : memref<64x128xf32, #tpu.memory_space<vmem>>, vector<1x16xf32>,
      %get3A_1880 = vector.shape_cast %get3A_1879 : vector<1x16xf32> to vector<16xf32>
      %get3A_1881 = arith.index_cast %add3A_1844 : i32 to index
      %get3A_1882 = arith.constant 32 : index
      %get3A_1883 = tpu.vector_load %arg9[%get3A_1881, %get3A_1882] {strides = array<i32>} : memref<64x128xf32, #tpu.memory_space<vmem>>, vector<1x16xf32>,
      %get3A_1884 = vector.shape_cast %get3A_1883 : vector<1x16xf32> to vector<16xf32>
      %sub3A_1885 = arith.subf %get3A_1880, %get3A_1884 : vector<16xf32>
      %get3A_1886 = arith.index_cast %add3A_1844 : i32 to index
      %get3A_1887 = arith.constant 32 : index
      %get3A_1888 = tpu.vector_load %arg10[%get3A_1886, %get3A_1887] {strides = array<i32>} : memref<64x128xf32, #tpu.memory_space<vmem>>, vector<1x16xf32>,
      %get3A_1889 = vector.shape_cast %get3A_1888 : vector<1x16xf32> to vector<16xf32>
      %mul3A_1890 = arith.mulf %sub3A_1885, %get3A_1889 : vector<16xf32>
      %add3A_1891 = arith.addf %add3A_1876, %mul3A_1890 : vector<16xf32>
      %get3A_1892 = arith.index_cast %add3A_1844 : i32 to index
      %get3A_1893 = arith.constant 48 : index
      %get3A_1894 = tpu.vector_load %arg8[%get3A_1892, %get3A_1893] {strides = array<i32>} : memref<64x128xf32, #tpu.memory_space<vmem>>, vector<1x16xf32>,
      %get3A_1895 = vector.shape_cast %get3A_1894 : vector<1x16xf32> to vector<16xf32>
      %get3A_1896 = arith.index_cast %add3A_1844 : i32 to index
      %get3A_1897 = arith.constant 48 : index
      %get3A_1898 = tpu.vector_load %arg9[%get3A_1896, %get3A_1897] {strides = array<i32>} : memref<64x128xf32, #tpu.memory_space<vmem>>, vector<1x16xf32>,
      %get3A_1899 = vector.shape_cast %get3A_1898 : vector<1x16xf32> to vector<16xf32>
      %sub3A_1900 = arith.subf %get3A_1895, %get3A_1899 : vector<16xf32>
      %get3A_1901 = arith.index_cast %add3A_1844 : i32 to index
      %get3A_1902 = arith.constant 48 : index
      %get3A_1903 = tpu.vector_load %arg10[%get3A_1901, %get3A_1902] {strides = array<i32>} : memref<64x128xf32, #tpu.memory_space<vmem>>, vector<1x16xf32>,
      %get3A_1904 = vector.shape_cast %get3A_1903 : vector<1x16xf32> to vector<16xf32>
      %mul3A_1905 = arith.mulf %sub3A_1900, %get3A_1904 : vector<16xf32>
      %add3A_1906 = arith.addf %add3A_1891, %mul3A_1905 : vector<16xf32>
      %get3A_1907 = arith.index_cast %add3A_1844 : i32 to index
      %get3A_1908 = arith.constant 64 : index
      %get3A_1909 = tpu.vector_load %arg8[%get3A_1907, %get3A_1908] {strides = array<i32>} : memref<64x128xf32, #tpu.memory_space<vmem>>, vector<1x16xf32>,
      %get3A_1910 = vector.shape_cast %get3A_1909 : vector<1x16xf32> to vector<16xf32>
      %get3A_1911 = arith.index_cast %add3A_1844 : i32 to index
      %get3A_1912 = arith.constant 64 : index
      %get3A_1913 = tpu.vector_load %arg9[%get3A_1911, %get3A_1912] {strides = array<i32>} : memref<64x128xf32, #tpu.memory_space<vmem>>, vector<1x16xf32>,
      %get3A_1914 = vector.shape_cast %get3A_1913 : vector<1x16xf32> to vector<16xf32>
      %sub3A_1915 = arith.subf %get3A_1910, %get3A_1914 : vector<16xf32>
      %get3A_1916 = arith.index_cast %add3A_1844 : i32 to index
      %get3A_1917 = arith.constant 64 : index
      %get3A_1918 = tpu.vector_load %arg10[%get3A_1916, %get3A_1917] {strides = array<i32>} : memref<64x128xf32, #tpu.memory_space<vmem>>, vector<1x16xf32>,
      %get3A_1919 = vector.shape_cast %get3A_1918 : vector<1x16xf32> to vector<16xf32>
      %mul3A_1920 = arith.mulf %sub3A_1915, %get3A_1919 : vector<16xf32>
      %add3A_1921 = arith.addf %add3A_1906, %mul3A_1920 : vector<16xf32>
      %get3A_1922 = arith.index_cast %add3A_1844 : i32 to index
      %get3A_1923 = arith.constant 80 : index
      %get3A_1924 = tpu.vector_load %arg8[%get3A_1922, %get3A_1923] {strides = array<i32>} : memref<64x128xf32, #tpu.memory_space<vmem>>, vector<1x16xf32>,
      %get3A_1925 = vector.shape_cast %get3A_1924 : vector<1x16xf32> to vector<16xf32>
      %get3A_1926 = arith.index_cast %add3A_1844 : i32 to index
      %get3A_1927 = arith.constant 80 : index
      %get3A_1928 = tpu.vector_load %arg9[%get3A_1926, %get3A_1927] {strides = array<i32>} : memref<64x128xf32, #tpu.memory_space<vmem>>, vector<1x16xf32>,
      %get3A_1929 = vector.shape_cast %get3A_1928 : vector<1x16xf32> to vector<16xf32>
      %sub3A_1930 = arith.subf %get3A_1925, %get3A_1929 : vector<16xf32>
      %get3A_1931 = arith.index_cast %add3A_1844 : i32 to index
      %get3A_1932 = arith.constant 80 : index
      %get3A_1933 = tpu.vector_load %arg10[%get3A_1931, %get3A_1932] {strides = array<i32>} : memref<64x128xf32, #tpu.memory_space<vmem>>, vector<1x16xf32>,
      %get3A_1934 = vector.shape_cast %get3A_1933 : vector<1x16xf32> to vector<16xf32>
      %mul3A_1935 = arith.mulf %sub3A_1930, %get3A_1934 : vector<16xf32>
      %add3A_1936 = arith.addf %add3A_1921, %mul3A_1935 : vector<16xf32>
      %get3A_1937 = arith.index_cast %add3A_1844 : i32 to index
      %get3A_1938 = arith.constant 96 : index
      %get3A_1939 = tpu.vector_load %arg8[%get3A_1937, %get3A_1938] {strides = array<i32>} : memref<64x128xf32, #tpu.memory_space<vmem>>, vector<1x16xf32>,
      %get3A_1940 = vector.shape_cast %get3A_1939 : vector<1x16xf32> to vector<16xf32>
      %get3A_1941 = arith.index_cast %add3A_1844 : i32 to index
      %get3A_1942 = arith.constant 96 : index
      %get3A_1943 = tpu.vector_load %arg9[%get3A_1941, %get3A_1942] {strides = array<i32>} : memref<64x128xf32, #tpu.memory_space<vmem>>, vector<1x16xf32>,
      %get3A_1944 = vector.shape_cast %get3A_1943 : vector<1x16xf32> to vector<16xf32>
      %sub3A_1945 = arith.subf %get3A_1940, %get3A_1944 : vector<16xf32>
      %get3A_1946 = arith.index_cast %add3A_1844 : i32 to index
      %get3A_1947 = arith.constant 96 : index
      %get3A_1948 = tpu.vector_load %arg10[%get3A_1946, %get3A_1947] {strides = array<i32>} : memref<64x128xf32, #tpu.memory_space<vmem>>, vector<1x16xf32>,
      %get3A_1949 = vector.shape_cast %get3A_1948 : vector<1x16xf32> to vector<16xf32>
      %mul3A_1950 = arith.mulf %sub3A_1945, %get3A_1949 : vector<16xf32>
      %add3A_1951 = arith.addf %add3A_1936, %mul3A_1950 : vector<16xf32>
      %get3A_1952 = arith.index_cast %add3A_1844 : i32 to index
      %get3A_1953 = arith.constant 112 : index
      %get3A_1954 = tpu.vector_load %arg8[%get3A_1952, %get3A_1953] {strides = array<i32>} : memref<64x128xf32, #tpu.memory_space<vmem>>, vector<1x16xf32>,
      %get3A_1955 = vector.shape_cast %get3A_1954 : vector<1x16xf32> to vector<16xf32>
      %get3A_1956 = arith.index_cast %add3A_1844 : i32 to index
      %get3A_1957 = arith.constant 112 : index
      %get3A_1958 = tpu.vector_load %arg9[%get3A_1956, %get3A_1957] {strides = array<i32>} : memref<64x128xf32, #tpu.memory_space<vmem>>, vector<1x16xf32>,
      %get3A_1959 = vector.shape_cast %get3A_1958 : vector<1x16xf32> to vector<16xf32>
      %sub3A_1960 = arith.subf %get3A_1955, %get3A_1959 : vector<16xf32>
      %get3A_1961 = arith.index_cast %add3A_1844 : i32 to index
      %get3A_1962 = arith.constant 112 : index
      %get3A_1963 = tpu.vector_load %arg10[%get3A_1961, %get3A_1962] {strides = array<i32>} : memref<64x128xf32, #tpu.memory_space<vmem>>, vector<1x16xf32>,
      %get3A_1964 = vector.shape_cast %get3A_1963 : vector<1x16xf32> to vector<16xf32>
      %mul3A_1965 = arith.mulf %sub3A_1960, %get3A_1964 : vector<16xf32>
      %add3A_1966 = arith.addf %add3A_1951, %mul3A_1965 : vector<16xf32>
      %swap3A_1967 = arith.constant 0 : index
      %swap3A_1968 = tpu.vector_load %arg11[%swap3A_1967] {strides = array<i32>} : memref<32xf32, #tpu.memory_space<vmem>>, vector<16xf32>,
      %swap3A_1969 = vector.shape_cast %swap3A_1968 : vector<16xf32> to vector<16xf32>
      %swap3A_1970 = vector.shape_cast %add3A_1966 : vector<16xf32> to vector<16xf32>
      tpu.vector_store %arg11[%swap3A_1967], %swap3A_1970 {strides = array<i32>} : memref<32xf32, #tpu.memory_space<vmem>>, vector<16xf32>,
      %get3A_1971 = arith.constant 8 : index
      %get3A_1972 = tpu.vector_load %arg11[%get3A_1971] {strides = array<i32>} : memref<32xf32, #tpu.memory_space<vmem>>, vector<16xf32>,
      %get3A_1973 = vector.shape_cast %get3A_1972 : vector<16xf32> to vector<16xf32>
      %add3A_1974 = arith.addf %add3A_1966, %get3A_1973 : vector<16xf32>
      %swap3A_1975 = arith.constant 0 : index
      %swap3A_1976 = tpu.vector_load %arg11[%swap3A_1975] {strides = array<i32>} : memref<32xf32, #tpu.memory_space<vmem>>, vector<16xf32>,
      %swap3A_1977 = vector.shape_cast %swap3A_1976 : vector<16xf32> to vector<16xf32>
      %swap3A_1978 = vector.shape_cast %add3A_1974 : vector<16xf32> to vector<16xf32>
      tpu.vector_store %arg11[%swap3A_1975], %swap3A_1978 {strides = array<i32>} : memref<32xf32, #tpu.memory_space<vmem>>, vector<16xf32>,
      %get3A_1979 = arith.constant 4 : index
      %get3A_1980 = tpu.vector_load %arg11[%get3A_1979] {strides = array<i32>} : memref<32xf32, #tpu.memory_space<vmem>>, vector<16xf32>,
      %get3A_1981 = vector.shape_cast %get3A_1980 : vector<16xf32> to vector<16xf32>
      %add3A_1982 = arith.addf %add3A_1974, %get3A_1981 : vector<16xf32>
      %swap3A_1983 = arith.constant 0 : index
      %swap3A_1984 = tpu.vector_load %arg11[%swap3A_1983] {strides = array<i32>} : memref<32xf32, #tpu.memory_space<vmem>>, vector<16xf32>,
      %swap3A_1985 = vector.shape_cast %swap3A_1984 : vector<16xf32> to vector<16xf32>
      %swap3A_1986 = vector.shape_cast %add3A_1982 : vector<16xf32> to vector<16xf32>
      tpu.vector_store %arg11[%swap3A_1983], %swap3A_1986 {strides = array<i32>} : memref<32xf32, #tpu.memory_space<vmem>>, vector<16xf32>,
      %get3A_1987 = arith.constant 2 : index
      %get3A_1988 = tpu.vector_load %arg11[%get3A_1987] {strides = array<i32>} : memref<32xf32, #tpu.memory_space<vmem>>, vector<16xf32>,
      %get3A_1989 = vector.shape_cast %get3A_1988 : vector<16xf32> to vector<16xf32>
      %add3A_1990 = arith.addf %add3A_1982, %get3A_1989 : vector<16xf32>
      %swap3A_1991 = arith.constant 0 : index
      %swap3A_1992 = tpu.vector_load %arg11[%swap3A_1991] {strides = array<i32>} : memref<32xf32, #tpu.memory_space<vmem>>, vector<16xf32>,
      %swap3A_1993 = vector.shape_cast %swap3A_1992 : vector<16xf32> to vector<16xf32>
      %swap3A_1994 = vector.shape_cast %add3A_1990 : vector<16xf32> to vector<16xf32>
      tpu.vector_store %arg11[%swap3A_1991], %swap3A_1994 {strides = array<i32>} : memref<32xf32, #tpu.memory_space<vmem>>, vector<16xf32>,
      %get3A_1995 = arith.constant 1 : index
      %get3A_1996 = tpu.vector_load %arg11[%get3A_1995] {strides = array<i32>} : memref<32xf32, #tpu.memory_space<vmem>>, vector<16xf32>,
      %get3A_1997 = vector.shape_cast %get3A_1996 : vector<16xf32> to vector<16xf32>
      %add3A_1998 = arith.addf %add3A_1990, %get3A_1997 : vector<16xf32>
      %eq3A_1999 = arith.constant 11 : i32
      %eq3A_2000 = vector.broadcast %eq3A_1999 : i32 to vector<16xi32>
      %eq3A_2001 = arith.cmpi eq, %iota3A, %eq3A_2000 : vector<16xi32>
      %slice3A_2002 = vector.extract_strided_slice %add3A_1998 {offsets = [0], sizes = [1], strides = [1]} : vector<16xf32> to vector<1xf32>
      %squeeze3A_2003 = vector.extract %slice3A_2002[0] : f32 from vector<1xf32>
      %broadcast_in_dim3A_2004 = vector.broadcast %squeeze3A_2003 : f32 to vector<16xf32>
      %select_n3A_2005 = arith.select %eq3A_2001, %broadcast_in_dim3A_2004, %select_n3A_1840 : vector<16xi1>, vector<16xf32>
      %mul3A_2006 = arith.constant 16 : i32
      %mul3A_2007 = arith.muli %scan3A_28, %mul3A_2006 : i32
      %add3A_2008 = arith.constant 12 : i32
      %add3A_2009 = arith.addi %mul3A_2007, %add3A_2008 : i32
      %broadcast_in_dim3A_2010 = arith.constant 0.000000e+00 : f32
      %broadcast_in_dim3A_2011 = vector.broadcast %broadcast_in_dim3A_2010 : f32 to vector<16xf32>
      %get3A_2012 = arith.index_cast %add3A_2009 : i32 to index
      %get3A_2013 = arith.constant 0 : index
      %get3A_2014 = tpu.vector_load %arg8[%get3A_2012, %get3A_2013] {strides = array<i32>} : memref<64x128xf32, #tpu.memory_space<vmem>>, vector<1x16xf32>,
      %get3A_2015 = vector.shape_cast %get3A_2014 : vector<1x16xf32> to vector<16xf32>
      %get3A_2016 = arith.index_cast %add3A_2009 : i32 to index
      %get3A_2017 = arith.constant 0 : index
      %get3A_2018 = tpu.vector_load %arg9[%get3A_2016, %get3A_2017] {strides = array<i32>} : memref<64x128xf32, #tpu.memory_space<vmem>>, vector<1x16xf32>,
      %get3A_2019 = vector.shape_cast %get3A_2018 : vector<1x16xf32> to vector<16xf32>
      %sub3A_2020 = arith.subf %get3A_2015, %get3A_2019 : vector<16xf32>
      %get3A_2021 = arith.index_cast %add3A_2009 : i32 to index
      %get3A_2022 = arith.constant 0 : index
      %get3A_2023 = tpu.vector_load %arg10[%get3A_2021, %get3A_2022] {strides = array<i32>} : memref<64x128xf32, #tpu.memory_space<vmem>>, vector<1x16xf32>,
      %get3A_2024 = vector.shape_cast %get3A_2023 : vector<1x16xf32> to vector<16xf32>
      %mul3A_2025 = arith.mulf %sub3A_2020, %get3A_2024 : vector<16xf32>
      %add3A_2026 = arith.addf %broadcast_in_dim3A_2011, %mul3A_2025 : vector<16xf32>
      %get3A_2027 = arith.index_cast %add3A_2009 : i32 to index
      %get3A_2028 = arith.constant 16 : index
      %get3A_2029 = tpu.vector_load %arg8[%get3A_2027, %get3A_2028] {strides = array<i32>} : memref<64x128xf32, #tpu.memory_space<vmem>>, vector<1x16xf32>,
      %get3A_2030 = vector.shape_cast %get3A_2029 : vector<1x16xf32> to vector<16xf32>
      %get3A_2031 = arith.index_cast %add3A_2009 : i32 to index
      %get3A_2032 = arith.constant 16 : index
      %get3A_2033 = tpu.vector_load %arg9[%get3A_2031, %get3A_2032] {strides = array<i32>} : memref<64x128xf32, #tpu.memory_space<vmem>>, vector<1x16xf32>,
      %get3A_2034 = vector.shape_cast %get3A_2033 : vector<1x16xf32> to vector<16xf32>
      %sub3A_2035 = arith.subf %get3A_2030, %get3A_2034 : vector<16xf32>
      %get3A_2036 = arith.index_cast %add3A_2009 : i32 to index
      %get3A_2037 = arith.constant 16 : index
      %get3A_2038 = tpu.vector_load %arg10[%get3A_2036, %get3A_2037] {strides = array<i32>} : memref<64x128xf32, #tpu.memory_space<vmem>>, vector<1x16xf32>,
      %get3A_2039 = vector.shape_cast %get3A_2038 : vector<1x16xf32> to vector<16xf32>
      %mul3A_2040 = arith.mulf %sub3A_2035, %get3A_2039 : vector<16xf32>
      %add3A_2041 = arith.addf %add3A_2026, %mul3A_2040 : vector<16xf32>
      %get3A_2042 = arith.index_cast %add3A_2009 : i32 to index
      %get3A_2043 = arith.constant 32 : index
      %get3A_2044 = tpu.vector_load %arg8[%get3A_2042, %get3A_2043] {strides = array<i32>} : memref<64x128xf32, #tpu.memory_space<vmem>>, vector<1x16xf32>,
      %get3A_2045 = vector.shape_cast %get3A_2044 : vector<1x16xf32> to vector<16xf32>
      %get3A_2046 = arith.index_cast %add3A_2009 : i32 to index
      %get3A_2047 = arith.constant 32 : index
      %get3A_2048 = tpu.vector_load %arg9[%get3A_2046, %get3A_2047] {strides = array<i32>} : memref<64x128xf32, #tpu.memory_space<vmem>>, vector<1x16xf32>,
      %get3A_2049 = vector.shape_cast %get3A_2048 : vector<1x16xf32> to vector<16xf32>
      %sub3A_2050 = arith.subf %get3A_2045, %get3A_2049 : vector<16xf32>
      %get3A_2051 = arith.index_cast %add3A_2009 : i32 to index
      %get3A_2052 = arith.constant 32 : index
      %get3A_2053 = tpu.vector_load %arg10[%get3A_2051, %get3A_2052] {strides = array<i32>} : memref<64x128xf32, #tpu.memory_space<vmem>>, vector<1x16xf32>,
      %get3A_2054 = vector.shape_cast %get3A_2053 : vector<1x16xf32> to vector<16xf32>
      %mul3A_2055 = arith.mulf %sub3A_2050, %get3A_2054 : vector<16xf32>
      %add3A_2056 = arith.addf %add3A_2041, %mul3A_2055 : vector<16xf32>
      %get3A_2057 = arith.index_cast %add3A_2009 : i32 to index
      %get3A_2058 = arith.constant 48 : index
      %get3A_2059 = tpu.vector_load %arg8[%get3A_2057, %get3A_2058] {strides = array<i32>} : memref<64x128xf32, #tpu.memory_space<vmem>>, vector<1x16xf32>,
      %get3A_2060 = vector.shape_cast %get3A_2059 : vector<1x16xf32> to vector<16xf32>
      %get3A_2061 = arith.index_cast %add3A_2009 : i32 to index
      %get3A_2062 = arith.constant 48 : index
      %get3A_2063 = tpu.vector_load %arg9[%get3A_2061, %get3A_2062] {strides = array<i32>} : memref<64x128xf32, #tpu.memory_space<vmem>>, vector<1x16xf32>,
      %get3A_2064 = vector.shape_cast %get3A_2063 : vector<1x16xf32> to vector<16xf32>
      %sub3A_2065 = arith.subf %get3A_2060, %get3A_2064 : vector<16xf32>
      %get3A_2066 = arith.index_cast %add3A_2009 : i32 to index
      %get3A_2067 = arith.constant 48 : index
      %get3A_2068 = tpu.vector_load %arg10[%get3A_2066, %get3A_2067] {strides = array<i32>} : memref<64x128xf32, #tpu.memory_space<vmem>>, vector<1x16xf32>,
      %get3A_2069 = vector.shape_cast %get3A_2068 : vector<1x16xf32> to vector<16xf32>
      %mul3A_2070 = arith.mulf %sub3A_2065, %get3A_2069 : vector<16xf32>
      %add3A_2071 = arith.addf %add3A_2056, %mul3A_2070 : vector<16xf32>
      %get3A_2072 = arith.index_cast %add3A_2009 : i32 to index
      %get3A_2073 = arith.constant 64 : index
      %get3A_2074 = tpu.vector_load %arg8[%get3A_2072, %get3A_2073] {strides = array<i32>} : memref<64x128xf32, #tpu.memory_space<vmem>>, vector<1x16xf32>,
      %get3A_2075 = vector.shape_cast %get3A_2074 : vector<1x16xf32> to vector<16xf32>
      %get3A_2076 = arith.index_cast %add3A_2009 : i32 to index
      %get3A_2077 = arith.constant 64 : index
      %get3A_2078 = tpu.vector_load %arg9[%get3A_2076, %get3A_2077] {strides = array<i32>} : memref<64x128xf32, #tpu.memory_space<vmem>>, vector<1x16xf32>,
      %get3A_2079 = vector.shape_cast %get3A_2078 : vector<1x16xf32> to vector<16xf32>
      %sub3A_2080 = arith.subf %get3A_2075, %get3A_2079 : vector<16xf32>
      %get3A_2081 = arith.index_cast %add3A_2009 : i32 to index
      %get3A_2082 = arith.constant 64 : index
      %get3A_2083 = tpu.vector_load %arg10[%get3A_2081, %get3A_2082] {strides = array<i32>} : memref<64x128xf32, #tpu.memory_space<vmem>>, vector<1x16xf32>,
      %get3A_2084 = vector.shape_cast %get3A_2083 : vector<1x16xf32> to vector<16xf32>
      %mul3A_2085 = arith.mulf %sub3A_2080, %get3A_2084 : vector<16xf32>
      %add3A_2086 = arith.addf %add3A_2071, %mul3A_2085 : vector<16xf32>
      %get3A_2087 = arith.index_cast %add3A_2009 : i32 to index
      %get3A_2088 = arith.constant 80 : index
      %get3A_2089 = tpu.vector_load %arg8[%get3A_2087, %get3A_2088] {strides = array<i32>} : memref<64x128xf32, #tpu.memory_space<vmem>>, vector<1x16xf32>,
      %get3A_2090 = vector.shape_cast %get3A_2089 : vector<1x16xf32> to vector<16xf32>
      %get3A_2091 = arith.index_cast %add3A_2009 : i32 to index
      %get3A_2092 = arith.constant 80 : index
      %get3A_2093 = tpu.vector_load %arg9[%get3A_2091, %get3A_2092] {strides = array<i32>} : memref<64x128xf32, #tpu.memory_space<vmem>>, vector<1x16xf32>,
      %get3A_2094 = vector.shape_cast %get3A_2093 : vector<1x16xf32> to vector<16xf32>
      %sub3A_2095 = arith.subf %get3A_2090, %get3A_2094 : vector<16xf32>
      %get3A_2096 = arith.index_cast %add3A_2009 : i32 to index
      %get3A_2097 = arith.constant 80 : index
      %get3A_2098 = tpu.vector_load %arg10[%get3A_2096, %get3A_2097] {strides = array<i32>} : memref<64x128xf32, #tpu.memory_space<vmem>>, vector<1x16xf32>,
      %get3A_2099 = vector.shape_cast %get3A_2098 : vector<1x16xf32> to vector<16xf32>
      %mul3A_2100 = arith.mulf %sub3A_2095, %get3A_2099 : vector<16xf32>
      %add3A_2101 = arith.addf %add3A_2086, %mul3A_2100 : vector<16xf32>
      %get3A_2102 = arith.index_cast %add3A_2009 : i32 to index
      %get3A_2103 = arith.constant 96 : index
      %get3A_2104 = tpu.vector_load %arg8[%get3A_2102, %get3A_2103] {strides = array<i32>} : memref<64x128xf32, #tpu.memory_space<vmem>>, vector<1x16xf32>,
      %get3A_2105 = vector.shape_cast %get3A_2104 : vector<1x16xf32> to vector<16xf32>
      %get3A_2106 = arith.index_cast %add3A_2009 : i32 to index
      %get3A_2107 = arith.constant 96 : index
      %get3A_2108 = tpu.vector_load %arg9[%get3A_2106, %get3A_2107] {strides = array<i32>} : memref<64x128xf32, #tpu.memory_space<vmem>>, vector<1x16xf32>,
      %get3A_2109 = vector.shape_cast %get3A_2108 : vector<1x16xf32> to vector<16xf32>
      %sub3A_2110 = arith.subf %get3A_2105, %get3A_2109 : vector<16xf32>
      %get3A_2111 = arith.index_cast %add3A_2009 : i32 to index
      %get3A_2112 = arith.constant 96 : index
      %get3A_2113 = tpu.vector_load %arg10[%get3A_2111, %get3A_2112] {strides = array<i32>} : memref<64x128xf32, #tpu.memory_space<vmem>>, vector<1x16xf32>,
      %get3A_2114 = vector.shape_cast %get3A_2113 : vector<1x16xf32> to vector<16xf32>
      %mul3A_2115 = arith.mulf %sub3A_2110, %get3A_2114 : vector<16xf32>
      %add3A_2116 = arith.addf %add3A_2101, %mul3A_2115 : vector<16xf32>
      %get3A_2117 = arith.index_cast %add3A_2009 : i32 to index
      %get3A_2118 = arith.constant 112 : index
      %get3A_2119 = tpu.vector_load %arg8[%get3A_2117, %get3A_2118] {strides = array<i32>} : memref<64x128xf32, #tpu.memory_space<vmem>>, vector<1x16xf32>,
      %get3A_2120 = vector.shape_cast %get3A_2119 : vector<1x16xf32> to vector<16xf32>
      %get3A_2121 = arith.index_cast %add3A_2009 : i32 to index
      %get3A_2122 = arith.constant 112 : index
      %get3A_2123 = tpu.vector_load %arg9[%get3A_2121, %get3A_2122] {strides = array<i32>} : memref<64x128xf32, #tpu.memory_space<vmem>>, vector<1x16xf32>,
      %get3A_2124 = vector.shape_cast %get3A_2123 : vector<1x16xf32> to vector<16xf32>
      %sub3A_2125 = arith.subf %get3A_2120, %get3A_2124 : vector<16xf32>
      %get3A_2126 = arith.index_cast %add3A_2009 : i32 to index
      %get3A_2127 = arith.constant 112 : index
      %get3A_2128 = tpu.vector_load %arg10[%get3A_2126, %get3A_2127] {strides = array<i32>} : memref<64x128xf32, #tpu.memory_space<vmem>>, vector<1x16xf32>,
      %get3A_2129 = vector.shape_cast %get3A_2128 : vector<1x16xf32> to vector<16xf32>
      %mul3A_2130 = arith.mulf %sub3A_2125, %get3A_2129 : vector<16xf32>
      %add3A_2131 = arith.addf %add3A_2116, %mul3A_2130 : vector<16xf32>
      %swap3A_2132 = arith.constant 0 : index
      %swap3A_2133 = tpu.vector_load %arg11[%swap3A_2132] {strides = array<i32>} : memref<32xf32, #tpu.memory_space<vmem>>, vector<16xf32>,
      %swap3A_2134 = vector.shape_cast %swap3A_2133 : vector<16xf32> to vector<16xf32>
      %swap3A_2135 = vector.shape_cast %add3A_2131 : vector<16xf32> to vector<16xf32>
      tpu.vector_store %arg11[%swap3A_2132], %swap3A_2135 {strides = array<i32>} : memref<32xf32, #tpu.memory_space<vmem>>, vector<16xf32>,
      %get3A_2136 = arith.constant 8 : index
      %get3A_2137 = tpu.vector_load %arg11[%get3A_2136] {strides = array<i32>} : memref<32xf32, #tpu.memory_space<vmem>>, vector<16xf32>,
      %get3A_2138 = vector.shape_cast %get3A_2137 : vector<16xf32> to vector<16xf32>
      %add3A_2139 = arith.addf %add3A_2131, %get3A_2138 : vector<16xf32>
      %swap3A_2140 = arith.constant 0 : index
      %swap3A_2141 = tpu.vector_load %arg11[%swap3A_2140] {strides = array<i32>} : memref<32xf32, #tpu.memory_space<vmem>>, vector<16xf32>,
      %swap3A_2142 = vector.shape_cast %swap3A_2141 : vector<16xf32> to vector<16xf32>
      %swap3A_2143 = vector.shape_cast %add3A_2139 : vector<16xf32> to vector<16xf32>
      tpu.vector_store %arg11[%swap3A_2140], %swap3A_2143 {strides = array<i32>} : memref<32xf32, #tpu.memory_space<vmem>>, vector<16xf32>,
      %get3A_2144 = arith.constant 4 : index
      %get3A_2145 = tpu.vector_load %arg11[%get3A_2144] {strides = array<i32>} : memref<32xf32, #tpu.memory_space<vmem>>, vector<16xf32>,
      %get3A_2146 = vector.shape_cast %get3A_2145 : vector<16xf32> to vector<16xf32>
      %add3A_2147 = arith.addf %add3A_2139, %get3A_2146 : vector<16xf32>
      %swap3A_2148 = arith.constant 0 : index
      %swap3A_2149 = tpu.vector_load %arg11[%swap3A_2148] {strides = array<i32>} : memref<32xf32, #tpu.memory_space<vmem>>, vector<16xf32>,
      %swap3A_2150 = vector.shape_cast %swap3A_2149 : vector<16xf32> to vector<16xf32>
      %swap3A_2151 = vector.shape_cast %add3A_2147 : vector<16xf32> to vector<16xf32>
      tpu.vector_store %arg11[%swap3A_2148], %swap3A_2151 {strides = array<i32>} : memref<32xf32, #tpu.memory_space<vmem>>, vector<16xf32>,
      %get3A_2152 = arith.constant 2 : index
      %get3A_2153 = tpu.vector_load %arg11[%get3A_2152] {strides = array<i32>} : memref<32xf32, #tpu.memory_space<vmem>>, vector<16xf32>,
      %get3A_2154 = vector.shape_cast %get3A_2153 : vector<16xf32> to vector<16xf32>
      %add3A_2155 = arith.addf %add3A_2147, %get3A_2154 : vector<16xf32>
      %swap3A_2156 = arith.constant 0 : index
      %swap3A_2157 = tpu.vector_load %arg11[%swap3A_2156] {strides = array<i32>} : memref<32xf32, #tpu.memory_space<vmem>>, vector<16xf32>,
      %swap3A_2158 = vector.shape_cast %swap3A_2157 : vector<16xf32> to vector<16xf32>
      %swap3A_2159 = vector.shape_cast %add3A_2155 : vector<16xf32> to vector<16xf32>
      tpu.vector_store %arg11[%swap3A_2156], %swap3A_2159 {strides = array<i32>} : memref<32xf32, #tpu.memory_space<vmem>>, vector<16xf32>,
      %get3A_2160 = arith.constant 1 : index
      %get3A_2161 = tpu.vector_load %arg11[%get3A_2160] {strides = array<i32>} : memref<32xf32, #tpu.memory_space<vmem>>, vector<16xf32>,
      %get3A_2162 = vector.shape_cast %get3A_2161 : vector<16xf32> to vector<16xf32>
      %add3A_2163 = arith.addf %add3A_2155, %get3A_2162 : vector<16xf32>
      %eq3A_2164 = arith.constant 12 : i32
      %eq3A_2165 = vector.broadcast %eq3A_2164 : i32 to vector<16xi32>
      %eq3A_2166 = arith.cmpi eq, %iota3A, %eq3A_2165 : vector<16xi32>
      %slice3A_2167 = vector.extract_strided_slice %add3A_2163 {offsets = [0], sizes = [1], strides = [1]} : vector<16xf32> to vector<1xf32>
      %squeeze3A_2168 = vector.extract %slice3A_2167[0] : f32 from vector<1xf32>
      %broadcast_in_dim3A_2169 = vector.broadcast %squeeze3A_2168 : f32 to vector<16xf32>
      %select_n3A_2170 = arith.select %eq3A_2166, %broadcast_in_dim3A_2169, %select_n3A_2005 : vector<16xi1>, vector<16xf32>
      %mul3A_2171 = arith.constant 16 : i32
      %mul3A_2172 = arith.muli %scan3A_28, %mul3A_2171 : i32
      %add3A_2173 = arith.constant 13 : i32
      %add3A_2174 = arith.addi %mul3A_2172, %add3A_2173 : i32
      %broadcast_in_dim3A_2175 = arith.constant 0.000000e+00 : f32
      %broadcast_in_dim3A_2176 = vector.broadcast %broadcast_in_dim3A_2175 : f32 to vector<16xf32>
      %get3A_2177 = arith.index_cast %add3A_2174 : i32 to index
      %get3A_2178 = arith.constant 0 : index
      %get3A_2179 = tpu.vector_load %arg8[%get3A_2177, %get3A_2178] {strides = array<i32>} : memref<64x128xf32, #tpu.memory_space<vmem>>, vector<1x16xf32>,
      %get3A_2180 = vector.shape_cast %get3A_2179 : vector<1x16xf32> to vector<16xf32>
      %get3A_2181 = arith.index_cast %add3A_2174 : i32 to index
      %get3A_2182 = arith.constant 0 : index
      %get3A_2183 = tpu.vector_load %arg9[%get3A_2181, %get3A_2182] {strides = array<i32>} : memref<64x128xf32, #tpu.memory_space<vmem>>, vector<1x16xf32>,
      %get3A_2184 = vector.shape_cast %get3A_2183 : vector<1x16xf32> to vector<16xf32>
      %sub3A_2185 = arith.subf %get3A_2180, %get3A_2184 : vector<16xf32>
      %get3A_2186 = arith.index_cast %add3A_2174 : i32 to index
      %get3A_2187 = arith.constant 0 : index
      %get3A_2188 = tpu.vector_load %arg10[%get3A_2186, %get3A_2187] {strides = array<i32>} : memref<64x128xf32, #tpu.memory_space<vmem>>, vector<1x16xf32>,
      %get3A_2189 = vector.shape_cast %get3A_2188 : vector<1x16xf32> to vector<16xf32>
      %mul3A_2190 = arith.mulf %sub3A_2185, %get3A_2189 : vector<16xf32>
      %add3A_2191 = arith.addf %broadcast_in_dim3A_2176, %mul3A_2190 : vector<16xf32>
      %get3A_2192 = arith.index_cast %add3A_2174 : i32 to index
      %get3A_2193 = arith.constant 16 : index
      %get3A_2194 = tpu.vector_load %arg8[%get3A_2192, %get3A_2193] {strides = array<i32>} : memref<64x128xf32, #tpu.memory_space<vmem>>, vector<1x16xf32>,
      %get3A_2195 = vector.shape_cast %get3A_2194 : vector<1x16xf32> to vector<16xf32>
      %get3A_2196 = arith.index_cast %add3A_2174 : i32 to index
      %get3A_2197 = arith.constant 16 : index
      %get3A_2198 = tpu.vector_load %arg9[%get3A_2196, %get3A_2197] {strides = array<i32>} : memref<64x128xf32, #tpu.memory_space<vmem>>, vector<1x16xf32>,
      %get3A_2199 = vector.shape_cast %get3A_2198 : vector<1x16xf32> to vector<16xf32>
      %sub3A_2200 = arith.subf %get3A_2195, %get3A_2199 : vector<16xf32>
      %get3A_2201 = arith.index_cast %add3A_2174 : i32 to index
      %get3A_2202 = arith.constant 16 : index
      %get3A_2203 = tpu.vector_load %arg10[%get3A_2201, %get3A_2202] {strides = array<i32>} : memref<64x128xf32, #tpu.memory_space<vmem>>, vector<1x16xf32>,
      %get3A_2204 = vector.shape_cast %get3A_2203 : vector<1x16xf32> to vector<16xf32>
      %mul3A_2205 = arith.mulf %sub3A_2200, %get3A_2204 : vector<16xf32>
      %add3A_2206 = arith.addf %add3A_2191, %mul3A_2205 : vector<16xf32>
      %get3A_2207 = arith.index_cast %add3A_2174 : i32 to index
      %get3A_2208 = arith.constant 32 : index
      %get3A_2209 = tpu.vector_load %arg8[%get3A_2207, %get3A_2208] {strides = array<i32>} : memref<64x128xf32, #tpu.memory_space<vmem>>, vector<1x16xf32>,
      %get3A_2210 = vector.shape_cast %get3A_2209 : vector<1x16xf32> to vector<16xf32>
      %get3A_2211 = arith.index_cast %add3A_2174 : i32 to index
      %get3A_2212 = arith.constant 32 : index
      %get3A_2213 = tpu.vector_load %arg9[%get3A_2211, %get3A_2212] {strides = array<i32>} : memref<64x128xf32, #tpu.memory_space<vmem>>, vector<1x16xf32>,
      %get3A_2214 = vector.shape_cast %get3A_2213 : vector<1x16xf32> to vector<16xf32>
      %sub3A_2215 = arith.subf %get3A_2210, %get3A_2214 : vector<16xf32>
      %get3A_2216 = arith.index_cast %add3A_2174 : i32 to index
      %get3A_2217 = arith.constant 32 : index
      %get3A_2218 = tpu.vector_load %arg10[%get3A_2216, %get3A_2217] {strides = array<i32>} : memref<64x128xf32, #tpu.memory_space<vmem>>, vector<1x16xf32>,
      %get3A_2219 = vector.shape_cast %get3A_2218 : vector<1x16xf32> to vector<16xf32>
      %mul3A_2220 = arith.mulf %sub3A_2215, %get3A_2219 : vector<16xf32>
      %add3A_2221 = arith.addf %add3A_2206, %mul3A_2220 : vector<16xf32>
      %get3A_2222 = arith.index_cast %add3A_2174 : i32 to index
      %get3A_2223 = arith.constant 48 : index
      %get3A_2224 = tpu.vector_load %arg8[%get3A_2222, %get3A_2223] {strides = array<i32>} : memref<64x128xf32, #tpu.memory_space<vmem>>, vector<1x16xf32>,
      %get3A_2225 = vector.shape_cast %get3A_2224 : vector<1x16xf32> to vector<16xf32>
      %get3A_2226 = arith.index_cast %add3A_2174 : i32 to index
      %get3A_2227 = arith.constant 48 : index
      %get3A_2228 = tpu.vector_load %arg9[%get3A_2226, %get3A_2227] {strides = array<i32>} : memref<64x128xf32, #tpu.memory_space<vmem>>, vector<1x16xf32>,
      %get3A_2229 = vector.shape_cast %get3A_2228 : vector<1x16xf32> to vector<16xf32>
      %sub3A_2230 = arith.subf %get3A_2225, %get3A_2229 : vector<16xf32>
      %get3A_2231 = arith.index_cast %add3A_2174 : i32 to index
      %get3A_2232 = arith.constant 48 : index
      %get3A_2233 = tpu.vector_load %arg10[%get3A_2231, %get3A_2232] {strides = array<i32>} : memref<64x128xf32, #tpu.memory_space<vmem>>, vector<1x16xf32>,
      %get3A_2234 = vector.shape_cast %get3A_2233 : vector<1x16xf32> to vector<16xf32>
      %mul3A_2235 = arith.mulf %sub3A_2230, %get3A_2234 : vector<16xf32>
      %add3A_2236 = arith.addf %add3A_2221, %mul3A_2235 : vector<16xf32>
      %get3A_2237 = arith.index_cast %add3A_2174 : i32 to index
      %get3A_2238 = arith.constant 64 : index
      %get3A_2239 = tpu.vector_load %arg8[%get3A_2237, %get3A_2238] {strides = array<i32>} : memref<64x128xf32, #tpu.memory_space<vmem>>, vector<1x16xf32>,
      %get3A_2240 = vector.shape_cast %get3A_2239 : vector<1x16xf32> to vector<16xf32>
      %get3A_2241 = arith.index_cast %add3A_2174 : i32 to index
      %get3A_2242 = arith.constant 64 : index
      %get3A_2243 = tpu.vector_load %arg9[%get3A_2241, %get3A_2242] {strides = array<i32>} : memref<64x128xf32, #tpu.memory_space<vmem>>, vector<1x16xf32>,
      %get3A_2244 = vector.shape_cast %get3A_2243 : vector<1x16xf32> to vector<16xf32>
      %sub3A_2245 = arith.subf %get3A_2240, %get3A_2244 : vector<16xf32>
      %get3A_2246 = arith.index_cast %add3A_2174 : i32 to index
      %get3A_2247 = arith.constant 64 : index
      %get3A_2248 = tpu.vector_load %arg10[%get3A_2246, %get3A_2247] {strides = array<i32>} : memref<64x128xf32, #tpu.memory_space<vmem>>, vector<1x16xf32>,
      %get3A_2249 = vector.shape_cast %get3A_2248 : vector<1x16xf32> to vector<16xf32>
      %mul3A_2250 = arith.mulf %sub3A_2245, %get3A_2249 : vector<16xf32>
      %add3A_2251 = arith.addf %add3A_2236, %mul3A_2250 : vector<16xf32>
      %get3A_2252 = arith.index_cast %add3A_2174 : i32 to index
      %get3A_2253 = arith.constant 80 : index
      %get3A_2254 = tpu.vector_load %arg8[%get3A_2252, %get3A_2253] {strides = array<i32>} : memref<64x128xf32, #tpu.memory_space<vmem>>, vector<1x16xf32>,
      %get3A_2255 = vector.shape_cast %get3A_2254 : vector<1x16xf32> to vector<16xf32>
      %get3A_2256 = arith.index_cast %add3A_2174 : i32 to index
      %get3A_2257 = arith.constant 80 : index
      %get3A_2258 = tpu.vector_load %arg9[%get3A_2256, %get3A_2257] {strides = array<i32>} : memref<64x128xf32, #tpu.memory_space<vmem>>, vector<1x16xf32>,
      %get3A_2259 = vector.shape_cast %get3A_2258 : vector<1x16xf32> to vector<16xf32>
      %sub3A_2260 = arith.subf %get3A_2255, %get3A_2259 : vector<16xf32>
      %get3A_2261 = arith.index_cast %add3A_2174 : i32 to index
      %get3A_2262 = arith.constant 80 : index
      %get3A_2263 = tpu.vector_load %arg10[%get3A_2261, %get3A_2262] {strides = array<i32>} : memref<64x128xf32, #tpu.memory_space<vmem>>, vector<1x16xf32>,
      %get3A_2264 = vector.shape_cast %get3A_2263 : vector<1x16xf32> to vector<16xf32>
      %mul3A_2265 = arith.mulf %sub3A_2260, %get3A_2264 : vector<16xf32>
      %add3A_2266 = arith.addf %add3A_2251, %mul3A_2265 : vector<16xf32>
      %get3A_2267 = arith.index_cast %add3A_2174 : i32 to index
      %get3A_2268 = arith.constant 96 : index
      %get3A_2269 = tpu.vector_load %arg8[%get3A_2267, %get3A_2268] {strides = array<i32>} : memref<64x128xf32, #tpu.memory_space<vmem>>, vector<1x16xf32>,
      %get3A_2270 = vector.shape_cast %get3A_2269 : vector<1x16xf32> to vector<16xf32>
      %get3A_2271 = arith.index_cast %add3A_2174 : i32 to index
      %get3A_2272 = arith.constant 96 : index
      %get3A_2273 = tpu.vector_load %arg9[%get3A_2271, %get3A_2272] {strides = array<i32>} : memref<64x128xf32, #tpu.memory_space<vmem>>, vector<1x16xf32>,
      %get3A_2274 = vector.shape_cast %get3A_2273 : vector<1x16xf32> to vector<16xf32>
      %sub3A_2275 = arith.subf %get3A_2270, %get3A_2274 : vector<16xf32>
      %get3A_2276 = arith.index_cast %add3A_2174 : i32 to index
      %get3A_2277 = arith.constant 96 : index
      %get3A_2278 = tpu.vector_load %arg10[%get3A_2276, %get3A_2277] {strides = array<i32>} : memref<64x128xf32, #tpu.memory_space<vmem>>, vector<1x16xf32>,
      %get3A_2279 = vector.shape_cast %get3A_2278 : vector<1x16xf32> to vector<16xf32>
      %mul3A_2280 = arith.mulf %sub3A_2275, %get3A_2279 : vector<16xf32>
      %add3A_2281 = arith.addf %add3A_2266, %mul3A_2280 : vector<16xf32>
      %get3A_2282 = arith.index_cast %add3A_2174 : i32 to index
      %get3A_2283 = arith.constant 112 : index
      %get3A_2284 = tpu.vector_load %arg8[%get3A_2282, %get3A_2283] {strides = array<i32>} : memref<64x128xf32, #tpu.memory_space<vmem>>, vector<1x16xf32>,
      %get3A_2285 = vector.shape_cast %get3A_2284 : vector<1x16xf32> to vector<16xf32>
      %get3A_2286 = arith.index_cast %add3A_2174 : i32 to index
      %get3A_2287 = arith.constant 112 : index
      %get3A_2288 = tpu.vector_load %arg9[%get3A_2286, %get3A_2287] {strides = array<i32>} : memref<64x128xf32, #tpu.memory_space<vmem>>, vector<1x16xf32>,
      %get3A_2289 = vector.shape_cast %get3A_2288 : vector<1x16xf32> to vector<16xf32>
      %sub3A_2290 = arith.subf %get3A_2285, %get3A_2289 : vector<16xf32>
      %get3A_2291 = arith.index_cast %add3A_2174 : i32 to index
      %get3A_2292 = arith.constant 112 : index
      %get3A_2293 = tpu.vector_load %arg10[%get3A_2291, %get3A_2292] {strides = array<i32>} : memref<64x128xf32, #tpu.memory_space<vmem>>, vector<1x16xf32>,
      %get3A_2294 = vector.shape_cast %get3A_2293 : vector<1x16xf32> to vector<16xf32>
      %mul3A_2295 = arith.mulf %sub3A_2290, %get3A_2294 : vector<16xf32>
      %add3A_2296 = arith.addf %add3A_2281, %mul3A_2295 : vector<16xf32>
      %swap3A_2297 = arith.constant 0 : index
      %swap3A_2298 = tpu.vector_load %arg11[%swap3A_2297] {strides = array<i32>} : memref<32xf32, #tpu.memory_space<vmem>>, vector<16xf32>,
      %swap3A_2299 = vector.shape_cast %swap3A_2298 : vector<16xf32> to vector<16xf32>
      %swap3A_2300 = vector.shape_cast %add3A_2296 : vector<16xf32> to vector<16xf32>
      tpu.vector_store %arg11[%swap3A_2297], %swap3A_2300 {strides = array<i32>} : memref<32xf32, #tpu.memory_space<vmem>>, vector<16xf32>,
      %get3A_2301 = arith.constant 8 : index
      %get3A_2302 = tpu.vector_load %arg11[%get3A_2301] {strides = array<i32>} : memref<32xf32, #tpu.memory_space<vmem>>, vector<16xf32>,
      %get3A_2303 = vector.shape_cast %get3A_2302 : vector<16xf32> to vector<16xf32>
      %add3A_2304 = arith.addf %add3A_2296, %get3A_2303 : vector<16xf32>
      %swap3A_2305 = arith.constant 0 : index
      %swap3A_2306 = tpu.vector_load %arg11[%swap3A_2305] {strides = array<i32>} : memref<32xf32, #tpu.memory_space<vmem>>, vector<16xf32>,
      %swap3A_2307 = vector.shape_cast %swap3A_2306 : vector<16xf32> to vector<16xf32>
      %swap3A_2308 = vector.shape_cast %add3A_2304 : vector<16xf32> to vector<16xf32>
      tpu.vector_store %arg11[%swap3A_2305], %swap3A_2308 {strides = array<i32>} : memref<32xf32, #tpu.memory_space<vmem>>, vector<16xf32>,
      %get3A_2309 = arith.constant 4 : index
      %get3A_2310 = tpu.vector_load %arg11[%get3A_2309] {strides = array<i32>} : memref<32xf32, #tpu.memory_space<vmem>>, vector<16xf32>,
      %get3A_2311 = vector.shape_cast %get3A_2310 : vector<16xf32> to vector<16xf32>
      %add3A_2312 = arith.addf %add3A_2304, %get3A_2311 : vector<16xf32>
      %swap3A_2313 = arith.constant 0 : index
      %swap3A_2314 = tpu.vector_load %arg11[%swap3A_2313] {strides = array<i32>} : memref<32xf32, #tpu.memory_space<vmem>>, vector<16xf32>,
      %swap3A_2315 = vector.shape_cast %swap3A_2314 : vector<16xf32> to vector<16xf32>
      %swap3A_2316 = vector.shape_cast %add3A_2312 : vector<16xf32> to vector<16xf32>
      tpu.vector_store %arg11[%swap3A_2313], %swap3A_2316 {strides = array<i32>} : memref<32xf32, #tpu.memory_space<vmem>>, vector<16xf32>,
      %get3A_2317 = arith.constant 2 : index
      %get3A_2318 = tpu.vector_load %arg11[%get3A_2317] {strides = array<i32>} : memref<32xf32, #tpu.memory_space<vmem>>, vector<16xf32>,
      %get3A_2319 = vector.shape_cast %get3A_2318 : vector<16xf32> to vector<16xf32>
      %add3A_2320 = arith.addf %add3A_2312, %get3A_2319 : vector<16xf32>
      %swap3A_2321 = arith.constant 0 : index
      %swap3A_2322 = tpu.vector_load %arg11[%swap3A_2321] {strides = array<i32>} : memref<32xf32, #tpu.memory_space<vmem>>, vector<16xf32>,
      %swap3A_2323 = vector.shape_cast %swap3A_2322 : vector<16xf32> to vector<16xf32>
      %swap3A_2324 = vector.shape_cast %add3A_2320 : vector<16xf32> to vector<16xf32>
      tpu.vector_store %arg11[%swap3A_2321], %swap3A_2324 {strides = array<i32>} : memref<32xf32, #tpu.memory_space<vmem>>, vector<16xf32>,
      %get3A_2325 = arith.constant 1 : index
      %get3A_2326 = tpu.vector_load %arg11[%get3A_2325] {strides = array<i32>} : memref<32xf32, #tpu.memory_space<vmem>>, vector<16xf32>,
      %get3A_2327 = vector.shape_cast %get3A_2326 : vector<16xf32> to vector<16xf32>
      %add3A_2328 = arith.addf %add3A_2320, %get3A_2327 : vector<16xf32>
      %eq3A_2329 = arith.constant 13 : i32
      %eq3A_2330 = vector.broadcast %eq3A_2329 : i32 to vector<16xi32>
      %eq3A_2331 = arith.cmpi eq, %iota3A, %eq3A_2330 : vector<16xi32>
      %slice3A_2332 = vector.extract_strided_slice %add3A_2328 {offsets = [0], sizes = [1], strides = [1]} : vector<16xf32> to vector<1xf32>
      %squeeze3A_2333 = vector.extract %slice3A_2332[0] : f32 from vector<1xf32>
      %broadcast_in_dim3A_2334 = vector.broadcast %squeeze3A_2333 : f32 to vector<16xf32>
      %select_n3A_2335 = arith.select %eq3A_2331, %broadcast_in_dim3A_2334, %select_n3A_2170 : vector<16xi1>, vector<16xf32>
      %mul3A_2336 = arith.constant 16 : i32
      %mul3A_2337 = arith.muli %scan3A_28, %mul3A_2336 : i32
      %add3A_2338 = arith.constant 14 : i32
      %add3A_2339 = arith.addi %mul3A_2337, %add3A_2338 : i32
      %broadcast_in_dim3A_2340 = arith.constant 0.000000e+00 : f32
      %broadcast_in_dim3A_2341 = vector.broadcast %broadcast_in_dim3A_2340 : f32 to vector<16xf32>
      %get3A_2342 = arith.index_cast %add3A_2339 : i32 to index
      %get3A_2343 = arith.constant 0 : index
      %get3A_2344 = tpu.vector_load %arg8[%get3A_2342, %get3A_2343] {strides = array<i32>} : memref<64x128xf32, #tpu.memory_space<vmem>>, vector<1x16xf32>,
      %get3A_2345 = vector.shape_cast %get3A_2344 : vector<1x16xf32> to vector<16xf32>
      %get3A_2346 = arith.index_cast %add3A_2339 : i32 to index
      %get3A_2347 = arith.constant 0 : index
      %get3A_2348 = tpu.vector_load %arg9[%get3A_2346, %get3A_2347] {strides = array<i32>} : memref<64x128xf32, #tpu.memory_space<vmem>>, vector<1x16xf32>,
      %get3A_2349 = vector.shape_cast %get3A_2348 : vector<1x16xf32> to vector<16xf32>
      %sub3A_2350 = arith.subf %get3A_2345, %get3A_2349 : vector<16xf32>
      %get3A_2351 = arith.index_cast %add3A_2339 : i32 to index
      %get3A_2352 = arith.constant 0 : index
      %get3A_2353 = tpu.vector_load %arg10[%get3A_2351, %get3A_2352] {strides = array<i32>} : memref<64x128xf32, #tpu.memory_space<vmem>>, vector<1x16xf32>,
      %get3A_2354 = vector.shape_cast %get3A_2353 : vector<1x16xf32> to vector<16xf32>
      %mul3A_2355 = arith.mulf %sub3A_2350, %get3A_2354 : vector<16xf32>
      %add3A_2356 = arith.addf %broadcast_in_dim3A_2341, %mul3A_2355 : vector<16xf32>
      %get3A_2357 = arith.index_cast %add3A_2339 : i32 to index
      %get3A_2358 = arith.constant 16 : index
      %get3A_2359 = tpu.vector_load %arg8[%get3A_2357, %get3A_2358] {strides = array<i32>} : memref<64x128xf32, #tpu.memory_space<vmem>>, vector<1x16xf32>,
      %get3A_2360 = vector.shape_cast %get3A_2359 : vector<1x16xf32> to vector<16xf32>
      %get3A_2361 = arith.index_cast %add3A_2339 : i32 to index
      %get3A_2362 = arith.constant 16 : index
      %get3A_2363 = tpu.vector_load %arg9[%get3A_2361, %get3A_2362] {strides = array<i32>} : memref<64x128xf32, #tpu.memory_space<vmem>>, vector<1x16xf32>,
      %get3A_2364 = vector.shape_cast %get3A_2363 : vector<1x16xf32> to vector<16xf32>
      %sub3A_2365 = arith.subf %get3A_2360, %get3A_2364 : vector<16xf32>
      %get3A_2366 = arith.index_cast %add3A_2339 : i32 to index
      %get3A_2367 = arith.constant 16 : index
      %get3A_2368 = tpu.vector_load %arg10[%get3A_2366, %get3A_2367] {strides = array<i32>} : memref<64x128xf32, #tpu.memory_space<vmem>>, vector<1x16xf32>,
      %get3A_2369 = vector.shape_cast %get3A_2368 : vector<1x16xf32> to vector<16xf32>
      %mul3A_2370 = arith.mulf %sub3A_2365, %get3A_2369 : vector<16xf32>
      %add3A_2371 = arith.addf %add3A_2356, %mul3A_2370 : vector<16xf32>
      %get3A_2372 = arith.index_cast %add3A_2339 : i32 to index
      %get3A_2373 = arith.constant 32 : index
      %get3A_2374 = tpu.vector_load %arg8[%get3A_2372, %get3A_2373] {strides = array<i32>} : memref<64x128xf32, #tpu.memory_space<vmem>>, vector<1x16xf32>,
      %get3A_2375 = vector.shape_cast %get3A_2374 : vector<1x16xf32> to vector<16xf32>
      %get3A_2376 = arith.index_cast %add3A_2339 : i32 to index
      %get3A_2377 = arith.constant 32 : index
      %get3A_2378 = tpu.vector_load %arg9[%get3A_2376, %get3A_2377] {strides = array<i32>} : memref<64x128xf32, #tpu.memory_space<vmem>>, vector<1x16xf32>,
      %get3A_2379 = vector.shape_cast %get3A_2378 : vector<1x16xf32> to vector<16xf32>
      %sub3A_2380 = arith.subf %get3A_2375, %get3A_2379 : vector<16xf32>
      %get3A_2381 = arith.index_cast %add3A_2339 : i32 to index
      %get3A_2382 = arith.constant 32 : index
      %get3A_2383 = tpu.vector_load %arg10[%get3A_2381, %get3A_2382] {strides = array<i32>} : memref<64x128xf32, #tpu.memory_space<vmem>>, vector<1x16xf32>,
      %get3A_2384 = vector.shape_cast %get3A_2383 : vector<1x16xf32> to vector<16xf32>
      %mul3A_2385 = arith.mulf %sub3A_2380, %get3A_2384 : vector<16xf32>
      %add3A_2386 = arith.addf %add3A_2371, %mul3A_2385 : vector<16xf32>
      %get3A_2387 = arith.index_cast %add3A_2339 : i32 to index
      %get3A_2388 = arith.constant 48 : index
      %get3A_2389 = tpu.vector_load %arg8[%get3A_2387, %get3A_2388] {strides = array<i32>} : memref<64x128xf32, #tpu.memory_space<vmem>>, vector<1x16xf32>,
      %get3A_2390 = vector.shape_cast %get3A_2389 : vector<1x16xf32> to vector<16xf32>
      %get3A_2391 = arith.index_cast %add3A_2339 : i32 to index
      %get3A_2392 = arith.constant 48 : index
      %get3A_2393 = tpu.vector_load %arg9[%get3A_2391, %get3A_2392] {strides = array<i32>} : memref<64x128xf32, #tpu.memory_space<vmem>>, vector<1x16xf32>,
      %get3A_2394 = vector.shape_cast %get3A_2393 : vector<1x16xf32> to vector<16xf32>
      %sub3A_2395 = arith.subf %get3A_2390, %get3A_2394 : vector<16xf32>
      %get3A_2396 = arith.index_cast %add3A_2339 : i32 to index
      %get3A_2397 = arith.constant 48 : index
      %get3A_2398 = tpu.vector_load %arg10[%get3A_2396, %get3A_2397] {strides = array<i32>} : memref<64x128xf32, #tpu.memory_space<vmem>>, vector<1x16xf32>,
      %get3A_2399 = vector.shape_cast %get3A_2398 : vector<1x16xf32> to vector<16xf32>
      %mul3A_2400 = arith.mulf %sub3A_2395, %get3A_2399 : vector<16xf32>
      %add3A_2401 = arith.addf %add3A_2386, %mul3A_2400 : vector<16xf32>
      %get3A_2402 = arith.index_cast %add3A_2339 : i32 to index
      %get3A_2403 = arith.constant 64 : index
      %get3A_2404 = tpu.vector_load %arg8[%get3A_2402, %get3A_2403] {strides = array<i32>} : memref<64x128xf32, #tpu.memory_space<vmem>>, vector<1x16xf32>,
      %get3A_2405 = vector.shape_cast %get3A_2404 : vector<1x16xf32> to vector<16xf32>
      %get3A_2406 = arith.index_cast %add3A_2339 : i32 to index
      %get3A_2407 = arith.constant 64 : index
      %get3A_2408 = tpu.vector_load %arg9[%get3A_2406, %get3A_2407] {strides = array<i32>} : memref<64x128xf32, #tpu.memory_space<vmem>>, vector<1x16xf32>,
      %get3A_2409 = vector.shape_cast %get3A_2408 : vector<1x16xf32> to vector<16xf32>
      %sub3A_2410 = arith.subf %get3A_2405, %get3A_2409 : vector<16xf32>
      %get3A_2411 = arith.index_cast %add3A_2339 : i32 to index
      %get3A_2412 = arith.constant 64 : index
      %get3A_2413 = tpu.vector_load %arg10[%get3A_2411, %get3A_2412] {strides = array<i32>} : memref<64x128xf32, #tpu.memory_space<vmem>>, vector<1x16xf32>,
      %get3A_2414 = vector.shape_cast %get3A_2413 : vector<1x16xf32> to vector<16xf32>
      %mul3A_2415 = arith.mulf %sub3A_2410, %get3A_2414 : vector<16xf32>
      %add3A_2416 = arith.addf %add3A_2401, %mul3A_2415 : vector<16xf32>
      %get3A_2417 = arith.index_cast %add3A_2339 : i32 to index
      %get3A_2418 = arith.constant 80 : index
      %get3A_2419 = tpu.vector_load %arg8[%get3A_2417, %get3A_2418] {strides = array<i32>} : memref<64x128xf32, #tpu.memory_space<vmem>>, vector<1x16xf32>,
      %get3A_2420 = vector.shape_cast %get3A_2419 : vector<1x16xf32> to vector<16xf32>
      %get3A_2421 = arith.index_cast %add3A_2339 : i32 to index
      %get3A_2422 = arith.constant 80 : index
      %get3A_2423 = tpu.vector_load %arg9[%get3A_2421, %get3A_2422] {strides = array<i32>} : memref<64x128xf32, #tpu.memory_space<vmem>>, vector<1x16xf32>,
      %get3A_2424 = vector.shape_cast %get3A_2423 : vector<1x16xf32> to vector<16xf32>
      %sub3A_2425 = arith.subf %get3A_2420, %get3A_2424 : vector<16xf32>
      %get3A_2426 = arith.index_cast %add3A_2339 : i32 to index
      %get3A_2427 = arith.constant 80 : index
      %get3A_2428 = tpu.vector_load %arg10[%get3A_2426, %get3A_2427] {strides = array<i32>} : memref<64x128xf32, #tpu.memory_space<vmem>>, vector<1x16xf32>,
      %get3A_2429 = vector.shape_cast %get3A_2428 : vector<1x16xf32> to vector<16xf32>
      %mul3A_2430 = arith.mulf %sub3A_2425, %get3A_2429 : vector<16xf32>
      %add3A_2431 = arith.addf %add3A_2416, %mul3A_2430 : vector<16xf32>
      %get3A_2432 = arith.index_cast %add3A_2339 : i32 to index
      %get3A_2433 = arith.constant 96 : index
      %get3A_2434 = tpu.vector_load %arg8[%get3A_2432, %get3A_2433] {strides = array<i32>} : memref<64x128xf32, #tpu.memory_space<vmem>>, vector<1x16xf32>,
      %get3A_2435 = vector.shape_cast %get3A_2434 : vector<1x16xf32> to vector<16xf32>
      %get3A_2436 = arith.index_cast %add3A_2339 : i32 to index
      %get3A_2437 = arith.constant 96 : index
      %get3A_2438 = tpu.vector_load %arg9[%get3A_2436, %get3A_2437] {strides = array<i32>} : memref<64x128xf32, #tpu.memory_space<vmem>>, vector<1x16xf32>,
      %get3A_2439 = vector.shape_cast %get3A_2438 : vector<1x16xf32> to vector<16xf32>
      %sub3A_2440 = arith.subf %get3A_2435, %get3A_2439 : vector<16xf32>
      %get3A_2441 = arith.index_cast %add3A_2339 : i32 to index
      %get3A_2442 = arith.constant 96 : index
      %get3A_2443 = tpu.vector_load %arg10[%get3A_2441, %get3A_2442] {strides = array<i32>} : memref<64x128xf32, #tpu.memory_space<vmem>>, vector<1x16xf32>,
      %get3A_2444 = vector.shape_cast %get3A_2443 : vector<1x16xf32> to vector<16xf32>
      %mul3A_2445 = arith.mulf %sub3A_2440, %get3A_2444 : vector<16xf32>
      %add3A_2446 = arith.addf %add3A_2431, %mul3A_2445 : vector<16xf32>
      %get3A_2447 = arith.index_cast %add3A_2339 : i32 to index
      %get3A_2448 = arith.constant 112 : index
      %get3A_2449 = tpu.vector_load %arg8[%get3A_2447, %get3A_2448] {strides = array<i32>} : memref<64x128xf32, #tpu.memory_space<vmem>>, vector<1x16xf32>,
      %get3A_2450 = vector.shape_cast %get3A_2449 : vector<1x16xf32> to vector<16xf32>
      %get3A_2451 = arith.index_cast %add3A_2339 : i32 to index
      %get3A_2452 = arith.constant 112 : index
      %get3A_2453 = tpu.vector_load %arg9[%get3A_2451, %get3A_2452] {strides = array<i32>} : memref<64x128xf32, #tpu.memory_space<vmem>>, vector<1x16xf32>,
      %get3A_2454 = vector.shape_cast %get3A_2453 : vector<1x16xf32> to vector<16xf32>
      %sub3A_2455 = arith.subf %get3A_2450, %get3A_2454 : vector<16xf32>
      %get3A_2456 = arith.index_cast %add3A_2339 : i32 to index
      %get3A_2457 = arith.constant 112 : index
      %get3A_2458 = tpu.vector_load %arg10[%get3A_2456, %get3A_2457] {strides = array<i32>} : memref<64x128xf32, #tpu.memory_space<vmem>>, vector<1x16xf32>,
      %get3A_2459 = vector.shape_cast %get3A_2458 : vector<1x16xf32> to vector<16xf32>
      %mul3A_2460 = arith.mulf %sub3A_2455, %get3A_2459 : vector<16xf32>
      %add3A_2461 = arith.addf %add3A_2446, %mul3A_2460 : vector<16xf32>
      %swap3A_2462 = arith.constant 0 : index
      %swap3A_2463 = tpu.vector_load %arg11[%swap3A_2462] {strides = array<i32>} : memref<32xf32, #tpu.memory_space<vmem>>, vector<16xf32>,
      %swap3A_2464 = vector.shape_cast %swap3A_2463 : vector<16xf32> to vector<16xf32>
      %swap3A_2465 = vector.shape_cast %add3A_2461 : vector<16xf32> to vector<16xf32>
      tpu.vector_store %arg11[%swap3A_2462], %swap3A_2465 {strides = array<i32>} : memref<32xf32, #tpu.memory_space<vmem>>, vector<16xf32>,
      %get3A_2466 = arith.constant 8 : index
      %get3A_2467 = tpu.vector_load %arg11[%get3A_2466] {strides = array<i32>} : memref<32xf32, #tpu.memory_space<vmem>>, vector<16xf32>,
      %get3A_2468 = vector.shape_cast %get3A_2467 : vector<16xf32> to vector<16xf32>
      %add3A_2469 = arith.addf %add3A_2461, %get3A_2468 : vector<16xf32>
      %swap3A_2470 = arith.constant 0 : index
      %swap3A_2471 = tpu.vector_load %arg11[%swap3A_2470] {strides = array<i32>} : memref<32xf32, #tpu.memory_space<vmem>>, vector<16xf32>,
      %swap3A_2472 = vector.shape_cast %swap3A_2471 : vector<16xf32> to vector<16xf32>
      %swap3A_2473 = vector.shape_cast %add3A_2469 : vector<16xf32> to vector<16xf32>
      tpu.vector_store %arg11[%swap3A_2470], %swap3A_2473 {strides = array<i32>} : memref<32xf32, #tpu.memory_space<vmem>>, vector<16xf32>,
      %get3A_2474 = arith.constant 4 : index
      %get3A_2475 = tpu.vector_load %arg11[%get3A_2474] {strides = array<i32>} : memref<32xf32, #tpu.memory_space<vmem>>, vector<16xf32>,
      %get3A_2476 = vector.shape_cast %get3A_2475 : vector<16xf32> to vector<16xf32>
      %add3A_2477 = arith.addf %add3A_2469, %get3A_2476 : vector<16xf32>
      %swap3A_2478 = arith.constant 0 : index
      %swap3A_2479 = tpu.vector_load %arg11[%swap3A_2478] {strides = array<i32>} : memref<32xf32, #tpu.memory_space<vmem>>, vector<16xf32>,
      %swap3A_2480 = vector.shape_cast %swap3A_2479 : vector<16xf32> to vector<16xf32>
      %swap3A_2481 = vector.shape_cast %add3A_2477 : vector<16xf32> to vector<16xf32>
      tpu.vector_store %arg11[%swap3A_2478], %swap3A_2481 {strides = array<i32>} : memref<32xf32, #tpu.memory_space<vmem>>, vector<16xf32>,
      %get3A_2482 = arith.constant 2 : index
      %get3A_2483 = tpu.vector_load %arg11[%get3A_2482] {strides = array<i32>} : memref<32xf32, #tpu.memory_space<vmem>>, vector<16xf32>,
      %get3A_2484 = vector.shape_cast %get3A_2483 : vector<16xf32> to vector<16xf32>
      %add3A_2485 = arith.addf %add3A_2477, %get3A_2484 : vector<16xf32>
      %swap3A_2486 = arith.constant 0 : index
      %swap3A_2487 = tpu.vector_load %arg11[%swap3A_2486] {strides = array<i32>} : memref<32xf32, #tpu.memory_space<vmem>>, vector<16xf32>,
      %swap3A_2488 = vector.shape_cast %swap3A_2487 : vector<16xf32> to vector<16xf32>
      %swap3A_2489 = vector.shape_cast %add3A_2485 : vector<16xf32> to vector<16xf32>
      tpu.vector_store %arg11[%swap3A_2486], %swap3A_2489 {strides = array<i32>} : memref<32xf32, #tpu.memory_space<vmem>>, vector<16xf32>,
      %get3A_2490 = arith.constant 1 : index
      %get3A_2491 = tpu.vector_load %arg11[%get3A_2490] {strides = array<i32>} : memref<32xf32, #tpu.memory_space<vmem>>, vector<16xf32>,
      %get3A_2492 = vector.shape_cast %get3A_2491 : vector<16xf32> to vector<16xf32>
      %add3A_2493 = arith.addf %add3A_2485, %get3A_2492 : vector<16xf32>
      %eq3A_2494 = arith.constant 14 : i32
      %eq3A_2495 = vector.broadcast %eq3A_2494 : i32 to vector<16xi32>
      %eq3A_2496 = arith.cmpi eq, %iota3A, %eq3A_2495 : vector<16xi32>
      %slice3A_2497 = vector.extract_strided_slice %add3A_2493 {offsets = [0], sizes = [1], strides = [1]} : vector<16xf32> to vector<1xf32>
      %squeeze3A_2498 = vector.extract %slice3A_2497[0] : f32 from vector<1xf32>
      %broadcast_in_dim3A_2499 = vector.broadcast %squeeze3A_2498 : f32 to vector<16xf32>
      %select_n3A_2500 = arith.select %eq3A_2496, %broadcast_in_dim3A_2499, %select_n3A_2335 : vector<16xi1>, vector<16xf32>
      %mul3A_2501 = arith.constant 16 : i32
      %mul3A_2502 = arith.muli %scan3A_28, %mul3A_2501 : i32
      %add3A_2503 = arith.constant 15 : i32
      %add3A_2504 = arith.addi %mul3A_2502, %add3A_2503 : i32
      %broadcast_in_dim3A_2505 = arith.constant 0.000000e+00 : f32
      %broadcast_in_dim3A_2506 = vector.broadcast %broadcast_in_dim3A_2505 : f32 to vector<16xf32>
      %get3A_2507 = arith.index_cast %add3A_2504 : i32 to index
      %get3A_2508 = arith.constant 0 : index
      %get3A_2509 = tpu.vector_load %arg8[%get3A_2507, %get3A_2508] {strides = array<i32>} : memref<64x128xf32, #tpu.memory_space<vmem>>, vector<1x16xf32>,
      %get3A_2510 = vector.shape_cast %get3A_2509 : vector<1x16xf32> to vector<16xf32>
      %get3A_2511 = arith.index_cast %add3A_2504 : i32 to index
      %get3A_2512 = arith.constant 0 : index
      %get3A_2513 = tpu.vector_load %arg9[%get3A_2511, %get3A_2512] {strides = array<i32>} : memref<64x128xf32, #tpu.memory_space<vmem>>, vector<1x16xf32>,
      %get3A_2514 = vector.shape_cast %get3A_2513 : vector<1x16xf32> to vector<16xf32>
      %sub3A_2515 = arith.subf %get3A_2510, %get3A_2514 : vector<16xf32>
      %get3A_2516 = arith.index_cast %add3A_2504 : i32 to index
      %get3A_2517 = arith.constant 0 : index
      %get3A_2518 = tpu.vector_load %arg10[%get3A_2516, %get3A_2517] {strides = array<i32>} : memref<64x128xf32, #tpu.memory_space<vmem>>, vector<1x16xf32>,
      %get3A_2519 = vector.shape_cast %get3A_2518 : vector<1x16xf32> to vector<16xf32>
      %mul3A_2520 = arith.mulf %sub3A_2515, %get3A_2519 : vector<16xf32>
      %add3A_2521 = arith.addf %broadcast_in_dim3A_2506, %mul3A_2520 : vector<16xf32>
      %get3A_2522 = arith.index_cast %add3A_2504 : i32 to index
      %get3A_2523 = arith.constant 16 : index
      %get3A_2524 = tpu.vector_load %arg8[%get3A_2522, %get3A_2523] {strides = array<i32>} : memref<64x128xf32, #tpu.memory_space<vmem>>, vector<1x16xf32>,
      %get3A_2525 = vector.shape_cast %get3A_2524 : vector<1x16xf32> to vector<16xf32>
      %get3A_2526 = arith.index_cast %add3A_2504 : i32 to index
      %get3A_2527 = arith.constant 16 : index
      %get3A_2528 = tpu.vector_load %arg9[%get3A_2526, %get3A_2527] {strides = array<i32>} : memref<64x128xf32, #tpu.memory_space<vmem>>, vector<1x16xf32>,
      %get3A_2529 = vector.shape_cast %get3A_2528 : vector<1x16xf32> to vector<16xf32>
      %sub3A_2530 = arith.subf %get3A_2525, %get3A_2529 : vector<16xf32>
      %get3A_2531 = arith.index_cast %add3A_2504 : i32 to index
      %get3A_2532 = arith.constant 16 : index
      %get3A_2533 = tpu.vector_load %arg10[%get3A_2531, %get3A_2532] {strides = array<i32>} : memref<64x128xf32, #tpu.memory_space<vmem>>, vector<1x16xf32>,
      %get3A_2534 = vector.shape_cast %get3A_2533 : vector<1x16xf32> to vector<16xf32>
      %mul3A_2535 = arith.mulf %sub3A_2530, %get3A_2534 : vector<16xf32>
      %add3A_2536 = arith.addf %add3A_2521, %mul3A_2535 : vector<16xf32>
      %get3A_2537 = arith.index_cast %add3A_2504 : i32 to index
      %get3A_2538 = arith.constant 32 : index
      %get3A_2539 = tpu.vector_load %arg8[%get3A_2537, %get3A_2538] {strides = array<i32>} : memref<64x128xf32, #tpu.memory_space<vmem>>, vector<1x16xf32>,
      %get3A_2540 = vector.shape_cast %get3A_2539 : vector<1x16xf32> to vector<16xf32>
      %get3A_2541 = arith.index_cast %add3A_2504 : i32 to index
      %get3A_2542 = arith.constant 32 : index
      %get3A_2543 = tpu.vector_load %arg9[%get3A_2541, %get3A_2542] {strides = array<i32>} : memref<64x128xf32, #tpu.memory_space<vmem>>, vector<1x16xf32>,
      %get3A_2544 = vector.shape_cast %get3A_2543 : vector<1x16xf32> to vector<16xf32>
      %sub3A_2545 = arith.subf %get3A_2540, %get3A_2544 : vector<16xf32>
      %get3A_2546 = arith.index_cast %add3A_2504 : i32 to index
      %get3A_2547 = arith.constant 32 : index
      %get3A_2548 = tpu.vector_load %arg10[%get3A_2546, %get3A_2547] {strides = array<i32>} : memref<64x128xf32, #tpu.memory_space<vmem>>, vector<1x16xf32>,
      %get3A_2549 = vector.shape_cast %get3A_2548 : vector<1x16xf32> to vector<16xf32>
      %mul3A_2550 = arith.mulf %sub3A_2545, %get3A_2549 : vector<16xf32>
      %add3A_2551 = arith.addf %add3A_2536, %mul3A_2550 : vector<16xf32>
      %get3A_2552 = arith.index_cast %add3A_2504 : i32 to index
      %get3A_2553 = arith.constant 48 : index
      %get3A_2554 = tpu.vector_load %arg8[%get3A_2552, %get3A_2553] {strides = array<i32>} : memref<64x128xf32, #tpu.memory_space<vmem>>, vector<1x16xf32>,
      %get3A_2555 = vector.shape_cast %get3A_2554 : vector<1x16xf32> to vector<16xf32>
      %get3A_2556 = arith.index_cast %add3A_2504 : i32 to index
      %get3A_2557 = arith.constant 48 : index
      %get3A_2558 = tpu.vector_load %arg9[%get3A_2556, %get3A_2557] {strides = array<i32>} : memref<64x128xf32, #tpu.memory_space<vmem>>, vector<1x16xf32>,
      %get3A_2559 = vector.shape_cast %get3A_2558 : vector<1x16xf32> to vector<16xf32>
      %sub3A_2560 = arith.subf %get3A_2555, %get3A_2559 : vector<16xf32>
      %get3A_2561 = arith.index_cast %add3A_2504 : i32 to index
      %get3A_2562 = arith.constant 48 : index
      %get3A_2563 = tpu.vector_load %arg10[%get3A_2561, %get3A_2562] {strides = array<i32>} : memref<64x128xf32, #tpu.memory_space<vmem>>, vector<1x16xf32>,
      %get3A_2564 = vector.shape_cast %get3A_2563 : vector<1x16xf32> to vector<16xf32>
      %mul3A_2565 = arith.mulf %sub3A_2560, %get3A_2564 : vector<16xf32>
      %add3A_2566 = arith.addf %add3A_2551, %mul3A_2565 : vector<16xf32>
      %get3A_2567 = arith.index_cast %add3A_2504 : i32 to index
      %get3A_2568 = arith.constant 64 : index
      %get3A_2569 = tpu.vector_load %arg8[%get3A_2567, %get3A_2568] {strides = array<i32>} : memref<64x128xf32, #tpu.memory_space<vmem>>, vector<1x16xf32>,
      %get3A_2570 = vector.shape_cast %get3A_2569 : vector<1x16xf32> to vector<16xf32>
      %get3A_2571 = arith.index_cast %add3A_2504 : i32 to index
      %get3A_2572 = arith.constant 64 : index
      %get3A_2573 = tpu.vector_load %arg9[%get3A_2571, %get3A_2572] {strides = array<i32>} : memref<64x128xf32, #tpu.memory_space<vmem>>, vector<1x16xf32>,
      %get3A_2574 = vector.shape_cast %get3A_2573 : vector<1x16xf32> to vector<16xf32>
      %sub3A_2575 = arith.subf %get3A_2570, %get3A_2574 : vector<16xf32>
      %get3A_2576 = arith.index_cast %add3A_2504 : i32 to index
      %get3A_2577 = arith.constant 64 : index
      %get3A_2578 = tpu.vector_load %arg10[%get3A_2576, %get3A_2577] {strides = array<i32>} : memref<64x128xf32, #tpu.memory_space<vmem>>, vector<1x16xf32>,
      %get3A_2579 = vector.shape_cast %get3A_2578 : vector<1x16xf32> to vector<16xf32>
      %mul3A_2580 = arith.mulf %sub3A_2575, %get3A_2579 : vector<16xf32>
      %add3A_2581 = arith.addf %add3A_2566, %mul3A_2580 : vector<16xf32>
      %get3A_2582 = arith.index_cast %add3A_2504 : i32 to index
      %get3A_2583 = arith.constant 80 : index
      %get3A_2584 = tpu.vector_load %arg8[%get3A_2582, %get3A_2583] {strides = array<i32>} : memref<64x128xf32, #tpu.memory_space<vmem>>, vector<1x16xf32>,
      %get3A_2585 = vector.shape_cast %get3A_2584 : vector<1x16xf32> to vector<16xf32>
      %get3A_2586 = arith.index_cast %add3A_2504 : i32 to index
      %get3A_2587 = arith.constant 80 : index
      %get3A_2588 = tpu.vector_load %arg9[%get3A_2586, %get3A_2587] {strides = array<i32>} : memref<64x128xf32, #tpu.memory_space<vmem>>, vector<1x16xf32>,
      %get3A_2589 = vector.shape_cast %get3A_2588 : vector<1x16xf32> to vector<16xf32>
      %sub3A_2590 = arith.subf %get3A_2585, %get3A_2589 : vector<16xf32>
      %get3A_2591 = arith.index_cast %add3A_2504 : i32 to index
      %get3A_2592 = arith.constant 80 : index
      %get3A_2593 = tpu.vector_load %arg10[%get3A_2591, %get3A_2592] {strides = array<i32>} : memref<64x128xf32, #tpu.memory_space<vmem>>, vector<1x16xf32>,
      %get3A_2594 = vector.shape_cast %get3A_2593 : vector<1x16xf32> to vector<16xf32>
      %mul3A_2595 = arith.mulf %sub3A_2590, %get3A_2594 : vector<16xf32>
      %add3A_2596 = arith.addf %add3A_2581, %mul3A_2595 : vector<16xf32>
      %get3A_2597 = arith.index_cast %add3A_2504 : i32 to index
      %get3A_2598 = arith.constant 96 : index
      %get3A_2599 = tpu.vector_load %arg8[%get3A_2597, %get3A_2598] {strides = array<i32>} : memref<64x128xf32, #tpu.memory_space<vmem>>, vector<1x16xf32>,
      %get3A_2600 = vector.shape_cast %get3A_2599 : vector<1x16xf32> to vector<16xf32>
      %get3A_2601 = arith.index_cast %add3A_2504 : i32 to index
      %get3A_2602 = arith.constant 96 : index
      %get3A_2603 = tpu.vector_load %arg9[%get3A_2601, %get3A_2602] {strides = array<i32>} : memref<64x128xf32, #tpu.memory_space<vmem>>, vector<1x16xf32>,
      %get3A_2604 = vector.shape_cast %get3A_2603 : vector<1x16xf32> to vector<16xf32>
      %sub3A_2605 = arith.subf %get3A_2600, %get3A_2604 : vector<16xf32>
      %get3A_2606 = arith.index_cast %add3A_2504 : i32 to index
      %get3A_2607 = arith.constant 96 : index
      %get3A_2608 = tpu.vector_load %arg10[%get3A_2606, %get3A_2607] {strides = array<i32>} : memref<64x128xf32, #tpu.memory_space<vmem>>, vector<1x16xf32>,
      %get3A_2609 = vector.shape_cast %get3A_2608 : vector<1x16xf32> to vector<16xf32>
      %mul3A_2610 = arith.mulf %sub3A_2605, %get3A_2609 : vector<16xf32>
      %add3A_2611 = arith.addf %add3A_2596, %mul3A_2610 : vector<16xf32>
      %get3A_2612 = arith.index_cast %add3A_2504 : i32 to index
      %get3A_2613 = arith.constant 112 : index
      %get3A_2614 = tpu.vector_load %arg8[%get3A_2612, %get3A_2613] {strides = array<i32>} : memref<64x128xf32, #tpu.memory_space<vmem>>, vector<1x16xf32>,
      %get3A_2615 = vector.shape_cast %get3A_2614 : vector<1x16xf32> to vector<16xf32>
      %get3A_2616 = arith.index_cast %add3A_2504 : i32 to index
      %get3A_2617 = arith.constant 112 : index
      %get3A_2618 = tpu.vector_load %arg9[%get3A_2616, %get3A_2617] {strides = array<i32>} : memref<64x128xf32, #tpu.memory_space<vmem>>, vector<1x16xf32>,
      %get3A_2619 = vector.shape_cast %get3A_2618 : vector<1x16xf32> to vector<16xf32>
      %sub3A_2620 = arith.subf %get3A_2615, %get3A_2619 : vector<16xf32>
      %get3A_2621 = arith.index_cast %add3A_2504 : i32 to index
      %get3A_2622 = arith.constant 112 : index
      %get3A_2623 = tpu.vector_load %arg10[%get3A_2621, %get3A_2622] {strides = array<i32>} : memref<64x128xf32, #tpu.memory_space<vmem>>, vector<1x16xf32>,
      %get3A_2624 = vector.shape_cast %get3A_2623 : vector<1x16xf32> to vector<16xf32>
      %mul3A_2625 = arith.mulf %sub3A_2620, %get3A_2624 : vector<16xf32>
      %add3A_2626 = arith.addf %add3A_2611, %mul3A_2625 : vector<16xf32>
      %swap3A_2627 = arith.constant 0 : index
      %swap3A_2628 = tpu.vector_load %arg11[%swap3A_2627] {strides = array<i32>} : memref<32xf32, #tpu.memory_space<vmem>>, vector<16xf32>,
      %swap3A_2629 = vector.shape_cast %swap3A_2628 : vector<16xf32> to vector<16xf32>
      %swap3A_2630 = vector.shape_cast %add3A_2626 : vector<16xf32> to vector<16xf32>
      tpu.vector_store %arg11[%swap3A_2627], %swap3A_2630 {strides = array<i32>} : memref<32xf32, #tpu.memory_space<vmem>>, vector<16xf32>,
      %get3A_2631 = arith.constant 8 : index
      %get3A_2632 = tpu.vector_load %arg11[%get3A_2631] {strides = array<i32>} : memref<32xf32, #tpu.memory_space<vmem>>, vector<16xf32>,
      %get3A_2633 = vector.shape_cast %get3A_2632 : vector<16xf32> to vector<16xf32>
      %add3A_2634 = arith.addf %add3A_2626, %get3A_2633 : vector<16xf32>
      %swap3A_2635 = arith.constant 0 : index
      %swap3A_2636 = tpu.vector_load %arg11[%swap3A_2635] {strides = array<i32>} : memref<32xf32, #tpu.memory_space<vmem>>, vector<16xf32>,
      %swap3A_2637 = vector.shape_cast %swap3A_2636 : vector<16xf32> to vector<16xf32>
      %swap3A_2638 = vector.shape_cast %add3A_2634 : vector<16xf32> to vector<16xf32>
      tpu.vector_store %arg11[%swap3A_2635], %swap3A_2638 {strides = array<i32>} : memref<32xf32, #tpu.memory_space<vmem>>, vector<16xf32>,
      %get3A_2639 = arith.constant 4 : index
      %get3A_2640 = tpu.vector_load %arg11[%get3A_2639] {strides = array<i32>} : memref<32xf32, #tpu.memory_space<vmem>>, vector<16xf32>,
      %get3A_2641 = vector.shape_cast %get3A_2640 : vector<16xf32> to vector<16xf32>
      %add3A_2642 = arith.addf %add3A_2634, %get3A_2641 : vector<16xf32>
      %swap3A_2643 = arith.constant 0 : index
      %swap3A_2644 = tpu.vector_load %arg11[%swap3A_2643] {strides = array<i32>} : memref<32xf32, #tpu.memory_space<vmem>>, vector<16xf32>,
      %swap3A_2645 = vector.shape_cast %swap3A_2644 : vector<16xf32> to vector<16xf32>
      %swap3A_2646 = vector.shape_cast %add3A_2642 : vector<16xf32> to vector<16xf32>
      tpu.vector_store %arg11[%swap3A_2643], %swap3A_2646 {strides = array<i32>} : memref<32xf32, #tpu.memory_space<vmem>>, vector<16xf32>,
      %get3A_2647 = arith.constant 2 : index
      %get3A_2648 = tpu.vector_load %arg11[%get3A_2647] {strides = array<i32>} : memref<32xf32, #tpu.memory_space<vmem>>, vector<16xf32>,
      %get3A_2649 = vector.shape_cast %get3A_2648 : vector<16xf32> to vector<16xf32>
      %add3A_2650 = arith.addf %add3A_2642, %get3A_2649 : vector<16xf32>
      %swap3A_2651 = arith.constant 0 : index
      %swap3A_2652 = tpu.vector_load %arg11[%swap3A_2651] {strides = array<i32>} : memref<32xf32, #tpu.memory_space<vmem>>, vector<16xf32>,
      %swap3A_2653 = vector.shape_cast %swap3A_2652 : vector<16xf32> to vector<16xf32>
      %swap3A_2654 = vector.shape_cast %add3A_2650 : vector<16xf32> to vector<16xf32>
      tpu.vector_store %arg11[%swap3A_2651], %swap3A_2654 {strides = array<i32>} : memref<32xf32, #tpu.memory_space<vmem>>, vector<16xf32>,
      %get3A_2655 = arith.constant 1 : index
      %get3A_2656 = tpu.vector_load %arg11[%get3A_2655] {strides = array<i32>} : memref<32xf32, #tpu.memory_space<vmem>>, vector<16xf32>,
      %get3A_2657 = vector.shape_cast %get3A_2656 : vector<16xf32> to vector<16xf32>
      %add3A_2658 = arith.addf %add3A_2650, %get3A_2657 : vector<16xf32>
      %eq3A_2659 = arith.constant 15 : i32
      %eq3A_2660 = vector.broadcast %eq3A_2659 : i32 to vector<16xi32>
      %eq3A_2661 = arith.cmpi eq, %iota3A, %eq3A_2660 : vector<16xi32>
      %slice3A_2662 = vector.extract_strided_slice %add3A_2658 {offsets = [0], sizes = [1], strides = [1]} : vector<16xf32> to vector<1xf32>
      %squeeze3A_2663 = vector.extract %slice3A_2662[0] : f32 from vector<1xf32>
      %broadcast_in_dim3A_2664 = vector.broadcast %squeeze3A_2663 : f32 to vector<16xf32>
      %select_n3A_2665 = arith.select %eq3A_2661, %broadcast_in_dim3A_2664, %select_n3A_2500 : vector<16xi1>, vector<16xf32>
      %ge3A = arith.constant 0.000000e+00 : f32
      %ge3A_2666 = vector.broadcast %ge3A : f32 to vector<16xf32>
      %ge3A_2667 = arith.cmpf oge, %select_n3A_2665, %ge3A_2666 : vector<16xf32>
      %exp3A = math.exp %select_n3A_2665 : vector<16xf32>
      %sub3A_2668 = arith.constant 1.000000e+00 : f32
      %sub3A_2669 = vector.broadcast %sub3A_2668 : f32 to vector<16xf32>
      %sub3A_2670 = arith.subf %exp3A, %sub3A_2669 : vector<16xf32>
      %mul3A_2671 = arith.constant 5.000000e-01 : f32
      %mul3A_2672 = vector.broadcast %mul3A_2671 : f32 to vector<16xf32>
      %mul3A_2673 = arith.mulf %mul3A_2672, %select_n3A_2665 : vector<16xf32>
      %exp3A_2674 = math.exp %mul3A_2673 : vector<16xf32>
      %sub3A_2675 = arith.constant 1.000000e+00 : f32
      %sub3A_2676 = vector.broadcast %sub3A_2675 : f32 to vector<16xf32>
      %sub3A_2677 = arith.subf %exp3A_2674, %sub3A_2676 : vector<16xf32>
      %select_n3A_2678 = arith.select %ge3A_2667, %sub3A_2670, %sub3A_2677 : vector<16xi1>, vector<16xf32>
      %add3A_2679 = arith.addf %scan3A_29, %select_n3A_2678 : vector<16xf32>
      scf.yield %add3A_2679 : vector<16xf32>
    }
    %scan3A_23 = arith.constant 4 : i32
    %swap3A_24 = arith.constant 0 : index
    %swap3A_25 = tpu.vector_load %arg12[%swap3A_24] {strides = array<i32>} : memref<16xf32, #tpu.memory_space<vmem>>, vector<16xf32>,
    %swap3A_26 = vector.shape_cast %swap3A_25 : vector<16xf32> to vector<16xf32>
    %swap3A_27 = vector.shape_cast %scan3A_22 : vector<16xf32> to vector<16xf32>
    tpu.vector_store %arg12[%swap3A_24], %swap3A_27 {strides = array<i32>} : memref<16xf32, #tpu.memory_space<vmem>>, vector<16xf32>,
    "tpu.region"() ({
      %run_scoped3A = tpu.sem_alloc : memref<!tpu.dma_semaphore, #tpu.memory_space<semaphore_mem>>
      %dma_start3A_28 = arith.constant 0 : i32
      %dma_start3A_29 = tpu.memref_slice %arg6[%add3A, %dma_start3A_28] : memref<32x16xf32, #tpu.memory_space<hbm>> -> memref<1x16xf32, #tpu.memory_space<hbm>>
      %dma_start3A_30 = tpu.memref_squeeze %dma_start3A_29 : memref<1x16xf32, #tpu.memory_space<hbm>> -> memref<16xf32, #tpu.memory_space<hbm>>
      %dma_start3A_31 = arith.constant 0 : i32
      %dma_start3A_32 = tpu.memref_slice %arg6[%add3A, %dma_start3A_31] : memref<32x16xf32, #tpu.memory_space<hbm>> -> memref<1x16xf32, #tpu.memory_space<hbm>>
      %dma_start3A_33 = tpu.memref_squeeze %dma_start3A_32 : memref<1x16xf32, #tpu.memory_space<hbm>> -> memref<16xf32, #tpu.memory_space<hbm>>
      tpu.enqueue_dma source(%arg12 : memref<16xf32, #tpu.memory_space<vmem>>) target(%dma_start3A_33 : memref<16xf32, #tpu.memory_space<hbm>>) target_semaphore(%run_scoped3A : memref<!tpu.dma_semaphore, #tpu.memory_space<semaphore_mem>>)
      %dma_wait3A_34 = arith.constant 0 : i32
      %dma_wait3A_35 = tpu.memref_slice %arg6[%add3A, %dma_wait3A_34] : memref<32x16xf32, #tpu.memory_space<hbm>> -> memref<1x16xf32, #tpu.memory_space<hbm>>
      %dma_wait3A_36 = tpu.memref_squeeze %dma_wait3A_35 : memref<1x16xf32, #tpu.memory_space<hbm>> -> memref<16xf32, #tpu.memory_space<hbm>>
      %dma_wait3A_37 = arith.constant 0 : i32
      %dma_wait3A_38 = tpu.memref_slice %arg6[%add3A, %dma_wait3A_37] : memref<32x16xf32, #tpu.memory_space<hbm>> -> memref<1x16xf32, #tpu.memory_space<hbm>>
      %dma_wait3A_39 = tpu.memref_squeeze %dma_wait3A_38 : memref<1x16xf32, #tpu.memory_space<hbm>> -> memref<16xf32, #tpu.memory_space<hbm>>
      tpu.wait_dma2 semaphore(%run_scoped3A : memref<!tpu.dma_semaphore, #tpu.memory_space<semaphore_mem>>) src(%arg12 : memref<16xf32, #tpu.memory_space<vmem>>) dst(%dma_wait3A_39 : memref<16xf32, #tpu.memory_space<hbm>>)
      tpu.yield
    }) : () -> ()
    return
  }
}

module attributes {stable_mosaic.version = 14 : i64} {
  func.func @body(%arg0: i32, %arg1: i32, %arg2: memref<1x512x128xf32, #tpu.memory_space<vmem>>, %arg3: memref<1x4096x128xf32, #tpu.memory_space<vmem>>, %arg4: memref<1x1x512xi32, #tpu.memory_space<vmem>>, %arg5: memref<1x1x512xi32, #tpu.memory_space<vmem>>, %arg6: memref<512xf32, #tpu.memory_space<vmem>>, %arg7: memref<512xi32, #tpu.memory_space<vmem>>) attributes {dimension_semantics = [#tpu.dimension_semantics<arbitrary>, #tpu.dimension_semantics<arbitrary>], iteration_bounds = array<i64: 4, 4>, scalar_prefetch = 0 : i64, scratch_operands = 2 : i64, tpu.core_type = #tpu.core_type<tc>, window_params = [{transform_indices = @transform_0, window_bounds = array<i64: 1, 512, 128>}, {transform_indices = @transform_1, window_bounds = array<i64: 1, 4096, 128>}, {transform_indices = @transform_2, window_bounds = array<i64: 1, 1, 512>}, {transform_indices = @transform_3, window_bounds = array<i64: 1, 1, 512>}]} {
    %eq3A = arith.constant 0 : i32
    %eq3A_0 = arith.cmpi eq, %arg1, %eq3A : i32
    %convert_element_type3A = arith.extui %eq3A_0 : i1 to i32
    %cond3A = arith.constant 0 : i32
    %cond3A_1 = arith.cmpi ne, %convert_element_type3A, %cond3A : i32
    scf.if %cond3A_1 {
      %broadcast_in_dim3A_52 = arith.constant 0x7F800000 : f32
      %broadcast_in_dim3A_53 = vector.broadcast %broadcast_in_dim3A_52 : f32 to vector<512xf32>
      %swap3A_54 = arith.constant 0 : index
      %swap3A_55 = vector.load %arg6[%swap3A_54] : memref<512xf32, #tpu.memory_space<vmem>>, vector<512xf32>
      tpu.vector_store %arg6[%swap3A_54], %broadcast_in_dim3A_53 {strides = array<i32>} : memref<512xf32, #tpu.memory_space<vmem>>, vector<512xf32>,
      %broadcast_in_dim3A_56 = arith.constant 0 : i32
      %broadcast_in_dim3A_57 = vector.broadcast %broadcast_in_dim3A_56 : i32 to vector<512xi32>
      %swap3A_58 = arith.constant 0 : index
      %swap3A_59 = vector.load %arg7[%swap3A_58] : memref<512xi32, #tpu.memory_space<vmem>>, vector<512xi32>
      tpu.vector_store %arg7[%swap3A_58], %broadcast_in_dim3A_57 {strides = array<i32>} : memref<512xi32, #tpu.memory_space<vmem>>, vector<512xi32>,
    } else {
    }
    %get3A = arith.constant 0 : index
    %get3A_2 = arith.constant 0 : index
    %get3A_3 = arith.constant 0 : index
    %get3A_4 = vector.load %arg2[%get3A, %get3A_2, %get3A_3] : memref<1x512x128xf32, #tpu.memory_space<vmem>>, vector<1x512x128xf32>
    %get3A_5 = vector.shape_cast %get3A_4 : vector<1x512x128xf32> to vector<512x128xf32>
    %get3A_6 = arith.constant 0 : index
    %get3A_7 = arith.constant 0 : index
    %get3A_8 = arith.constant 0 : index
    %get3A_9 = vector.load %arg3[%get3A_6, %get3A_7, %get3A_8] : memref<1x4096x128xf32, #tpu.memory_space<vmem>>, vector<1x4096x128xf32>
    %get3A_10 = vector.shape_cast %get3A_9 : vector<1x4096x128xf32> to vector<4096x128xf32>
    %mul3A = arith.mulf %get3A_5, %get3A_5 : vector<512x128xf32>
    %reduce_sum3A = arith.constant dense<0.000000e+00> : vector<512xf32>
    %reduce_sum3A_11 = vector.multi_reduction <add>, %mul3A, %reduce_sum3A [1] : vector<512x128xf32> to vector<512xf32>
    %mul3A_12 = arith.mulf %get3A_10, %get3A_10 : vector<4096x128xf32>
    %reduce_sum3A_13 = arith.constant dense<0.000000e+00> : vector<4096xf32>
    %reduce_sum3A_14 = vector.multi_reduction <add>, %mul3A_12, %reduce_sum3A_13 [1] : vector<4096x128xf32> to vector<4096xf32>
    %mul3A_15 = arith.constant -2.000000e+00 : f32
    %mul3A_16 = vector.broadcast %mul3A_15 : f32 to vector<512x128xf32>
    %mul3A_17 = arith.mulf %get3A_5, %mul3A_16 : vector<512x128xf32>
    %dot_general3A = arith.constant dense<0.000000e+00> : vector<512x4096xf32>
    %dot_general3A_18 = tpu.matmul %mul3A_17, %get3A_10, %dot_general3A {dimension_numbers = #tpu.dot_dimension_numbers<[1], [1], [0], [0], [0, 0, 1, 0], [], []>, transpose_lhs_hint = false} : vector<512x128xf32>, vector<4096x128xf32>, vector<512x4096xf32> -> vector<512x4096xf32>
    %broadcast_in_dim3A = vector.shape_cast %reduce_sum3A_11 : vector<512xf32> to vector<512x1xf32>
    %broadcast_in_dim3A_19 = vector.shape_cast %reduce_sum3A_14 : vector<4096xf32> to vector<1x4096xf32>
    %add3A = vector.broadcast %broadcast_in_dim3A : vector<512x1xf32> to vector<512x4096xf32>
    %add3A_20 = vector.broadcast %broadcast_in_dim3A_19 : vector<1x4096xf32> to vector<512x4096xf32>
    %add3A_21 = arith.addf %add3A, %add3A_20 : vector<512x4096xf32>
    %add3A_22 = arith.addf %add3A_21, %dot_general3A_18 : vector<512x4096xf32>
    %reduce_min3A = arith.constant dense<0x7F800000> : vector<512xf32>
    %reduce_min3A_23 = vector.multi_reduction <minimumf>, %add3A_22, %reduce_min3A [1] : vector<512x4096xf32> to vector<512xf32>
    %iota3A = tpu.iota {dimensions = array<i32: 1>} : vector<512x4096xi32>
    %convert_element_type3A_24 = arith.sitofp %iota3A : vector<512x4096xi32> to vector<512x4096xf32>
    %broadcast_in_dim3A_25 = vector.shape_cast %reduce_min3A_23 : vector<512xf32> to vector<512x1xf32>
    %eq3A_26 = vector.broadcast %broadcast_in_dim3A_25 : vector<512x1xf32> to vector<512x4096xf32>
    %eq3A_27 = arith.cmpf oeq, %add3A_22, %eq3A_26 : vector<512x4096xf32>
    %jit3A = arith.constant 1.638400e+04 : f32
    %broadcast_in_dim3A_28 = vector.broadcast %jit3A : f32 to vector<512x4096xf32>
    %select_n3A = arith.select %eq3A_27, %convert_element_type3A_24, %broadcast_in_dim3A_28 : vector<512x4096xi1>, vector<512x4096xf32>
    %reduce_min3A_29 = arith.constant dense<0x7F800000> : vector<512xf32>
    %reduce_min3A_30 = vector.multi_reduction <minimumf>, %select_n3A, %reduce_min3A_29 [1] : vector<512x4096xf32> to vector<512xf32>
    %convert_element_type3A_31 = arith.fptosi %reduce_min3A_30 : vector<512xf32> to vector<512xi32>
    %mul3A_32 = arith.constant 4096 : i32
    %mul3A_33 = arith.muli %arg1, %mul3A_32 : i32
    %add3A_34 = vector.broadcast %mul3A_33 : i32 to vector<512xi32>
    %add3A_35 = arith.addi %convert_element_type3A_31, %add3A_34 : vector<512xi32>
    %get3A_36 = arith.constant 0 : index
    %get3A_37 = vector.load %arg6[%get3A_36] : memref<512xf32, #tpu.memory_space<vmem>>, vector<512xf32>
    %lt3A = arith.cmpf olt, %reduce_min3A_23, %get3A_37 : vector<512xf32>
    %get3A_38 = arith.constant 0 : index
    %get3A_39 = vector.load %arg7[%get3A_38] : memref<512xi32, #tpu.memory_space<vmem>>, vector<512xi32>
    %select_n3A_40 = arith.select %lt3A, %add3A_35, %get3A_39 : vector<512xi1>, vector<512xi32>
    %swap3A = arith.constant 0 : index
    %swap3A_41 = vector.load %arg7[%swap3A] : memref<512xi32, #tpu.memory_space<vmem>>, vector<512xi32>
    tpu.vector_store %arg7[%swap3A], %select_n3A_40 {strides = array<i32>} : memref<512xi32, #tpu.memory_space<vmem>>, vector<512xi32>,
    %get3A_42 = arith.constant 0 : index
    %get3A_43 = vector.load %arg6[%get3A_42] : memref<512xf32, #tpu.memory_space<vmem>>, vector<512xf32>
    %select_n3A_44 = arith.select %lt3A, %reduce_min3A_23, %get3A_43 : vector<512xi1>, vector<512xf32>
    %swap3A_45 = arith.constant 0 : index
    %swap3A_46 = vector.load %arg6[%swap3A_45] : memref<512xf32, #tpu.memory_space<vmem>>, vector<512xf32>
    tpu.vector_store %arg6[%swap3A_45], %select_n3A_44 {strides = array<i32>} : memref<512xf32, #tpu.memory_space<vmem>>, vector<512xf32>,
    %eq3A_47 = arith.constant 3 : i32
    %eq3A_48 = arith.cmpi eq, %arg1, %eq3A_47 : i32
    %convert_element_type3A_49 = arith.extui %eq3A_48 : i1 to i32
    %cond3A_50 = arith.constant 0 : i32
    %cond3A_51 = arith.cmpi ne, %convert_element_type3A_49, %cond3A_50 : i32
    scf.if %cond3A_51 {
      %get3A_52 = arith.constant 0 : index
      %get3A_53 = vector.load %arg7[%get3A_52] : memref<512xi32, #tpu.memory_space<vmem>>, vector<512xi32>
      %swap3A_54 = arith.constant 0 : index
      %swap3A_55 = arith.constant 0 : index
      %swap3A_56 = arith.constant 0 : index
      %swap3A_57 = vector.load %arg4[%swap3A_54, %swap3A_55, %swap3A_56] : memref<1x1x512xi32, #tpu.memory_space<vmem>>, vector<1x1x512xi32>
      %swap3A_58 = vector.shape_cast %swap3A_57 : vector<1x1x512xi32> to vector<512xi32>
      %swap3A_59 = vector.shape_cast %get3A_53 : vector<512xi32> to vector<1x1x512xi32>
      tpu.vector_store %arg4[%swap3A_54, %swap3A_55, %swap3A_56], %swap3A_59 {strides = array<i32>} : memref<1x1x512xi32, #tpu.memory_space<vmem>>, vector<1x1x512xi32>,
      %get3A_60 = arith.constant 0 : index
      %get3A_61 = vector.load %arg7[%get3A_60] : memref<512xi32, #tpu.memory_space<vmem>>, vector<512xi32>
      %mul3A_62 = arith.constant 16384 : i32
      %mul3A_63 = arith.muli %arg0, %mul3A_62 : i32
      %add3A_64 = vector.broadcast %mul3A_63 : i32 to vector<512xi32>
      %add3A_65 = arith.addi %get3A_61, %add3A_64 : vector<512xi32>
      %swap3A_66 = arith.constant 0 : index
      %swap3A_67 = arith.constant 0 : index
      %swap3A_68 = arith.constant 0 : index
      %swap3A_69 = vector.load %arg5[%swap3A_66, %swap3A_67, %swap3A_68] : memref<1x1x512xi32, #tpu.memory_space<vmem>>, vector<1x1x512xi32>
      %swap3A_70 = vector.shape_cast %swap3A_69 : vector<1x1x512xi32> to vector<512xi32>
      %swap3A_71 = vector.shape_cast %add3A_65 : vector<512xi32> to vector<1x1x512xi32>
      tpu.vector_store %arg5[%swap3A_66, %swap3A_67, %swap3A_68], %swap3A_71 {strides = array<i32>} : memref<1x1x512xi32, #tpu.memory_space<vmem>>, vector<1x1x512xi32>,
    } else {
    }
    return
  }
  func.func @transform_0(%arg0: i32, %arg1: i32) -> (i32, i32, i32) {
    %c0_i32 = arith.constant 0 : i32
    %c0_i32_0 = arith.constant 0 : i32
    %c0_i32_1 = arith.constant 0 : i32
    return %arg0, %c0_i32, %c0_i32_0 : i32, i32, i32
  }
  func.func @transform_1(%arg0: i32, %arg1: i32) -> (i32, i32, i32) {
    %c0_i32 = arith.constant 0 : i32
    %c0_i32_0 = arith.constant 0 : i32
    return %arg0, %arg1, %c0_i32 : i32, i32, i32
  }
  func.func @transform_2(%arg0: i32, %arg1: i32) -> (i32, i32, i32) {
    %c0_i32 = arith.constant 0 : i32
    %c0_i32_0 = arith.constant 0 : i32
    %c0_i32_1 = arith.constant 0 : i32
    return %arg0, %c0_i32, %c0_i32_0 : i32, i32, i32
  }
  func.func @transform_3(%arg0: i32, %arg1: i32) -> (i32, i32, i32) {
    %c0_i32 = arith.constant 0 : i32
    %c0_i32_0 = arith.constant 0 : i32
    %c0_i32_1 = arith.constant 0 : i32
    return %arg0, %c0_i32, %c0_i32_0 : i32, i32, i32
  }
}

</mosaic_0001>

<sc_bundles>
// kernel: kernel.4.cloned.1.call-start
scs
__scs_entry_jumppad:
0x0: {  	(pc) =	sbr.rel $0x88, $3  }
0x1: {  	(tag) =	ssettag $0x0;
	lr =	simm.s32 $0x1  }
0x2: {  	[smem:$0x3F9E] =	sst lr;
	_ =	strace $0xD0000000  }
0x3: {  	_ = 	snop  }
0x4: {  	_ = 	snop  }
0x5: {  	_ = 	snop  }
0x6: {  	_ = 	snop  }
0x7: {  	_ = 	snop  }
__scs_overlays_trampoline_lowered:
0x8: {  	[smem:$0x3FAD] =	sst s0  }
0x9: {  	[smem:$0x3FAE] =	sst s1  }
0xa: {  	[smem:$0x3FAF] =	sst s2  }
0xb: {  	[smem:$0x3FB0] =	sst s3  }
0xc: {  	[smem:$0x3FB1] =	sst s4  }
0xd: {  	[smem:$0x3FB2] =	sst s5  }
0xe: {  	[smem:$0x3FB3] =	sst s6  }
0xf: {  	[smem:$0x3FB4] =	sst s7  }
0x10: {  	[smem:$0x3FB5] =	sst s8  }
0x11: {  	[smem:$0x3FB6] =	sst s9;
	s0 =	simm.s32 @!p0 $0x0  }
0x12: {  	s1 =	sld [smem:$0x3F9C];
	s0 =	simm.s32 @p0 $0x1  }
0x13: {  	[smem:$0x3FB7] =	sst s0;
	s0 =	simm.s32 @!p1 $0x0  }
0x14: {  	s2 =	sld [smem:$0x3F9B];
	s0 =	simm.s32 @p1 $0x1  }
0x15: {  	[smem:$0x3FB8] =	sst s0;
	s0 =	simm.s32 @!p2 $0x0  }
0x16: {  	s3 =	sld [smem:$0x3FDB];
	s0 =	simm.s32 @p2 $0x1  }
0x17: {  	s4 =	simm.s32 $0x1BF5;
	[smem:$0x3FBA] =	sst s0  }
0x18: {  	s0 =	sld [smem:$0x3F9D];
	_ =	swait.ge [sflag:s4], $0x0  }
0x19: {  	s7 =	sld [smem:$0x3F9E]  }
0x1a: {  	s8 =	sadd.s32 $0xFFFFE003, lr  }
0x1b: {  	s9 =	sadd.s32 $0xFFFFFEF7, lr;
	s5 =	simm.s32 $0xFFFFFFFF;
	p2 =	slt.u32 s8, $0xFFFFF086  }
0x1c: {  	p1 =	slt.u32 s9, $0xF7A;
	s5 =	simm.s32 @!p2 $0x0  }
0x1d: {  	s5 =	simm.s32 @p1 $0x1;
	p0 =	seq.s32 s7, s2  }
0x1e: {  	s7 =	smul.u32 @!p0 $0xF7A, s2;
	p2 =	seq.s32 @!p0 s5, $0x0  }
0x1f: {  	s9 =	smul.u32 $0xF7A, s1;
	s8 =	simm.s32 @!p0 $0x1BF5;
	p2 =	por !p2, p0  }
0x20: {  	[sflag:s8] =	ssyncset.s32 @!p0 $0xFFFFF086;
	s6 =	sadd.s32 @!p0 s3, s7;
	s7 =	simm.s32 @!p0 $0x108  }
0x21: {  	s3 =	sadd.s32 s3, s9;
	s6 =	sadd.s32 @!p0 $0x88, s6;
	s7 =	simm.s32 @p2 $0x1082  }
0x22: {  	[simem:s7], [sflag:s8] =	dma.local @!p0 [hbm:s6], $0xF7A  }
0x23: {  	s9 =	sor.u32 $0xD0000000, s2;
	s6 =	simm.s32 $0x108;
	_ =	swait.ge @!p0 [sflag:s8], $0x0  }
0x24: {  	s3 =	sadd.s32 $0x88, s3;
	s6 =	simm.s32 @!p1 $0x1082;
	[sflag:s4] =	ssyncset.s32 $0xFFFFF086  }
0x25: {  	[simem:s6], [sflag:s4] =	dma.local [hbm:s3], $0xF7A  }
0x26: {  	[smem:$0x3F9E] =	sst s1;
	(tag) =	ssettag s2;
	_ =	strace s9  }
0x27: {  	s1 =	sld [smem:$0x3FAE]  }
0x28: {  	s2 =	sld [smem:$0x3FAF]  }
0x29: {  	s4 =	sld [smem:$0x3FB1]  }
0x2a: {  	p0 =	seq.s32 s5, $0x0;
	s5 =	sld [smem:$0x3FB2]  }
0x2b: {  	s6 =	sld [smem:$0x3FB3]  }
0x2c: {  	s7 =	sld [smem:$0x3FB4]  }
0x2d: {  	s3 =	simm.s32 $0x108;
	s8 =	sld [smem:$0x3FB5]  }
0x2e: {  	s3 =	simm.s32 @!p0 $0x1082;
	s9 =	sld [smem:$0x3FB6]  }
0x2f: {  	lr =	sadd.s32 s0, s3;
	s0 =	sld [smem:$0x3FAD]  }
0x30: {  	s3 =	sld [smem:$0x3FB0]  }
0x31: {  	[smem:$0x3FB9] =	sst s10  }
0x32: {  	s10 =	sld [smem:$0x3FB7];
	_ =	sdelay $0x3  }
0x33: {  	p0 =	seq.s32 s10, $0x1;
	s10 =	sld [smem:$0x3FB9];
	_ =	sdelay $0x3  }
0x34: {  	[smem:$0x3FB9] =	sst s10  }
0x35: {  	s10 =	sld [smem:$0x3FB8];
	_ =	sdelay $0x3  }
0x36: {  	p1 =	seq.s32 s10, $0x1;
	s10 =	sld [smem:$0x3FB9];
	_ =	sdelay $0x3  }
0x37: {  	[smem:$0x3FB9] =	sst s10  }
0x38: {  	s10 =	sld [smem:$0x3FBA]  }
0x39: {  	_ = 	snop;
	(pc) =	sbr.ind lr, $3  }
0x3a: {  	_ = 	snop  }
0x3b: {  	_ = 	snop  }
0x3c: {  	p2 =	seq.s32 s10, $0x1;
	s10 =	sld [smem:$0x3FB9]  }
0x3d: {  	_ =	shalt  }
0x3e: {  	_ =	shalt  }
0x3f: {  	_ =	shalt  }
0x40: {  	_ =	shalt  }
0x41: {  	_ =	shalt  }
0x42: {  	_ =	shalt  }
0x43: {  	_ =	shalt  }
0x44: {  	_ =	shalt  }
0x45: {  	_ =	shalt  }
0x46: {  	_ =	shalt  }
0x47: {  	_ =	shalt  }
0x48: {  	_ =	shalt  }
0x49: {  	_ =	shalt  }
0x4a: {  	_ =	shalt  }
0x4b: {  	_ =	shalt  }
0x4c: {  	_ =	shalt  }
0x4d: {  	_ =	shalt  }
0x4e: {  	_ =	shalt  }
0x4f: {  	_ =	shalt  }
0x50: {  	_ =	shalt  }
0x51: {  	_ =	shalt  }
0x52: {  	_ =	shalt  }
0x53: {  	_ =	shalt  }
0x54: {  	_ =	shalt  }
0x55: {  	_ =	shalt  }
0x56: {  	_ =	shalt  }
0x57: {  	_ =	shalt  }
0x58: {  	_ =	shalt  }
0x59: {  	_ =	shalt  }
0x5a: {  	_ =	shalt  }
0x5b: {  	_ =	shalt  }
0x5c: {  	_ =	shalt  }
0x5d: {  	_ =	shalt  }
0x5e: {  	_ =	shalt  }
0x5f: {  	_ =	shalt  }
0x60: {  	_ =	shalt  }
0x61: {  	_ =	shalt  }
0x62: {  	_ =	shalt  }
0x63: {  	_ =	shalt  }
0x64: {  	_ =	shalt  }
0x65: {  	_ =	shalt  }
0x66: {  	_ =	shalt  }
0x67: {  	_ =	shalt  }
0x68: {  	_ =	shalt  }
0x69: {  	_ =	shalt  }
0x6a: {  	_ =	shalt  }
0x6b: {  	_ =	shalt  }
0x6c: {  	_ =	shalt  }
0x6d: {  	_ =	shalt  }
0x6e: {  	_ =	shalt  }
0x6f: {  	_ =	shalt  }
0x70: {  	_ =	shalt  }
0x71: {  	_ =	shalt  }
0x72: {  	_ =	shalt  }
0x73: {  	_ =	shalt  }
0x74: {  	_ =	shalt  }
0x75: {  	_ =	shalt  }
0x76: {  	_ =	shalt  }
0x77: {  	_ =	shalt  }
0x78: {  	_ =	shalt  }
0x79: {  	_ =	shalt  }
0x7a: {  	_ =	shalt  }
0x7b: {  	_ =	shalt  }
0x7c: {  	_ =	shalt  }
0x7d: {  	_ =	shalt  }
0x7e: {  	_ =	shalt  }
0x7f: {  	_ =	shalt  }
0x80: {  	_ =	shalt  }
0x81: {  	_ =	shalt  }
0x82: {  	_ =	shalt  }
0x83: {  	_ =	shalt  }
0x84: {  	_ =	shalt  }
0x85: {  	_ =	shalt  }
0x86: {  	_ =	shalt  }
0x87: {  	_ =	shalt  }
.Lfunc_end0:
.L_simem_size_0:
called_computation_lowered:
.L_overlay_start_0:
0x88: {  	s2 =	sld [smem:$0x3FD9]  }
0x89: {  	s3 =	sld [smem:$0x3FFE];
	_ =	sdelay $0x1  }
0x8a: {  	s1 =	srdreg.scid  }
0x8b: {  	s0 =	sand.u32 $0x1, s1  }
0x8c: {  	s17 =	sshll.u32 s0, $0xA;
	s2 =	sadd.s32 s3, s2  }
0x8d: {  	s2 =	sadd.s32 s2, s17  }
0x8e: {  	[smem:$0x3FC5] =	sst s2  }
0x8f: {  	_ = 	snop  }
0x90: {  	s2 =	sld [smem:$0x3FC9]  }
0x91: {  	s18 =	sld [smem:$0x3FC8]  }
0x92: {  	s4 =	sld [smem:$0x3FC7];
	(tm) =	ssettm $0x1  }
0x93: {  	s5 =	sld [smem:$0x3FFB];
	_ =	sdelay $0x3  }
0x94: {  	_ =	strace s5  }
0x95: {  	s5 =	sld [smem:$0x3FFC];
	_ =	sdelay $0x3  }
0x96: {  	_ =	strace s5  }
0x97: {  	s5 =	sld [smem:$0x3FFD];
	_ =	sdelay $0x3  }
0x98: {  	_ =	strace s5  }
0x99: {  	_ =	strace $0x8FFFFFFF  }
0x9a: {  	s19 =	sld [smem:$0x3FDB];
	_ =	sdelay $0x1  }
0x9b: {  	s6 =	simm.s32 $_scs_section_size  }
0x9c: {  	s7 =	simm.s32 $_size__tile_overlayer_lowered;
	s8 =	simm.s32 $_tile_overlayer_lowered  }
0x9d: {  	s22 =	simm.s32 $0x1BFF;
	s21 =	sshll.u32 s8, $0x1;
	s5 =	sadd.s32 s6, s19  }
0x9e: {  	s9 =	simm.s32 $0x0;
	s20 =	sshll.u32 s7, $0x1;
	s7 =	sadd.s32 s21, s5  }
0x9f: {  	[timem:s9], [sflag:s22] =	dma.local [hbm:s7], s20  }
0xa0: {  	_ =	swait.ge [sflag:s22], s20  }
0xa1: {  	s6 =	ssub.s32 $0x0, s20;
	[sflag:s22] =	ssyncset.done $0x0  }
0xa2: {  	[sflag:s22] =	ssyncadd.s32 s6;
	_ =	sdelay $0x1  }
0xa3: {  	s23 =	simm.s32 $0x1B8B  }
0xa4: {  	_ =	swait.ge [sflag:s23], $0x1  }
0xa5: {  	[sflag:s23] =	ssyncset.done $0x0  }
0xa6: {  	s25 =	simm.s32 $0x1B8E;
	s24 =	sld [smem:$0x3FFE];
	[sflag:s23] =	ssyncadd.s32 $0xFFFFFFFF  }
0xa7: {  	s26 =	simm.s32 $execute0_lowered;
	[smem:$0x3FD2] =	sst s25  }
0xa8: {  	s7 =	sshll.u32 s26, $0x1;
	_ =	strace $0x80000046;
	[dreg:$0x1] =	wrdreg $0xFFFFFFFF  }
0xa9: {  	s28 =	simm.s32 $_size_execute0_lowered;
	s5 =	sadd.s32 s5, s7;
	[dreg:$0x0] =	wrdreg $0x0  }
0xaa: {  	s7 =	sshll.u32 s28, $0x1;
	[dreg:$0x2] =	wrdreg s5  }
0xab: {  	[dreg:$0x3] =	wrdreg s7  }
0xac: {  	[dreg:$0x4] =	wrdreg $0xC0  }
0xad: {  	_ =	task [dreg:s9], $0x5FFFF  }
0xae: {  	[dreg:$0x1] =	wrdreg $0xFFFFFFFF  }
0xaf: {  	[dreg:$0x0] =	wrdreg $0x60  }
0xb0: {  	[dreg:$0x2] =	wrdreg s2  }
0xb1: {  	[dreg:$0x3] =	wrdreg s18  }
0xb2: {  	[dreg:$0x4] =	wrdreg s4  }
0xb3: {  	[dreg:$0x5] =	wrdreg s24  }
0xb4: {  	[dreg:$0x6] =	wrdreg $0x9  }
0xb5: {  	_ =	task.clear_ibuf [dreg:s9], $0x7FFFF;
	_ =	strace $0x90000046  }
0xb6: {  	s29 =	simm.s32 $0x9;
	_ =	strace $0x80000048  }
0xb7: {  	_ =	swait.ge [sflag:s29], $0x1  }
0xb8: {  	[sflag:s29] =	ssyncadd.s32 $0xFFFFFFFF  }
0xb9: {  	_ =	strace $0x90000048  }
0xba: {  	_ =	sfence  }
0xbb: {  	s30 =	sld [smem:$0x0];
	_ =	sdelay $0x2  }
0xbc: {  	s31 =	sshll.u32 s1, $0xD;
	s1 =	sshrl.u32 s1, $0x2  }
0xbd: {  	s3 =	sand.u32 $0x4000, s31;
	s1 =	sadd.s32 s1, s30  }
0xbe: {  	s0 =	sor.u32 s3, s0;
	s1 =	sshll.u32 s1, $0x11  }
0xbf: {  	s0 =	sor.u32 s1, s0  }
0xc0: {  	s0 =	sadd.s32 $0x8F2B, s0  }
0xc1: {  	[sflag:s0] =	ssyncadd.remote.s32 $0x1  }
0xc2: {  	_ =	sfence.sel $0xFFFF  }
0xc3: {  	[dreg:$0x0] =	wrdreg $0xFFFFFFFF;
	(pc) =	sbr.abs _section_cstart, $3  }
0xc4: {  	[dreg:$0x1] =	wrdreg $0xFFFFFFFF  }
0xc5: {  	_ =	task.clear_ibuf [dreg:s9], $0x2FFFF;
	_ =	strace $0x9FFFFFFF  }
0xc6: {  	(tm) =	ssettm $0x7FFFFFFF  }
0xc7: {  	_ =	shalt  }
tec
execute0_lowered:
.L_overlay_start_1:
0x0: {  	(tag) =	ssettag $0x1  }
0x1: {  	s6 =	rddreg [dreg:$0x0]  }
0x2: {  	s5 =	rddreg [dreg:$0x3]  }
0x3: {  	s1 =	simm.s32 $0x0;
	s7 =	srdreg.scid;
	s0 =	stileid.u32  }
0x4: {  	[smem:$0x7FF] =	sst s1;
	s7 =	sand.u32 $0x1, s7;
	s8 =	sshll.u32 s0, $0x1  }
0x5: {  	_ =	strace $0x80000047;
	s8 =	sor.u32 s7, s8;
	s7 =	ssub.s32 $0x2, s7  }
0x6: {  	s9 =	sshll.u32 s8, $0x3;
	s10 =	sshll.u32 s8, $0x4;
	s28 =	sshll.u32 s8, $0xA  }
0x7: {  	vm0 =	vcmask $0x300;
	vm1 =	vcmask $0x704;
	vm2 =	vcmask $0xB08;
	s25 =	sshrl.u32 s7, $0x1;
	s9 =	sadd.s32 s9, s5;
	s29 =	sadd.s32 s6, s28  }
0x8: {  	vm3 =	vcmask $0xF0C;
	vm4 =	vcmask $0x1310;
	vm5 =	vcmask $0x1714;
	s10 =	sadd.s32 s10, s5;
	s26 =	sadd.s32 $0x600, s9;
	[dreg:$0x6] =	wrdreg s29  }
0x9: {  	vm6 =	vcmask $0x1B18;
	vm7 =	vcmask $0x1F1C;
	vm8 =	vcmask $0x2320;
	s11 =	ssub.s32 s7, s25;
	s30 =	sadd.s32 $0x800, s10;
	[dreg:$0x5] =	wrdreg s26  }
0xa: {  	vm9 =	vcmask $0x2724;
	vm10 =	vcmask $0x2B28;
	vm11 =	vcmask $0x2F2C;
	s31 =	smax.u32 s11, $0x1;
	[dreg:$0x7] =	wrdreg s30  }
0xb: {  	s2 =	simm.s32 $0x3;
	vm12 =	vcmask $0x3330;
	vm13 =	vcmask $0x3734;
	vm14 =	vcmask $0x3B38;
	s3 =	simm.s32 $0x0;
	[dreg:$0x8] =	wrdreg s31  }
.LBB2_1:
0xc: {  	[dreg:$0x9] =	wrdreg s3  }
0xd: {  	s0 =	rddreg [dreg:$0x5]  }
0xe: {  	[tilespmem:s1], [sflag:$0x3] =	stream.linear.gather [hbm4b:s0+s1], $0x40, $0x38;
	[tilespmem:$0x6180] =	vst v63  }
0xf: {  	_ =	swait.ge [sflag:s2], $0x40  }
0x10: {  	[sflag:s2] =	ssyncset.done $0x0  }
0x11: {  	s23 =	simm.s32 $0x80;
	s22 =	rddreg [dreg:$0x6];
	[sflag:s2] =	ssyncadd.s32 $0xFFFFFFC0  }
0x12: {  	[tilespmem:s23], [sflag:$0x3] =	stream.linear.gather [hbm4b:s22+s1], $0x2000, $0x38;
	[tilespmem:$0x6180] =	vst v63  }
0x13: {  	_ =	swait.ge [sflag:s2], $0x2000  }
0x14: {  	[sflag:s2] =	ssyncset.done $0x0  }
0x15: {  	[sflag:s2] =	ssyncadd.s32 $0xFFFFE000  }
0x16: {  	s25 =	simm.s32 $0x40;
	s26 =	simm.s32 $0x2080;
	s24 =	rddreg [dreg:$0x1]  }
0x17: {  	[tilespmem:s26], [sflag:$0x1] =	stream.indirect.gather [hbm4b:s24+s25], $0x80, s1, s25, $0xb8;
	[tilespmem:$0x6180] =	vst v63  }
0x18: {  	s29 =	simm.s32 $0x4080;
	s30 =	simm.s32 $0x1;
	s28 =	rddreg [dreg:$0x2]  }
0x19: {  	[tilespmem:s29], [sflag:$0x2] =	stream.indirect.gather [hbm4b:s28+s25], $0x80, s1, s25, $0xb8;
	[tilespmem:$0x6180] =	vst v63  }
0x1a: {  	_ =	swait.ge [sflag:s30], $0x2000  }
0x1b: {  	[sflag:s30] =	ssyncset.done $0x0  }
0x1c: {  	s31 =	simm.s32 $0x2;
	[sflag:s30] =	ssyncadd.s32 $0xFFFFE000  }
0x1d: {  	_ =	swait.ge [sflag:s31], $0x2000  }
0x1e: {  	[sflag:s31] =	ssyncset.done $0x0  }
0x1f: {  	v0 =	vimm.f32 $0.0e+00;
	[sflag:s31] =	ssyncadd.s32 $0xFFFFE000  }
0x20: {  	s20 =	simm.s32 $0x0;
	[tilespmem:$0x6090] =	vst v0  }
.LBB2_2:
0x21: {  	s19 =	sshll.u32 s20, $0xB  }
0x22: {  	v1 =	vld [tilespmem:s19+$0x80]  }
0x23: {  	v2 =	vld [tilespmem:s19+$0x2080]  }
0x24: {  	v3 =	vld [tilespmem:s19+$0x4080]  }
0x25: {  	v4 =	vld [tilespmem:s19+$0x90]  }
0x26: {  	v5 =	vld [tilespmem:s19+$0x2090]  }
0x27: {  	v6 =	vld [tilespmem:s19+$0x4090]  }
0x28: {  	v7 =	vld [tilespmem:s19+$0xA0]  }
0x29: {  	v8 =	vld [tilespmem:s19+$0x20A0]  }
0x2a: {  	v9 =	vld [tilespmem:s19+$0x40A0]  }
0x2b: {  	v10 =	vld [tilespmem:s19+$0xB0]  }
0x2c: {  	v11 =	vld [tilespmem:s19+$0x20B0]  }
0x2d: {  	v12 =	vld [tilespmem:s19+$0x40B0]  }
0x2e: {  	v13 =	vld [tilespmem:s19+$0xC0]  }
0x2f: {  	v14 =	vld [tilespmem:s19+$0x40C0];
	v1 =	vsub.f32 v1, v2  }
0x30: {  	v27 =	vld [tilespmem:s19+$0xD0]  }
0x31: {  	v28 =	vld [tilespmem:s19+$0x20D0];
	v1 =	vmul.f32 v3, v1;
	v3 =	vsub.f32 v4, v5  }
0x32: {  	v2 =	vld [tilespmem:s19+$0x20C0]  }
0x33: {  	v30 =	vld [tilespmem:s19+$0x40D0];
	v29 =	vsub.f32 v7, v8;
	v1 =	vadd.f32 $0.0e+00, v1;
	v3 =	vmul.f32 v6, v3  }
0x34: {  	v31 =	vld [tilespmem:s19+$0xE0]  }
0x35: {  	v33 =	vld [tilespmem:s19+$0x20E0];
	v32 =	vsub.f32 v10, v11;
	v1 =	vadd.f32 v3, v1;
	v3 =	vmul.f32 v9, v29  }
0x36: {  	v34 =	vld [tilespmem:s19+$0x40E0]  }
0x37: {  	v35 =	vld [tilespmem:s19+$0xF0];
	v2 =	vsub.f32 v13, v2;
	v1 =	vadd.f32 v3, v1;
	v3 =	vmul.f32 v12, v32  }
0x38: {  	v36 =	vld [tilespmem:s19+$0x20F0]  }
0x39: {  	v2 =	vmul.f32 v14, v2;
	v1 =	vadd.f32 v3, v1;
	v3 =	vsub.f32 v27, v28  }
0x3a: {  	v37 =	vld [tilespmem:s19+$0x40F0]  }
0x3b: {  	v1 =	vadd.f32 v2, v1;
	v2 =	vmul.f32 v30, v3;
	v3 =	vsub.f32 v31, v33;
	_ =	sdelay $0x1  }
0x3c: {  	v1 =	vadd.f32 v2, v1;
	v2 =	vmul.f32 v34, v3;
	v3 =	vsub.f32 v35, v36;
	_ =	sdelay $0x1  }
0x3d: {  	v1 =	vadd.f32 v2, v1;
	v2 =	vmul.f32 v37, v3;
	_ =	sdelay $0x1  }
0x3e: {  	v1 =	vadd.f32 v2, v1;
	_ =	sdelay $0x1  }
0x3f: {  	[tilespmem:$0x6080] =	vst v1  }
0x40: {  	v2 =	vld [tilespmem:$0x6088];
	_ =	sdelay $0x4  }
0x41: {  	v1 =	vadd.f32 v2, v1;
	_ =	sdelay $0x1  }
0x42: {  	[tilespmem:$0x6080] =	vst v1  }
0x43: {  	v2 =	vld [tilespmem:$0x6084];
	_ =	sdelay $0x4  }
0x44: {  	v1 =	vadd.f32 v2, v1;
	_ =	sdelay $0x1  }
0x45: {  	[tilespmem:$0x6080] =	vst v1  }
0x46: {  	v2 =	vld [tilespmem:$0x6082];
	_ =	sdelay $0x4  }
0x47: {  	v1 =	vadd.f32 v2, v1;
	_ =	sdelay $0x1  }
0x48: {  	[tilespmem:$0x6080] =	vst v1  }
0x49: {  	v2 =	vld [tilespmem:s19+$0x100]  }
0x4a: {  	v3 =	vld [tilespmem:s19+$0x2100]  }
0x4b: {  	v38 =	vld [tilespmem:s19+$0x4100]  }
0x4c: {  	v39 =	vld [tilespmem:s19+$0x110]  }
0x4d: {  	v40 =	vld [tilespmem:s19+$0x2110]  }
0x4e: {  	v41 =	vld [tilespmem:s19+$0x4110]  }
0x4f: {  	v42 =	vld [tilespmem:s19+$0x120]  }
0x50: {  	v43 =	vld [tilespmem:s19+$0x2120]  }
0x51: {  	v44 =	vld [tilespmem:s19+$0x4120]  }
0x52: {  	v45 =	vld [tilespmem:s19+$0x130]  }
0x53: {  	v46 =	vld [tilespmem:s19+$0x2130]  }
0x54: {  	v47 =	vld [tilespmem:s19+$0x4130]  }
0x55: {  	v48 =	vld [tilespmem:s19+$0x140]  }
0x56: {  	v15 =	vld [tilespmem:s19+$0x4140];
	v2 =	vsub.f32 v2, v3  }
0x57: {  	v50 =	vld [tilespmem:s19+$0x150]  }
0x58: {  	v51 =	vld [tilespmem:s19+$0x2150];
	v49 =	vsub.f32 v39, v40;
	v2 =	vmul.f32 v38, v2  }
0x59: {  	v3 =	vld [tilespmem:s19+$0x2140]  }
0x5a: {  	v53 =	vld [tilespmem:s19+$0x4150];
	v52 =	vsub.f32 v42, v43;
	v4 =	vmul.f32 v41, v49;
	v2 =	vadd.f32 $0.0e+00, v2  }
0x5b: {  	v54 =	vld [tilespmem:s19+$0x160]  }
0x5c: {  	v57 =	vld [tilespmem:s19+$0x2160];
	v56 =	vsub.f32 v45, v46;
	v55 =	vmul.f32 v44, v52;
	v2 =	vadd.f32 v4, v2  }
0x5d: {  	v58 =	vld [tilespmem:s19+$0x4160]  }
0x5e: {  	v60 =	vld [tilespmem:s19+$0x170];
	v59 =	vmul.f32 v47, v56;
	v3 =	vsub.f32 v48, v3;
	v2 =	vadd.f32 v55, v2  }
0x5f: {  	v61 =	vld [tilespmem:s19+$0x2170]  }
0x60: {  	v62 =	vsub.f32 v50, v51;
	v3 =	vmul.f32 v15, v3;
	v2 =	vadd.f32 v59, v2  }
0x61: {  	v63 =	vld [tilespmem:s19+$0x4170]  }
0x62: {  	v10 =	vsub.f32 v54, v57;
	v2 =	vadd.f32 v3, v2;
	v3 =	vmul.f32 v53, v62;
	_ =	sdelay $0x1  }
0x63: {  	v12 =	vsub.f32 v60, v61;
	v2 =	vadd.f32 v3, v2;
	v3 =	vmul.f32 v58, v10;
	_ =	sdelay $0x1  }
0x64: {  	v2 =	vadd.f32 v3, v2;
	v3 =	vmul.f32 v63, v12;
	_ =	sdelay $0x1  }
0x65: {  	v2 =	vadd.f32 v3, v2;
	_ =	sdelay $0x1  }
0x66: {  	v3 =	vld [tilespmem:$0x6081];
	[tilespmem:$0x6080] =	vst v2  }
0x67: {  	v13 =	vld [tilespmem:$0x6088];
	_ =	sdelay $0x4  }
0x68: {  	v2 =	vadd.f32 v13, v2;
	_ =	sdelay $0x1  }
0x69: {  	[tilespmem:$0x6080] =	vst v2  }
0x6a: {  	v14 =	vld [tilespmem:$0x6084];
	_ =	sdelay $0x4  }
0x6b: {  	v2 =	vadd.f32 v14, v2;
	_ =	sdelay $0x1  }
0x6c: {  	[tilespmem:$0x6080] =	vst v2  }
0x6d: {  	v15 =	vld [tilespmem:$0x6082];
	_ =	sdelay $0x4  }
0x6e: {  	v2 =	vadd.f32 v15, v2;
	_ =	sdelay $0x1  }
0x6f: {  	[tilespmem:$0x6080] =	vst v2  }
0x70: {  	v16 =	vld [tilespmem:$0x6081];
	_ =	sdelay $0x1  }
0x71: {  	(v2sf) =	vpush v1, $0x0  }
0x72: {  	(v2sf) =	vpush v3, $0x0  }
0x73: {  	(v2sf) =	vpush v2, $0x0  }
0x74: {  	(v2sf) =	vpush v16, $0x0;
	_ =	sdelay $0x4  }
0x75: {  	v1 =	vld [tilespmem:s19+$0x180]  }
0x76: {  	v2 =	vld [tilespmem:s19+$0x2180]  }
0x77: {  	v3 =	vld [tilespmem:s19+$0x4180]  }
0x78: {  	v17 =	vld [tilespmem:s19+$0x190]  }
0x79: {  	v18 =	vld [tilespmem:s19+$0x2190]  }
0x7a: {  	v19 =	vld [tilespmem:s19+$0x4190]  }
0x7b: {  	v20 =	vld [tilespmem:s19+$0x1A0]  }
0x7c: {  	s0 =	spop (v2sf);
	v21 =	vld [tilespmem:s19+$0x21A0]  }
0x7d: {  	[dreg:$0xa] =	wrdreg s0;
	s17 =	spop (v2sf);
	v22 =	vld [tilespmem:s19+$0x41A0]  }
0x7e: {  	[dreg:$0xb] =	wrdreg s17;
	v23 =	vld [tilespmem:s19+$0x1B0];
	s18 =	spop (v2sf)  }
0x7f: {  	v24 =	vld [tilespmem:s19+$0x21B0];
	[dreg:$0xc] =	wrdreg s18;
	s23 =	spop (v2sf)  }
0x80: {  	v25 =	vld [tilespmem:s19+$0x41B0]  }
0x81: {  	v26 =	vld [tilespmem:s19+$0x1C0]  }
0x82: {  	v1 =	vsub.f32 v1, v2;
	v2 =	vld [tilespmem:s19+$0x21C0]  }
0x83: {  	v27 =	vld [tilespmem:s19+$0x41C0]  }
0x84: {  	v1 =	vmul.f32 v3, v1;
	v3 =	vsub.f32 v17, v18;
	v28 =	vld [tilespmem:s19+$0x1D0]  }
0x85: {  	v29 =	vld [tilespmem:s19+$0x21D0]  }
0x86: {  	v30 =	vsub.f32 v20, v21;
	v1 =	vadd.f32 $0.0e+00, v1;
	v3 =	vmul.f32 v19, v3;
	v31 =	vld [tilespmem:s19+$0x41D0]  }
0x87: {  	v32 =	vld [tilespmem:s19+$0x1E0]  }
0x88: {  	v33 =	vsub.f32 v23, v24;
	v1 =	vadd.f32 v3, v1;
	v3 =	vmul.f32 v22, v30;
	v34 =	vld [tilespmem:s19+$0x21E0]  }
0x89: {  	v35 =	vld [tilespmem:s19+$0x41E0]  }
0x8a: {  	v1 =	vadd.f32 v3, v1;
	v36 =	vld [tilespmem:s19+$0x1F0];
	v3 =	vmul.f32 v25, v33;
	v2 =	vsub.f32 v26, v2  }
0x8b: {  	v37 =	vld [tilespmem:s19+$0x21F0]  }
0x8c: {  	v1 =	vadd.f32 v3, v1;
	v2 =	vmul.f32 v27, v2;
	v3 =	vsub.f32 v28, v29  }
0x8d: {  	v38 =	vld [tilespmem:s19+$0x41F0]  }
0x8e: {  	v1 =	vadd.f32 v2, v1;
	v2 =	vmul.f32 v31, v3;
	v3 =	vsub.f32 v32, v34;
	_ =	sdelay $0x1  }
0x8f: {  	v1 =	vadd.f32 v2, v1;
	v2 =	vmul.f32 v35, v3;
	v3 =	vsub.f32 v36, v37;
	_ =	sdelay $0x1  }
0x90: {  	v1 =	vadd.f32 v2, v1;
	v2 =	vmul.f32 v38, v3;
	_ =	sdelay $0x1  }
0x91: {  	v1 =	vadd.f32 v2, v1;
	_ =	sdelay $0x1  }
0x92: {  	[tilespmem:$0x6080] =	vst v1  }
0x93: {  	v2 =	vld [tilespmem:$0x6088];
	_ =	sdelay $0x4  }
0x94: {  	v1 =	vadd.f32 v2, v1;
	_ =	sdelay $0x1  }
0x95: {  	[tilespmem:$0x6080] =	vst v1  }
0x96: {  	v2 =	vld [tilespmem:$0x6084];
	_ =	sdelay $0x4  }
0x97: {  	v1 =	vadd.f32 v2, v1;
	_ =	sdelay $0x1  }
0x98: {  	[tilespmem:$0x6080] =	vst v1  }
0x99: {  	v2 =	vld [tilespmem:$0x6082];
	_ =	sdelay $0x4  }
0x9a: {  	v1 =	vadd.f32 v2, v1;
	_ =	sdelay $0x1  }
0x9b: {  	[tilespmem:$0x6080] =	vst v1  }
0x9c: {  	v2 =	vld [tilespmem:s19+$0x200]  }
0x9d: {  	v3 =	vld [tilespmem:s19+$0x2200]  }
0x9e: {  	v39 =	vld [tilespmem:s19+$0x4200]  }
0x9f: {  	v40 =	vld [tilespmem:s19+$0x210]  }
0xa0: {  	v41 =	vld [tilespmem:s19+$0x2210]  }
0xa1: {  	v42 =	vld [tilespmem:s19+$0x4210]  }
0xa2: {  	v43 =	vld [tilespmem:s19+$0x220]  }
0xa3: {  	v44 =	vld [tilespmem:s19+$0x2220]  }
0xa4: {  	v45 =	vld [tilespmem:s19+$0x4220]  }
0xa5: {  	v46 =	vld [tilespmem:s19+$0x230]  }
0xa6: {  	v47 =	vld [tilespmem:s19+$0x2230]  }
0xa7: {  	v48 =	vld [tilespmem:s19+$0x4230]  }
0xa8: {  	v49 =	vld [tilespmem:s19+$0x240]  }
0xa9: {  	v50 =	vld [tilespmem:s19+$0x4240];
	v2 =	vsub.f32 v2, v3  }
0xaa: {  	v52 =	vld [tilespmem:s19+$0x250]  }
0xab: {  	v53 =	vld [tilespmem:s19+$0x2250];
	v51 =	vsub.f32 v40, v41;
	v2 =	vmul.f32 v39, v2  }
0xac: {  	v3 =	vld [tilespmem:s19+$0x2240]  }
0xad: {  	v55 =	vld [tilespmem:s19+$0x4250];
	v54 =	vsub.f32 v43, v44;
	v4 =	vmul.f32 v42, v51;
	v2 =	vadd.f32 $0.0e+00, v2  }
0xae: {  	v56 =	vld [tilespmem:s19+$0x260]  }
0xaf: {  	v59 =	vld [tilespmem:s19+$0x2260];
	v58 =	vsub.f32 v46, v47;
	v57 =	vmul.f32 v45, v54;
	v2 =	vadd.f32 v4, v2  }
0xb0: {  	v60 =	vld [tilespmem:s19+$0x4260]  }
0xb1: {  	v62 =	vld [tilespmem:s19+$0x270];
	v61 =	vmul.f32 v48, v58;
	v3 =	vsub.f32 v49, v3;
	v2 =	vadd.f32 v57, v2  }
0xb2: {  	v63 =	vld [tilespmem:s19+$0x2270]  }
0xb3: {  	v14 =	vsub.f32 v52, v53;
	v3 =	vmul.f32 v50, v3;
	v2 =	vadd.f32 v61, v2  }
0xb4: {  	v15 =	vld [tilespmem:s19+$0x4270]  }
0xb5: {  	v16 =	vsub.f32 v56, v59;
	v2 =	vadd.f32 v3, v2;
	v3 =	vmul.f32 v55, v14;
	_ =	sdelay $0x1  }
0xb6: {  	v17 =	vsub.f32 v62, v63;
	v2 =	vadd.f32 v3, v2;
	v3 =	vmul.f32 v60, v16;
	_ =	sdelay $0x1  }
0xb7: {  	v2 =	vadd.f32 v3, v2;
	v3 =	vmul.f32 v15, v17;
	_ =	sdelay $0x1  }
0xb8: {  	v3 =	vadd.f32 v3, v2;
	_ =	sdelay $0x1  }
0xb9: {  	v2 =	vld [tilespmem:$0x6081];
	[tilespmem:$0x6080] =	vst v3  }
0xba: {  	v18 =	vld [tilespmem:$0x6088];
	_ =	sdelay $0x4  }
0xbb: {  	v3 =	vadd.f32 v18, v3;
	_ =	sdelay $0x1  }
0xbc: {  	[tilespmem:$0x6080] =	vst v3  }
0xbd: {  	v19 =	vld [tilespmem:$0x6084];
	_ =	sdelay $0x4  }
0xbe: {  	v3 =	vadd.f32 v19, v3;
	_ =	sdelay $0x1  }
0xbf: {  	[tilespmem:$0x6080] =	vst v3  }
0xc0: {  	v20 =	vld [tilespmem:$0x6082];
	_ =	sdelay $0x4  }
0xc1: {  	v3 =	vadd.f32 v20, v3;
	_ =	sdelay $0x1  }
0xc2: {  	[tilespmem:$0x6080] =	vst v3  }
0xc3: {  	v21 =	vld [tilespmem:s19+$0x280]  }
0xc4: {  	v22 =	vld [tilespmem:s19+$0x2280]  }
0xc5: {  	v23 =	vld [tilespmem:s19+$0x4280]  }
0xc6: {  	v24 =	vld [tilespmem:s19+$0x290]  }
0xc7: {  	v25 =	vld [tilespmem:s19+$0x2290]  }
0xc8: {  	v26 =	vld [tilespmem:s19+$0x4290]  }
0xc9: {  	v27 =	vld [tilespmem:s19+$0x2A0]  }
0xca: {  	v28 =	vld [tilespmem:s19+$0x22A0]  }
0xcb: {  	v29 =	vld [tilespmem:s19+$0x42A0]  }
0xcc: {  	v30 =	vld [tilespmem:s19+$0x2B0]  }
0xcd: {  	v31 =	vld [tilespmem:s19+$0x22B0]  }
0xce: {  	v32 =	vld [tilespmem:s19+$0x42B0]  }
0xcf: {  	v16 =	vld [tilespmem:s19+$0x2C0]  }
0xd0: {  	v33 =	vld [tilespmem:s19+$0x22C0];
	v4 =	vsub.f32 v21, v22  }
0xd1: {  	v17 =	vld [tilespmem:s19+$0x42C0]  }
0xd2: {  	v35 =	vld [tilespmem:s19+$0x2D0];
	v34 =	vsub.f32 v24, v25;
	v4 =	vmul.f32 v23, v4  }
0xd3: {  	v36 =	vld [tilespmem:s19+$0x22D0]  }
0xd4: {  	v38 =	vld [tilespmem:s19+$0x42D0];
	v37 =	vsub.f32 v27, v28;
	v6 =	vmul.f32 v26, v34;
	v4 =	vadd.f32 $0.0e+00, v4  }
0xd5: {  	v39 =	vld [tilespmem:s19+$0x2E0]  }
0xd6: {  	v42 =	vld [tilespmem:s19+$0x22E0];
	v41 =	vsub.f32 v30, v31;
	v40 =	vmul.f32 v29, v37;
	v4 =	vadd.f32 v6, v4  }
0xd7: {  	v43 =	vld [tilespmem:s19+$0x42E0]  }
0xd8: {  	v45 =	vld [tilespmem:s19+$0x2F0];
	v5 =	vsub.f32 v16, v33;
	v44 =	vmul.f32 v32, v41;
	v4 =	vadd.f32 v40, v4  }
0xd9: {  	v46 =	vld [tilespmem:s19+$0x22F0]  }
0xda: {  	v47 =	vsub.f32 v35, v36;
	v5 =	vmul.f32 v17, v5;
	v4 =	vadd.f32 v44, v4  }
0xdb: {  	v48 =	vld [tilespmem:s19+$0x42F0]  }
0xdc: {  	v50 =	vsub.f32 v39, v42;
	v49 =	vmul.f32 v38, v47;
	v4 =	vadd.f32 v5, v4;
	_ =	sdelay $0x1  }
0xdd: {  	v52 =	vsub.f32 v45, v46;
	v51 =	vmul.f32 v43, v50;
	v4 =	vadd.f32 v49, v4;
	_ =	sdelay $0x1  }
0xde: {  	v53 =	vmul.f32 v48, v52;
	v4 =	vadd.f32 v51, v4;
	_ =	sdelay $0x1  }
0xdf: {  	v5 =	vadd.f32 v53, v4;
	_ =	sdelay $0x1  }
0xe0: {  	v4 =	vld [tilespmem:$0x6081];
	[tilespmem:$0x6080] =	vst v5  }
0xe1: {  	v54 =	vld [tilespmem:$0x6088];
	_ =	sdelay $0x4  }
0xe2: {  	v5 =	vadd.f32 v54, v5;
	_ =	sdelay $0x1  }
0xe3: {  	[tilespmem:$0x6080] =	vst v5  }
0xe4: {  	v55 =	vld [tilespmem:$0x6084];
	_ =	sdelay $0x4  }
0xe5: {  	v5 =	vadd.f32 v55, v5;
	_ =	sdelay $0x1  }
0xe6: {  	[tilespmem:$0x6080] =	vst v5  }
0xe7: {  	v56 =	vld [tilespmem:$0x6082];
	_ =	sdelay $0x4  }
0xe8: {  	v5 =	vadd.f32 v56, v5;
	_ =	sdelay $0x1  }
0xe9: {  	[tilespmem:$0x6080] =	vst v5  }
0xea: {  	v57 =	vld [tilespmem:s19+$0x300]  }
0xeb: {  	v58 =	vld [tilespmem:s19+$0x2300]  }
0xec: {  	v59 =	vld [tilespmem:s19+$0x4300]  }
0xed: {  	v60 =	vld [tilespmem:s19+$0x310]  }
0xee: {  	v61 =	vld [tilespmem:s19+$0x2310]  }
0xef: {  	v62 =	vld [tilespmem:s19+$0x4310]  }
0xf0: {  	v63 =	vld [tilespmem:s19+$0x320]  }
0xf1: {  	v21 =	vld [tilespmem:s19+$0x2320]  }
0xf2: {  	v22 =	vld [tilespmem:s19+$0x4320]  }
0xf3: {  	v23 =	vld [tilespmem:s19+$0x330]  }
0xf4: {  	v24 =	vld [tilespmem:s19+$0x2330]  }
0xf5: {  	v25 =	vld [tilespmem:s19+$0x4330]  }
0xf6: {  	v18 =	vld [tilespmem:s19+$0x340]  }
0xf7: {  	v26 =	vld [tilespmem:s19+$0x2340];
	v6 =	vsub.f32 v57, v58  }
0xf8: {  	v19 =	vld [tilespmem:s19+$0x4340]  }
0xf9: {  	v28 =	vld [tilespmem:s19+$0x350];
	v27 =	vsub.f32 v60, v61;
	v6 =	vmul.f32 v59, v6  }
0xfa: {  	v29 =	vld [tilespmem:s19+$0x2350]  }
0xfb: {  	v31 =	vld [tilespmem:s19+$0x4350];
	v30 =	vsub.f32 v63, v21;
	v8 =	vmul.f32 v62, v27;
	v6 =	vadd.f32 $0.0e+00, v6  }
0xfc: {  	v32 =	vld [tilespmem:s19+$0x360]  }
0xfd: {  	v35 =	vld [tilespmem:s19+$0x2360];
	v34 =	vsub.f32 v23, v24;
	v33 =	vmul.f32 v22, v30;
	v6 =	vadd.f32 v8, v6  }
0xfe: {  	v36 =	vld [tilespmem:s19+$0x4360]  }
0xff: {  	v38 =	vld [tilespmem:s19+$0x370];
	v7 =	vsub.f32 v18, v26;
	v37 =	vmul.f32 v25, v34;
	v6 =	vadd.f32 v33, v6  }
0x100: {  	v39 =	vld [tilespmem:s19+$0x2370]  }
0x101: {  	v40 =	vsub.f32 v28, v29;
	v7 =	vmul.f32 v19, v7;
	v6 =	vadd.f32 v37, v6  }
0x102: {  	v41 =	vld [tilespmem:s19+$0x4370]  }
0x103: {  	v43 =	vsub.f32 v32, v35;
	v42 =	vmul.f32 v31, v40;
	v6 =	vadd.f32 v7, v6;
	_ =	sdelay $0x1  }
0x104: {  	v45 =	vsub.f32 v38, v39;
	v44 =	vmul.f32 v36, v43;
	v6 =	vadd.f32 v42, v6;
	_ =	sdelay $0x1  }
0x105: {  	v46 =	vmul.f32 v41, v45;
	v6 =	vadd.f32 v44, v6;
	_ =	sdelay $0x1  }
0x106: {  	v7 =	vadd.f32 v46, v6;
	_ =	sdelay $0x1  }
0x107: {  	v6 =	vld [tilespmem:$0x6081];
	[tilespmem:$0x6080] =	vst v7  }
0x108: {  	v47 =	vld [tilespmem:$0x6088];
	_ =	sdelay $0x4  }
0x109: {  	v7 =	vadd.f32 v47, v7;
	_ =	sdelay $0x1  }
0x10a: {  	[tilespmem:$0x6080] =	vst v7  }
0x10b: {  	v48 =	vld [tilespmem:$0x6084];
	_ =	sdelay $0x4  }
0x10c: {  	v7 =	vadd.f32 v48, v7;
	_ =	sdelay $0x1  }
0x10d: {  	[tilespmem:$0x6080] =	vst v7  }
0x10e: {  	v49 =	vld [tilespmem:$0x6082];
	_ =	sdelay $0x4  }
0x10f: {  	v7 =	vadd.f32 v49, v7;
	_ =	sdelay $0x1  }
0x110: {  	[tilespmem:$0x6080] =	vst v7  }
0x111: {  	v50 =	vld [tilespmem:s19+$0x380]  }
0x112: {  	v51 =	vld [tilespmem:s19+$0x2380]  }
0x113: {  	v52 =	vld [tilespmem:s19+$0x4380]  }
0x114: {  	v53 =	vld [tilespmem:s19+$0x390]  }
0x115: {  	v54 =	vld [tilespmem:s19+$0x2390]  }
0x116: {  	v55 =	vld [tilespmem:s19+$0x4390]  }
0x117: {  	v56 =	vld [tilespmem:s19+$0x3A0]  }
0x118: {  	v57 =	vld [tilespmem:s19+$0x23A0]  }
0x119: {  	v58 =	vld [tilespmem:s19+$0x43A0]  }
0x11a: {  	v59 =	vld [tilespmem:s19+$0x3B0]  }
0x11b: {  	v60 =	vld [tilespmem:s19+$0x23B0]  }
0x11c: {  	v61 =	vld [tilespmem:s19+$0x43B0]  }
0x11d: {  	v20 =	vld [tilespmem:s19+$0x3C0]  }
0x11e: {  	v62 =	vld [tilespmem:s19+$0x23C0];
	v8 =	vsub.f32 v50, v51  }
0x11f: {  	v21 =	vld [tilespmem:s19+$0x43C0]  }
0x120: {  	v22 =	vld [tilespmem:s19+$0x3D0];
	v63 =	vsub.f32 v53, v54;
	v8 =	vmul.f32 v52, v8  }
0x121: {  	v23 =	vld [tilespmem:s19+$0x23D0]  }
0x122: {  	v25 =	vld [tilespmem:s19+$0x43D0];
	v24 =	vsub.f32 v56, v57;
	v10 =	vmul.f32 v55, v63;
	v8 =	vadd.f32 $0.0e+00, v8  }
0x123: {  	v26 =	vld [tilespmem:s19+$0x3E0]  }
0x124: {  	v29 =	vld [tilespmem:s19+$0x23E0];
	v28 =	vsub.f32 v59, v60;
	v27 =	vmul.f32 v58, v24;
	v8 =	vadd.f32 v10, v8  }
0x125: {  	v30 =	vld [tilespmem:s19+$0x43E0]  }
0x126: {  	v32 =	vld [tilespmem:s19+$0x3F0];
	v9 =	vsub.f32 v20, v62;
	v31 =	vmul.f32 v61, v28;
	v8 =	vadd.f32 v27, v8  }
0x127: {  	v33 =	vld [tilespmem:s19+$0x23F0]  }
0x128: {  	v34 =	vsub.f32 v22, v23;
	v9 =	vmul.f32 v21, v9;
	v8 =	vadd.f32 v31, v8  }
0x129: {  	v35 =	vld [tilespmem:s19+$0x43F0]  }
0x12a: {  	v37 =	vsub.f32 v26, v29;
	v36 =	vmul.f32 v25, v34;
	v8 =	vadd.f32 v9, v8;
	_ =	sdelay $0x1  }
0x12b: {  	v39 =	vsub.f32 v32, v33;
	v38 =	vmul.f32 v30, v37;
	v8 =	vadd.f32 v36, v8;
	_ =	sdelay $0x1  }
0x12c: {  	v40 =	vmul.f32 v35, v39;
	v8 =	vadd.f32 v38, v8;
	_ =	sdelay $0x1  }
0x12d: {  	v9 =	vadd.f32 v40, v8;
	_ =	sdelay $0x1  }
0x12e: {  	v8 =	vld [tilespmem:$0x6081];
	[tilespmem:$0x6080] =	vst v9  }
0x12f: {  	v41 =	vld [tilespmem:$0x6088];
	_ =	sdelay $0x4  }
0x130: {  	v9 =	vadd.f32 v41, v9;
	_ =	sdelay $0x1  }
0x131: {  	[tilespmem:$0x6080] =	vst v9  }
0x132: {  	v42 =	vld [tilespmem:$0x6084];
	_ =	sdelay $0x4  }
0x133: {  	v9 =	vadd.f32 v42, v9;
	_ =	sdelay $0x1  }
0x134: {  	[tilespmem:$0x6080] =	vst v9  }
0x135: {  	v43 =	vld [tilespmem:$0x6082];
	_ =	sdelay $0x4  }
0x136: {  	v9 =	vadd.f32 v43, v9;
	_ =	sdelay $0x1  }
0x137: {  	[tilespmem:$0x6080] =	vst v9  }
0x138: {  	v44 =	vld [tilespmem:s19+$0x400]  }
0x139: {  	v45 =	vld [tilespmem:s19+$0x2400]  }
0x13a: {  	v46 =	vld [tilespmem:s19+$0x4400]  }
0x13b: {  	v47 =	vld [tilespmem:s19+$0x410]  }
0x13c: {  	v48 =	vld [tilespmem:s19+$0x2410]  }
0x13d: {  	v49 =	vld [tilespmem:s19+$0x4410]  }
0x13e: {  	v50 =	vld [tilespmem:s19+$0x420]  }
0x13f: {  	v51 =	vld [tilespmem:s19+$0x2420]  }
0x140: {  	v52 =	vld [tilespmem:s19+$0x4420]  }
0x141: {  	v53 =	vld [tilespmem:s19+$0x430]  }
0x142: {  	v54 =	vld [tilespmem:s19+$0x2430]  }
0x143: {  	v55 =	vld [tilespmem:s19+$0x4430]  }
0x144: {  	v22 =	vld [tilespmem:s19+$0x440]  }
0x145: {  	v56 =	vld [tilespmem:s19+$0x2440];
	v10 =	vsub.f32 v44, v45  }
0x146: {  	v23 =	vld [tilespmem:s19+$0x4440]  }
0x147: {  	v58 =	vld [tilespmem:s19+$0x450];
	v57 =	vsub.f32 v47, v48;
	v10 =	vmul.f32 v46, v10  }
0x148: {  	v59 =	vld [tilespmem:s19+$0x2450]  }
0x149: {  	v61 =	vld [tilespmem:s19+$0x4450];
	v60 =	vsub.f32 v50, v51;
	v12 =	vmul.f32 v49, v57;
	v10 =	vadd.f32 $0.0e+00, v10  }
0x14a: {  	v62 =	vld [tilespmem:s19+$0x460]  }
0x14b: {  	v25 =	vld [tilespmem:s19+$0x2460];
	v24 =	vsub.f32 v53, v54;
	v63 =	vmul.f32 v52, v60;
	v10 =	vadd.f32 v12, v10  }
0x14c: {  	v26 =	vld [tilespmem:s19+$0x4460]  }
0x14d: {  	v28 =	vld [tilespmem:s19+$0x470];
	v11 =	vsub.f32 v22, v56;
	v27 =	vmul.f32 v55, v24;
	v10 =	vadd.f32 v63, v10  }
0x14e: {  	v29 =	vld [tilespmem:s19+$0x2470]  }
0x14f: {  	v30 =	vsub.f32 v58, v59;
	v11 =	vmul.f32 v23, v11;
	v10 =	vadd.f32 v27, v10  }
0x150: {  	v31 =	vld [tilespmem:s19+$0x4470]  }
0x151: {  	v33 =	vsub.f32 v62, v25;
	v32 =	vmul.f32 v61, v30;
	v10 =	vadd.f32 v11, v10;
	_ =	sdelay $0x1  }
0x152: {  	v35 =	vsub.f32 v28, v29;
	v34 =	vmul.f32 v26, v33;
	v10 =	vadd.f32 v32, v10;
	_ =	sdelay $0x1  }
0x153: {  	v36 =	vmul.f32 v31, v35;
	v10 =	vadd.f32 v34, v10;
	_ =	sdelay $0x1  }
0x154: {  	v11 =	vadd.f32 v36, v10;
	_ =	sdelay $0x1  }
0x155: {  	v10 =	vld [tilespmem:$0x6081];
	[tilespmem:$0x6080] =	vst v11  }
0x156: {  	v37 =	vld [tilespmem:$0x6088];
	_ =	sdelay $0x4  }
0x157: {  	v11 =	vadd.f32 v37, v11;
	_ =	sdelay $0x1  }
0x158: {  	[tilespmem:$0x6080] =	vst v11  }
0x159: {  	v38 =	vld [tilespmem:$0x6084];
	_ =	sdelay $0x4  }
0x15a: {  	v11 =	vadd.f32 v38, v11;
	_ =	sdelay $0x1  }
0x15b: {  	[tilespmem:$0x6080] =	vst v11  }
0x15c: {  	v39 =	vld [tilespmem:$0x6082];
	_ =	sdelay $0x4  }
0x15d: {  	v11 =	vadd.f32 v39, v11;
	_ =	sdelay $0x1  }
0x15e: {  	[tilespmem:$0x6080] =	vst v11  }
0x15f: {  	v40 =	vld [tilespmem:s19+$0x480]  }
0x160: {  	v41 =	vld [tilespmem:s19+$0x2480]  }
0x161: {  	v42 =	vld [tilespmem:s19+$0x4480]  }
0x162: {  	v43 =	vld [tilespmem:s19+$0x490]  }
0x163: {  	v44 =	vld [tilespmem:s19+$0x2490]  }
0x164: {  	v45 =	vld [tilespmem:s19+$0x4490]  }
0x165: {  	v46 =	vld [tilespmem:s19+$0x4A0]  }
0x166: {  	v47 =	vld [tilespmem:s19+$0x24A0]  }
0x167: {  	v48 =	vld [tilespmem:s19+$0x44A0]  }
0x168: {  	v49 =	vld [tilespmem:s19+$0x4B0]  }
0x169: {  	v50 =	vld [tilespmem:s19+$0x24B0]  }
0x16a: {  	v51 =	vld [tilespmem:s19+$0x44B0]  }
0x16b: {  	v24 =	vld [tilespmem:s19+$0x4C0]  }
0x16c: {  	v52 =	vld [tilespmem:s19+$0x24C0];
	v12 =	vsub.f32 v40, v41  }
0x16d: {  	v25 =	vld [tilespmem:s19+$0x44C0]  }
0x16e: {  	v54 =	vld [tilespmem:s19+$0x4D0];
	v53 =	vsub.f32 v43, v44;
	v12 =	vmul.f32 v42, v12  }
0x16f: {  	v55 =	vld [tilespmem:s19+$0x24D0]  }
0x170: {  	v57 =	vld [tilespmem:s19+$0x44D0];
	v56 =	vsub.f32 v46, v47;
	v14 =	vmul.f32 v45, v53;
	v12 =	vadd.f32 $0.0e+00, v12  }
0x171: {  	v58 =	vld [tilespmem:s19+$0x4E0]  }
0x172: {  	v61 =	vld [tilespmem:s19+$0x24E0];
	v60 =	vsub.f32 v49, v50;
	v59 =	vmul.f32 v48, v56;
	v12 =	vadd.f32 v14, v12  }
0x173: {  	v62 =	vld [tilespmem:s19+$0x44E0]  }
0x174: {  	v26 =	vld [tilespmem:s19+$0x4F0];
	v13 =	vsub.f32 v24, v52;
	v63 =	vmul.f32 v51, v60;
	v12 =	vadd.f32 v59, v12  }
0x175: {  	v27 =	vld [tilespmem:s19+$0x24F0]  }
0x176: {  	v28 =	vsub.f32 v54, v55;
	v13 =	vmul.f32 v25, v13;
	v12 =	vadd.f32 v63, v12  }
0x177: {  	v29 =	vld [tilespmem:s19+$0x44F0]  }
0x178: {  	v31 =	vsub.f32 v58, v61;
	v30 =	vmul.f32 v57, v28;
	v12 =	vadd.f32 v13, v12;
	_ =	sdelay $0x1  }
0x179: {  	v33 =	vsub.f32 v26, v27;
	v32 =	vmul.f32 v62, v31;
	v12 =	vadd.f32 v30, v12;
	_ =	sdelay $0x1  }
0x17a: {  	v34 =	vmul.f32 v29, v33;
	v12 =	vadd.f32 v32, v12;
	_ =	sdelay $0x1  }
0x17b: {  	v13 =	vadd.f32 v34, v12;
	_ =	sdelay $0x1  }
0x17c: {  	v12 =	vld [tilespmem:$0x6081];
	[tilespmem:$0x6080] =	vst v13  }
0x17d: {  	v35 =	vld [tilespmem:$0x6088];
	_ =	sdelay $0x4  }
0x17e: {  	v13 =	vadd.f32 v35, v13;
	_ =	sdelay $0x1  }
0x17f: {  	[tilespmem:$0x6080] =	vst v13  }
0x180: {  	v36 =	vld [tilespmem:$0x6084];
	_ =	sdelay $0x4  }
0x181: {  	v13 =	vadd.f32 v36, v13;
	_ =	sdelay $0x1  }
0x182: {  	[tilespmem:$0x6080] =	vst v13  }
0x183: {  	v37 =	vld [tilespmem:$0x6082];
	_ =	sdelay $0x4  }
0x184: {  	v13 =	vadd.f32 v37, v13;
	_ =	sdelay $0x1  }
0x185: {  	[tilespmem:$0x6080] =	vst v13  }
0x186: {  	v38 =	vld [tilespmem:s19+$0x500]  }
0x187: {  	v39 =	vld [tilespmem:s19+$0x2500]  }
0x188: {  	v40 =	vld [tilespmem:s19+$0x4500]  }
0x189: {  	v41 =	vld [tilespmem:s19+$0x510]  }
0x18a: {  	v42 =	vld [tilespmem:s19+$0x2510]  }
0x18b: {  	v43 =	vld [tilespmem:s19+$0x4510]  }
0x18c: {  	v44 =	vld [tilespmem:s19+$0x520]  }
0x18d: {  	v45 =	vld [tilespmem:s19+$0x2520]  }
0x18e: {  	v46 =	vld [tilespmem:s19+$0x4520]  }
0x18f: {  	v47 =	vld [tilespmem:s19+$0x530]  }
0x190: {  	v48 =	vld [tilespmem:s19+$0x2530]  }
0x191: {  	v49 =	vld [tilespmem:s19+$0x4530]  }
0x192: {  	v26 =	vld [tilespmem:s19+$0x540]  }
0x193: {  	v50 =	vld [tilespmem:s19+$0x2540];
	v14 =	vsub.f32 v38, v39  }
0x194: {  	v27 =	vld [tilespmem:s19+$0x4540]  }
0x195: {  	v52 =	vld [tilespmem:s19+$0x550];
	v51 =	vsub.f32 v41, v42;
	v14 =	vmul.f32 v40, v14  }
0x196: {  	v53 =	vld [tilespmem:s19+$0x2550]  }
0x197: {  	v55 =	vld [tilespmem:s19+$0x4550];
	v54 =	vsub.f32 v44, v45;
	v16 =	vmul.f32 v43, v51;
	v14 =	vadd.f32 $0.0e+00, v14  }
0x198: {  	v56 =	vld [tilespmem:s19+$0x560]  }
0x199: {  	v59 =	vld [tilespmem:s19+$0x2560];
	v58 =	vsub.f32 v47, v48;
	v57 =	vmul.f32 v46, v54;
	v14 =	vadd.f32 v16, v14  }
0x19a: {  	v60 =	vld [tilespmem:s19+$0x4560]  }
0x19b: {  	v62 =	vld [tilespmem:s19+$0x570];
	v15 =	vsub.f32 v26, v50;
	v61 =	vmul.f32 v49, v58;
	v14 =	vadd.f32 v57, v14  }
0x19c: {  	v63 =	vld [tilespmem:s19+$0x2570]  }
0x19d: {  	v15 =	vmul.f32 v27, v15;
	v27 =	vsub.f32 v52, v53;
	v14 =	vadd.f32 v61, v14  }
0x19e: {  	v28 =	vld [tilespmem:s19+$0x4570]  }
0x19f: {  	v30 =	vsub.f32 v56, v59;
	v29 =	vmul.f32 v55, v27;
	v14 =	vadd.f32 v15, v14;
	_ =	sdelay $0x1  }
0x1a0: {  	v32 =	vsub.f32 v62, v63;
	v31 =	vmul.f32 v60, v30;
	v14 =	vadd.f32 v29, v14;
	_ =	sdelay $0x1  }
0x1a1: {  	v33 =	vmul.f32 v28, v32;
	v14 =	vadd.f32 v31, v14;
	_ =	sdelay $0x1  }
0x1a2: {  	v15 =	vadd.f32 v33, v14;
	_ =	sdelay $0x1  }
0x1a3: {  	v14 =	vld [tilespmem:$0x6081];
	[tilespmem:$0x6080] =	vst v15  }
0x1a4: {  	v34 =	vld [tilespmem:$0x6088];
	_ =	sdelay $0x4  }
0x1a5: {  	v15 =	vadd.f32 v34, v15;
	_ =	sdelay $0x1  }
0x1a6: {  	[tilespmem:$0x6080] =	vst v15  }
0x1a7: {  	v35 =	vld [tilespmem:$0x6084];
	_ =	sdelay $0x4  }
0x1a8: {  	v15 =	vadd.f32 v35, v15;
	_ =	sdelay $0x1  }
0x1a9: {  	[tilespmem:$0x6080] =	vst v15  }
0x1aa: {  	v36 =	vld [tilespmem:$0x6082];
	_ =	sdelay $0x4  }
0x1ab: {  	v15 =	vadd.f32 v36, v15;
	_ =	sdelay $0x1  }
0x1ac: {  	[tilespmem:$0x6080] =	vst v15  }
0x1ad: {  	v37 =	vld [tilespmem:s19+$0x580]  }
0x1ae: {  	v38 =	vld [tilespmem:s19+$0x2580]  }
0x1af: {  	v39 =	vld [tilespmem:s19+$0x4580]  }
0x1b0: {  	v40 =	vld [tilespmem:s19+$0x590]  }
0x1b1: {  	v41 =	vld [tilespmem:s19+$0x2590]  }
0x1b2: {  	v42 =	vld [tilespmem:s19+$0x4590]  }
0x1b3: {  	v43 =	vld [tilespmem:s19+$0x5A0]  }
0x1b4: {  	v44 =	vld [tilespmem:s19+$0x25A0]  }
0x1b5: {  	v45 =	vld [tilespmem:s19+$0x45A0]  }
0x1b6: {  	v46 =	vld [tilespmem:s19+$0x5B0]  }
0x1b7: {  	v47 =	vld [tilespmem:s19+$0x25B0]  }
0x1b8: {  	v48 =	vld [tilespmem:s19+$0x45B0]  }
0x1b9: {  	v28 =	vld [tilespmem:s19+$0x5C0]  }
0x1ba: {  	v49 =	vld [tilespmem:s19+$0x25C0];
	v16 =	vsub.f32 v37, v38  }
0x1bb: {  	v29 =	vld [tilespmem:s19+$0x45C0]  }
0x1bc: {  	v51 =	vld [tilespmem:s19+$0x5D0];
	v50 =	vsub.f32 v40, v41;
	v16 =	vmul.f32 v39, v16  }
0x1bd: {  	v52 =	vld [tilespmem:s19+$0x25D0]  }
0x1be: {  	v54 =	vld [tilespmem:s19+$0x45D0];
	v53 =	vsub.f32 v43, v44;
	v18 =	vmul.f32 v42, v50;
	v16 =	vadd.f32 $0.0e+00, v16  }
0x1bf: {  	v55 =	vld [tilespmem:s19+$0x5E0]  }
0x1c0: {  	v58 =	vld [tilespmem:s19+$0x25E0];
	v57 =	vsub.f32 v46, v47;
	v56 =	vmul.f32 v45, v53;
	v16 =	vadd.f32 v18, v16  }
0x1c1: {  	v59 =	vld [tilespmem:s19+$0x45E0]  }
0x1c2: {  	v61 =	vld [tilespmem:s19+$0x5F0];
	v17 =	vsub.f32 v28, v49;
	v60 =	vmul.f32 v48, v57;
	v16 =	vadd.f32 v56, v16  }
0x1c3: {  	v62 =	vld [tilespmem:s19+$0x25F0]  }
0x1c4: {  	v63 =	vsub.f32 v51, v52;
	v17 =	vmul.f32 v29, v17;
	v16 =	vadd.f32 v60, v16  }
0x1c5: {  	v27 =	vld [tilespmem:s19+$0x45F0]  }
0x1c6: {  	v28 =	vmul.f32 v54, v63;
	v29 =	vsub.f32 v55, v58;
	v16 =	vadd.f32 v17, v16;
	_ =	sdelay $0x1  }
0x1c7: {  	v31 =	vsub.f32 v61, v62;
	v30 =	vmul.f32 v59, v29;
	v16 =	vadd.f32 v28, v16;
	_ =	sdelay $0x1  }
0x1c8: {  	v32 =	vmul.f32 v27, v31;
	v16 =	vadd.f32 v30, v16;
	_ =	sdelay $0x1  }
0x1c9: {  	v17 =	vadd.f32 v32, v16;
	_ =	sdelay $0x1  }
0x1ca: {  	v16 =	vld [tilespmem:$0x6081];
	[tilespmem:$0x6080] =	vst v17  }
0x1cb: {  	v33 =	vld [tilespmem:$0x6088];
	_ =	sdelay $0x4  }
0x1cc: {  	v17 =	vadd.f32 v33, v17;
	_ =	sdelay $0x1  }
0x1cd: {  	[tilespmem:$0x6080] =	vst v17  }
0x1ce: {  	v34 =	vld [tilespmem:$0x6084];
	_ =	sdelay $0x4  }
0x1cf: {  	v17 =	vadd.f32 v34, v17;
	_ =	sdelay $0x1  }
0x1d0: {  	[tilespmem:$0x6080] =	vst v17  }
0x1d1: {  	v35 =	vld [tilespmem:$0x6082];
	_ =	sdelay $0x4  }
0x1d2: {  	v17 =	vadd.f32 v35, v17;
	_ =	sdelay $0x1  }
0x1d3: {  	[tilespmem:$0x6080] =	vst v17  }
0x1d4: {  	v36 =	vld [tilespmem:s19+$0x600]  }
0x1d5: {  	v37 =	vld [tilespmem:s19+$0x2600]  }
0x1d6: {  	v38 =	vld [tilespmem:s19+$0x4600]  }
0x1d7: {  	v39 =	vld [tilespmem:s19+$0x610]  }
0x1d8: {  	v40 =	vld [tilespmem:s19+$0x2610]  }
0x1d9: {  	v41 =	vld [tilespmem:s19+$0x4610]  }
0x1da: {  	v42 =	vld [tilespmem:s19+$0x620]  }
0x1db: {  	v43 =	vld [tilespmem:s19+$0x2620]  }
0x1dc: {  	v44 =	vld [tilespmem:s19+$0x4620]  }
0x1dd: {  	v45 =	vld [tilespmem:s19+$0x630]  }
0x1de: {  	v46 =	vld [tilespmem:s19+$0x2630]  }
0x1df: {  	v47 =	vld [tilespmem:s19+$0x4630]  }
0x1e0: {  	v30 =	vld [tilespmem:s19+$0x640]  }
0x1e1: {  	v48 =	vld [tilespmem:s19+$0x2640];
	v18 =	vsub.f32 v36, v37  }
0x1e2: {  	v31 =	vld [tilespmem:s19+$0x4640]  }
0x1e3: {  	v50 =	vld [tilespmem:s19+$0x650];
	v49 =	vsub.f32 v39, v40;
	v18 =	vmul.f32 v38, v18  }
0x1e4: {  	v51 =	vld [tilespmem:s19+$0x2650]  }
0x1e5: {  	v53 =	vld [tilespmem:s19+$0x4650];
	v52 =	vsub.f32 v42, v43;
	v20 =	vmul.f32 v41, v49;
	v18 =	vadd.f32 $0.0e+00, v18  }
0x1e6: {  	v54 =	vld [tilespmem:s19+$0x660]  }
0x1e7: {  	v57 =	vld [tilespmem:s19+$0x2660];
	v56 =	vsub.f32 v45, v46;
	v55 =	vmul.f32 v44, v52;
	v18 =	vadd.f32 v20, v18  }
0x1e8: {  	v58 =	vld [tilespmem:s19+$0x4660]  }
0x1e9: {  	v60 =	vld [tilespmem:s19+$0x670];
	v19 =	vsub.f32 v30, v48;
	v59 =	vmul.f32 v47, v56;
	v18 =	vadd.f32 v55, v18  }
0x1ea: {  	v61 =	vld [tilespmem:s19+$0x2670]  }
0x1eb: {  	v62 =	vsub.f32 v50, v51;
	v19 =	vmul.f32 v31, v19;
	v18 =	vadd.f32 v59, v18  }
0x1ec: {  	v63 =	vld [tilespmem:s19+$0x4670]  }
0x1ed: {  	v30 =	vsub.f32 v54, v57;
	v29 =	vmul.f32 v53, v62;
	v18 =	vadd.f32 v19, v18;
	_ =	sdelay $0x1  }
0x1ee: {  	v32 =	vsub.f32 v60, v61;
	v31 =	vmul.f32 v58, v30;
	v18 =	vadd.f32 v29, v18;
	_ =	sdelay $0x1  }
0x1ef: {  	v33 =	vmul.f32 v63, v32;
	v18 =	vadd.f32 v31, v18;
	_ =	sdelay $0x1  }
0x1f0: {  	v19 =	vadd.f32 v33, v18;
	_ =	sdelay $0x1  }
0x1f1: {  	v18 =	vld [tilespmem:$0x6081];
	[tilespmem:$0x6080] =	vst v19  }
0x1f2: {  	v34 =	vld [tilespmem:$0x6088];
	_ =	sdelay $0x4  }
0x1f3: {  	v19 =	vadd.f32 v34, v19;
	_ =	sdelay $0x1  }
0x1f4: {  	[tilespmem:$0x6080] =	vst v19  }
0x1f5: {  	v35 =	vld [tilespmem:$0x6084];
	_ =	sdelay $0x4  }
0x1f6: {  	v19 =	vadd.f32 v35, v19;
	_ =	sdelay $0x1  }
0x1f7: {  	[tilespmem:$0x6080] =	vst v19  }
0x1f8: {  	v36 =	vld [tilespmem:$0x6082];
	_ =	sdelay $0x4  }
0x1f9: {  	v19 =	vadd.f32 v36, v19;
	_ =	sdelay $0x1  }
0x1fa: {  	[tilespmem:$0x6080] =	vst v19  }
0x1fb: {  	v37 =	vld [tilespmem:s19+$0x680]  }
0x1fc: {  	v38 =	vld [tilespmem:s19+$0x2680]  }
0x1fd: {  	v39 =	vld [tilespmem:s19+$0x4680]  }
0x1fe: {  	v40 =	vld [tilespmem:s19+$0x690]  }
0x1ff: {  	v41 =	vld [tilespmem:s19+$0x2690]  }
0x200: {  	v42 =	vld [tilespmem:s19+$0x4690]  }
0x201: {  	v43 =	vld [tilespmem:s19+$0x6A0]  }
0x202: {  	v44 =	vld [tilespmem:s19+$0x26A0]  }
0x203: {  	v45 =	vld [tilespmem:s19+$0x46A0]  }
0x204: {  	v46 =	vld [tilespmem:s19+$0x6B0]  }
0x205: {  	v47 =	vld [tilespmem:s19+$0x26B0]  }
0x206: {  	v48 =	vld [tilespmem:s19+$0x46B0]  }
0x207: {  	v32 =	vld [tilespmem:s19+$0x6C0]  }
0x208: {  	v49 =	vld [tilespmem:s19+$0x26C0];
	v20 =	vsub.f32 v37, v38  }
0x209: {  	v33 =	vld [tilespmem:s19+$0x46C0]  }
0x20a: {  	v51 =	vld [tilespmem:s19+$0x6D0];
	v50 =	vsub.f32 v40, v41;
	v20 =	vmul.f32 v39, v20  }
0x20b: {  	v52 =	vld [tilespmem:s19+$0x26D0]  }
0x20c: {  	v54 =	vld [tilespmem:s19+$0x46D0];
	v53 =	vsub.f32 v43, v44;
	v22 =	vmul.f32 v42, v50;
	v20 =	vadd.f32 $0.0e+00, v20  }
0x20d: {  	v55 =	vld [tilespmem:s19+$0x6E0]  }
0x20e: {  	v58 =	vld [tilespmem:s19+$0x26E0];
	v57 =	vsub.f32 v46, v47;
	v56 =	vmul.f32 v45, v53;
	v20 =	vadd.f32 v22, v20  }
0x20f: {  	v59 =	vld [tilespmem:s19+$0x46E0]  }
0x210: {  	v61 =	vld [tilespmem:s19+$0x6F0];
	v21 =	vsub.f32 v32, v49;
	v60 =	vmul.f32 v48, v57;
	v20 =	vadd.f32 v56, v20  }
0x211: {  	v62 =	vld [tilespmem:s19+$0x26F0]  }
0x212: {  	v63 =	vsub.f32 v51, v52;
	v21 =	vmul.f32 v33, v21;
	v20 =	vadd.f32 v60, v20  }
0x213: {  	v24 =	vld [tilespmem:s19+$0x46F0]  }
0x214: {  	v28 =	vsub.f32 v55, v58;
	v26 =	vmul.f32 v54, v63;
	v20 =	vadd.f32 v21, v20;
	_ =	sdelay $0x1  }
0x215: {  	v31 =	vsub.f32 v61, v62;
	v29 =	vmul.f32 v59, v28;
	v20 =	vadd.f32 v26, v20;
	_ =	sdelay $0x1  }
0x216: {  	v32 =	vmul.f32 v24, v31;
	v20 =	vadd.f32 v29, v20;
	_ =	sdelay $0x1  }
0x217: {  	v21 =	vadd.f32 v32, v20;
	_ =	sdelay $0x1  }
0x218: {  	v20 =	vld [tilespmem:$0x6081];
	[tilespmem:$0x6080] =	vst v21  }
0x219: {  	v33 =	vld [tilespmem:$0x6088];
	_ =	sdelay $0x4  }
0x21a: {  	v21 =	vadd.f32 v33, v21;
	_ =	sdelay $0x1  }
0x21b: {  	[tilespmem:$0x6080] =	vst v21  }
0x21c: {  	v34 =	vld [tilespmem:$0x6084];
	_ =	sdelay $0x4  }
0x21d: {  	v21 =	vadd.f32 v34, v21;
	_ =	sdelay $0x1  }
0x21e: {  	[tilespmem:$0x6080] =	vst v21  }
0x21f: {  	v35 =	vld [tilespmem:$0x6082];
	_ =	sdelay $0x4  }
0x220: {  	v21 =	vadd.f32 v35, v21;
	_ =	sdelay $0x1  }
0x221: {  	[tilespmem:$0x6080] =	vst v21  }
0x222: {  	v36 =	vld [tilespmem:s19+$0x700]  }
0x223: {  	v37 =	vld [tilespmem:s19+$0x2700]  }
0x224: {  	v38 =	vld [tilespmem:s19+$0x4700]  }
0x225: {  	v39 =	vld [tilespmem:s19+$0x710]  }
0x226: {  	v40 =	vld [tilespmem:s19+$0x2710]  }
0x227: {  	v41 =	vld [tilespmem:s19+$0x4710]  }
0x228: {  	v42 =	vld [tilespmem:s19+$0x720]  }
0x229: {  	v43 =	vld [tilespmem:s19+$0x2720]  }
0x22a: {  	v44 =	vld [tilespmem:s19+$0x4720]  }
0x22b: {  	v45 =	vld [tilespmem:s19+$0x730]  }
0x22c: {  	v46 =	vld [tilespmem:s19+$0x2730]  }
0x22d: {  	v47 =	vld [tilespmem:s19+$0x4730]  }
0x22e: {  	v34 =	vld [tilespmem:s19+$0x740]  }
0x22f: {  	v48 =	vld [tilespmem:s19+$0x2740];
	v22 =	vsub.f32 v36, v37  }
0x230: {  	v35 =	vld [tilespmem:s19+$0x4740]  }
0x231: {  	v50 =	vld [tilespmem:s19+$0x750];
	v49 =	vsub.f32 v39, v40;
	v22 =	vmul.f32 v38, v22  }
0x232: {  	v51 =	vld [tilespmem:s19+$0x2750]  }
0x233: {  	v53 =	vld [tilespmem:s19+$0x4750];
	v52 =	vsub.f32 v42, v43;
	v24 =	vmul.f32 v41, v49;
	v22 =	vadd.f32 $0.0e+00, v22  }
0x234: {  	v54 =	vld [tilespmem:s19+$0x760]  }
0x235: {  	v57 =	vld [tilespmem:s19+$0x2760];
	v56 =	vsub.f32 v45, v46;
	v55 =	vmul.f32 v44, v52;
	v22 =	vadd.f32 v24, v22  }
0x236: {  	v58 =	vld [tilespmem:s19+$0x4760]  }
0x237: {  	v60 =	vld [tilespmem:s19+$0x770];
	v23 =	vsub.f32 v34, v48;
	v59 =	vmul.f32 v47, v56;
	v22 =	vadd.f32 v55, v22  }
0x238: {  	v61 =	vld [tilespmem:s19+$0x2770]  }
0x239: {  	v62 =	vsub.f32 v50, v51;
	v23 =	vmul.f32 v35, v23;
	v22 =	vadd.f32 v59, v22  }
0x23a: {  	v63 =	vld [tilespmem:s19+$0x4770]  }
0x23b: {  	v34 =	vsub.f32 v54, v57;
	v33 =	vmul.f32 v53, v62;
	v22 =	vadd.f32 v23, v22;
	_ =	sdelay $0x1  }
0x23c: {  	v36 =	vsub.f32 v60, v61;
	v35 =	vmul.f32 v58, v34;
	v22 =	vadd.f32 v33, v22;
	_ =	sdelay $0x1  }
0x23d: {  	v37 =	vmul.f32 v63, v36;
	v22 =	vadd.f32 v35, v22;
	_ =	sdelay $0x1  }
0x23e: {  	v23 =	vadd.f32 v37, v22;
	_ =	sdelay $0x1  }
0x23f: {  	v22 =	vld [tilespmem:$0x6081];
	[tilespmem:$0x6080] =	vst v23  }
0x240: {  	v38 =	vld [tilespmem:$0x6088];
	_ =	sdelay $0x4  }
0x241: {  	v23 =	vadd.f32 v38, v23;
	_ =	sdelay $0x1  }
0x242: {  	[tilespmem:$0x6080] =	vst v23  }
0x243: {  	v39 =	vld [tilespmem:$0x6084];
	_ =	sdelay $0x4  }
0x244: {  	v23 =	vadd.f32 v39, v23;
	_ =	sdelay $0x1  }
0x245: {  	[tilespmem:$0x6080] =	vst v23  }
0x246: {  	v40 =	vld [tilespmem:$0x6082];
	_ =	sdelay $0x4  }
0x247: {  	v23 =	vadd.f32 v40, v23;
	_ =	sdelay $0x1  }
0x248: {  	[tilespmem:$0x6080] =	vst v23  }
0x249: {  	v41 =	vld [tilespmem:s19+$0x780]  }
0x24a: {  	v42 =	vld [tilespmem:s19+$0x2780]  }
0x24b: {  	v43 =	vld [tilespmem:s19+$0x4780]  }
0x24c: {  	v44 =	vld [tilespmem:s19+$0x790]  }
0x24d: {  	v45 =	vld [tilespmem:s19+$0x2790]  }
0x24e: {  	v46 =	vld [tilespmem:s19+$0x4790]  }
0x24f: {  	v47 =	vld [tilespmem:s19+$0x7A0]  }
0x250: {  	v48 =	vld [tilespmem:s19+$0x27A0]  }
0x251: {  	v49 =	vld [tilespmem:s19+$0x47A0]  }
0x252: {  	v50 =	vld [tilespmem:s19+$0x7B0]  }
0x253: {  	v51 =	vld [tilespmem:s19+$0x27B0]  }
0x254: {  	v52 =	vld [tilespmem:s19+$0x47B0]  }
0x255: {  	v36 =	vld [tilespmem:s19+$0x7C0]  }
0x256: {  	v53 =	vld [tilespmem:s19+$0x27C0];
	v24 =	vsub.f32 v41, v42  }
0x257: {  	v37 =	vld [tilespmem:s19+$0x47C0]  }
0x258: {  	v55 =	vld [tilespmem:s19+$0x7D0];
	v54 =	vsub.f32 v44, v45;
	v24 =	vmul.f32 v43, v24  }
0x259: {  	v56 =	vld [tilespmem:s19+$0x27D0]  }
0x25a: {  	v58 =	vld [tilespmem:s19+$0x47D0];
	v57 =	vsub.f32 v47, v48;
	v26 =	vmul.f32 v46, v54;
	v24 =	vadd.f32 $0.0e+00, v24  }
0x25b: {  	v59 =	vld [tilespmem:s19+$0x7E0]  }
0x25c: {  	v62 =	vld [tilespmem:s19+$0x27E0];
	v61 =	vsub.f32 v50, v51;
	v60 =	vmul.f32 v49, v57;
	v24 =	vadd.f32 v26, v24  }
0x25d: {  	v63 =	vld [tilespmem:s19+$0x47E0]  }
0x25e: {  	v39 =	vld [tilespmem:s19+$0x7F0];
	v25 =	vsub.f32 v36, v53;
	v38 =	vmul.f32 v52, v61;
	v24 =	vadd.f32 v60, v24  }
0x25f: {  	v40 =	vld [tilespmem:s19+$0x27F0]  }
0x260: {  	v41 =	vsub.f32 v55, v56;
	v25 =	vmul.f32 v37, v25;
	v24 =	vadd.f32 v38, v24  }
0x261: {  	v42 =	vld [tilespmem:s19+$0x47F0]  }
0x262: {  	v44 =	vsub.f32 v59, v62;
	v43 =	vmul.f32 v58, v41;
	v24 =	vadd.f32 v25, v24;
	_ =	sdelay $0x1  }
0x263: {  	v45 =	vmul.f32 v63, v44;
	v46 =	vsub.f32 v39, v40;
	v24 =	vadd.f32 v43, v24;
	_ =	sdelay $0x1  }
0x264: {  	v47 =	vmul.f32 v42, v46;
	v24 =	vadd.f32 v45, v24;
	_ =	sdelay $0x1  }
0x265: {  	v24 =	vadd.f32 v47, v24;
	_ =	sdelay $0x1  }
0x266: {  	v25 =	vld [tilespmem:$0x6081];
	[tilespmem:$0x6080] =	vst v24  }
0x267: {  	v48 =	vld [tilespmem:$0x6088];
	_ =	sdelay $0x4  }
0x268: {  	v24 =	vadd.f32 v48, v24;
	_ =	sdelay $0x1  }
0x269: {  	[tilespmem:$0x6080] =	vst v24  }
0x26a: {  	v49 =	vld [tilespmem:$0x6084];
	_ =	sdelay $0x4  }
0x26b: {  	v24 =	vadd.f32 v49, v24;
	_ =	sdelay $0x1  }
0x26c: {  	[tilespmem:$0x6080] =	vst v24  }
0x26d: {  	v50 =	vld [tilespmem:$0x6082];
	_ =	sdelay $0x4  }
0x26e: {  	v24 =	vadd.f32 v50, v24;
	_ =	sdelay $0x1  }
0x26f: {  	[tilespmem:$0x6080] =	vst v24  }
0x270: {  	v51 =	vld [tilespmem:s19+$0x800]  }
0x271: {  	v52 =	vld [tilespmem:s19+$0x2800]  }
0x272: {  	v53 =	vld [tilespmem:s19+$0x4800]  }
0x273: {  	v54 =	vld [tilespmem:s19+$0x810]  }
0x274: {  	v55 =	vld [tilespmem:s19+$0x2810]  }
0x275: {  	v56 =	vld [tilespmem:s19+$0x4810]  }
0x276: {  	v57 =	vld [tilespmem:s19+$0x820]  }
0x277: {  	v58 =	vld [tilespmem:s19+$0x2820]  }
0x278: {  	v59 =	vld [tilespmem:s19+$0x4820]  }
0x279: {  	v60 =	vld [tilespmem:s19+$0x830]  }
0x27a: {  	v61 =	vld [tilespmem:s19+$0x2830]  }
0x27b: {  	v62 =	vld [tilespmem:s19+$0x4830]  }
0x27c: {  	v38 =	vld [tilespmem:s19+$0x840]  }
0x27d: {  	v63 =	vld [tilespmem:s19+$0x2840];
	v26 =	vsub.f32 v51, v52  }
0x27e: {  	v39 =	vld [tilespmem:s19+$0x4840]  }
0x27f: {  	v43 =	vld [tilespmem:s19+$0x850];
	v42 =	vsub.f32 v54, v55;
	v26 =	vmul.f32 v53, v26  }
0x280: {  	v44 =	vld [tilespmem:s19+$0x2850]  }
0x281: {  	v46 =	vld [tilespmem:s19+$0x4850];
	v45 =	vsub.f32 v57, v58;
	v28 =	vmul.f32 v56, v42;
	v26 =	vadd.f32 $0.0e+00, v26  }
0x282: {  	v47 =	vld [tilespmem:s19+$0x860]  }
0x283: {  	v50 =	vld [tilespmem:s19+$0x2860];
	v49 =	vsub.f32 v60, v61;
	v48 =	vmul.f32 v59, v45;
	v26 =	vadd.f32 v28, v26  }
0x284: {  	v51 =	vld [tilespmem:s19+$0x4860]  }
0x285: {  	v27 =	vsub.f32 v38, v63;
	v54 =	vld [tilespmem:s19+$0x2870];
	v52 =	vmul.f32 v62, v49;
	v26 =	vadd.f32 v48, v26  }
0x286: {  	v53 =	vld [tilespmem:s19+$0x870]  }
0x287: {  	v55 =	vsub.f32 v43, v44;
	v27 =	vmul.f32 v39, v27;
	v26 =	vadd.f32 v52, v26  }
0x288: {  	v56 =	vld [tilespmem:s19+$0x4870]  }
0x289: {  	v58 =	vsub.f32 v47, v50;
	v57 =	vmul.f32 v46, v55;
	v26 =	vadd.f32 v27, v26;
	_ =	sdelay $0x1  }
0x28a: {  	v59 =	vmul.f32 v51, v58;
	v60 =	vsub.f32 v53, v54;
	v26 =	vadd.f32 v57, v26;
	_ =	sdelay $0x1  }
0x28b: {  	v61 =	vmul.f32 v56, v60;
	v26 =	vadd.f32 v59, v26;
	_ =	sdelay $0x1  }
0x28c: {  	v26 =	vadd.f32 v61, v26;
	_ =	sdelay $0x1  }
0x28d: {  	v62 =	vld [tilespmem:$0x6081];
	[tilespmem:$0x6080] =	vst v26  }
0x28e: {  	v63 =	vld [tilespmem:$0x6088];
	_ =	sdelay $0x1  }
0x28f: {  	(v2sf) =	vpush v1, $0x0  }
0x290: {  	(v2sf) =	vpush v2, $0x0  }
0x291: {  	(v2sf) =	vpush v3, $0x0  }
0x292: {  	(v2sf) =	vpush v4, $0x0;
	v1 =	vadd.f32 v63, v26  }
0x293: {  	(v2sf) =	vpush v5, $0x0  }
0x294: {  	(v2sf) =	vpush v6, $0x0;
	[tilespmem:$0x6080] =	vst v1  }
0x295: {  	(v2sf) =	vpush v7, $0x0;
	v2 =	vld [tilespmem:$0x6084]  }
0x296: {  	(v2sf) =	vpush v8, $0x0  }
0x297: {  	(v2sf) =	vpush v9, $0x0  }
0x298: {  	(v2sf) =	vpush v10, $0x0  }
0x299: {  	(v2sf) =	vpush v11, $0x0  }
0x29a: {  	(v2sf) =	vpush v12, $0x0;
	v1 =	vadd.f32 v2, v1  }
0x29b: {  	(v2sf) =	vpush v13, $0x0  }
0x29c: {  	(v2sf) =	vpush v14, $0x0;
	[tilespmem:$0x6080] =	vst v1  }
0x29d: {  	(v2sf) =	vpush v15, $0x0;
	v2 =	vld [tilespmem:$0x6082]  }
0x29e: {  	(v2sf) =	vpush v16, $0x0;
	s19 =	spop (v2sf)  }
0x29f: {  	(v2sf) =	vpush v17, $0x0;
	s24 =	spop (v2sf)  }
0x2a0: {  	(v2sf) =	vpush v18, $0x0;
	s25 =	spop (v2sf)  }
0x2a1: {  	(v2sf) =	vpush v19, $0x0;
	s26 =	spop (v2sf)  }
0x2a2: {  	(v2sf) =	vpush v20, $0x0;
	s28 =	spop (v2sf);
	v1 =	vadd.f32 v2, v1  }
0x2a3: {  	(v2sf) =	vpush v21, $0x0;
	s29 =	spop (v2sf)  }
0x2a4: {  	(v2sf) =	vpush v22, $0x0;
	s30 =	spop (v2sf);
	[tilespmem:$0x6080] =	vst v1  }
0x2a5: {  	(v2sf) =	vpush v23, $0x0;
	s31 =	spop (v2sf);
	v2 =	vld [tilespmem:$0x6081]  }
0x2a6: {  	(v2sf) =	vpush v25, $0x0;
	s0 =	spop (v2sf)  }
0x2a7: {  	(v2sf) =	vpush v24, $0x0;
	s3 =	spop (v2sf)  }
0x2a8: {  	(v2sf) =	vpush v62, $0x0;
	s1 =	spop (v2sf)  }
0x2a9: {  	s2 =	spop (v2sf);
	(v2sf) =	vpush v1, $0x0  }
0x2aa: {  	s10 =	spop (v2sf);
	(v2sf) =	vpush v2, $0x0  }
0x2ab: {  	s12 =	spop (v2sf)  }
0x2ac: {  	s13 =	spop (v2sf)  }
0x2ad: {  	s16 =	spop (v2sf)  }
0x2ae: {  	s11 =	spop (v2sf)  }
0x2af: {  	s5 =	spop (v2sf)  }
0x2b0: {  	s6 =	spop (v2sf)  }
0x2b1: {  	s7 =	spop (v2sf)  }
0x2b2: {  	s8 =	spop (v2sf)  }
0x2b3: {  	s14 =	spop (v2sf)  }
0x2b4: {  	s15 =	spop (v2sf)  }
0x2b5: {  	s4 =	spop (v2sf)  }
0x2b6: {  	s9 =	spop (v2sf)  }
0x2b7: {  	s17 =	spop (v2sf)  }
0x2b8: {  	s18 =	spop (v2sf)  }
0x2b9: {  	s22 =	rddreg [dreg:$0xb];
	s21 =	spop (v2sf)  }
0x2ba: {  	s18 =	sadd.f32 s21, s18  }
0x2bb: {  	s21 =	rddreg [dreg:$0xa]  }
0x2bc: {  	s21 =	sadd.f32 s22, s21  }
0x2bd: {  	s22 =	rddreg [dreg:$0xc]  }
0x2be: {  	s22 =	sadd.f32 s23, s22;
	v1 =	vmov s18  }
0x2bf: {  	s19 =	sadd.f32 s24, s19;
	v1 =	vsel vm0, s21, v1  }
0x2c0: {  	s21 =	sadd.f32 s26, s25;
	v1 =	vsel vm1, s22, v1  }
0x2c1: {  	s22 =	sadd.f32 s29, s28;
	v1 =	vsel vm2, s19, v1  }
0x2c2: {  	s23 =	sadd.f32 s31, s30;
	v1 =	vsel vm3, s21, v1  }
0x2c3: {  	s0 =	sadd.f32 s3, s0;
	v1 =	vsel vm4, s22, v1  }
0x2c4: {  	s1 =	sadd.f32 s2, s1;
	v1 =	vsel vm5, s23, v1  }
0x2c5: {  	s24 =	sadd.f32 s12, s10;
	v1 =	vsel vm6, s0, v1  }
0x2c6: {  	s25 =	sadd.f32 s16, s13;
	v1 =	vsel vm7, s1, v1  }
0x2c7: {  	s26 =	sadd.f32 s5, s11;
	v1 =	vsel vm8, s24, v1  }
0x2c8: {  	s28 =	sadd.f32 s7, s6;
	v1 =	vsel vm9, s25, v1  }
0x2c9: {  	s29 =	sadd.f32 s14, s8;
	v1 =	vsel vm10, s26, v1  }
0x2ca: {  	s30 =	sadd.f32 s4, s15;
	v1 =	vsel vm11, s28, v1  }
0x2cb: {  	s31 =	sadd.f32 s17, s9;
	v1 =	vsel vm12, s29, v1  }
0x2cc: {  	v1 =	vsel vm13, s30, v1  }
0x2cd: {  	v1 =	vsel vm14, s31, v1  }
0x2ce: {  	v2 =	vmul.f32 $5.000000000e-01, v1  }
0x2cf: {  	v3 =	vmul.f32 $1.442695020e+00, v1  }
0x2d0: {  	v2 =	vmul.f32 $1.442695020e+00, v2  }
0x2d1: {  	(erf) = vpow2.f32 v3  }
0x2d2: {  	(erf) = vpow2.f32 v2;
	_ =	sdelay $0x7  }
0x2d3: {  	p0 =	sne.s32 s20, $0x3;
	v2 =	vpop (erf)  }
.Ltmp0:
0x2d4: {  	vm15 =	vge.f32 v1, $0.0e+00;
	v1 =	vpop (erf);
	(pc) =	sbr.rel @p0 .LBB2_2-.Ltmp0, $3  }
0x2d5: {  	v1 =	vsel vm15, v2, v1  }
0x2d6: {  	v1 =	vadd.f32 $-1.000000000e+00, v1;
	_ =	sdelay $0x1  }
0x2d7: {  	s20 =	sadd.s32 $0x1, s20;
	v0 =	vadd.f32 v1, v0  }
0x2d8: {  	_ = 	snop  }
0x2d9: {  	s1 =	simm.s32 $0x0;
	s0 =	rddreg [dreg:$0x7];
	s2 =	simm.s32 $0x6100;
	[tilespmem:$0x6100] =	vst v0  }
0x2da: {  	[hbm4b:s0+s1] =	stream.linear.scatter [tilespmem:s2], [sflag:$0x3], $0x80, $0x38;
	[tilespmem:$0x6180] =	vst v63  }
0x2db: {  	s2 =	simm.s32 $0x3  }
0x2dc: {  	_ =	swait.ge [sflag:s2], $0x80  }
0x2dd: {  	s3 =	rddreg [dreg:$0x9]  }
0x2de: {  	s31 =	rddreg [dreg:$0x8];
	s3 =	sadd.s32 $0x1, s3  }
0x2df: {  	p0 =	sne.s32 s3, s31  }
.Ltmp1:
0x2e0: {  	_ = 	snop;
	(pc) =	sbr.rel @p0 .LBB2_1-.Ltmp1, $3  }
0x2e1: {  	_ =	sdelay $0x1  }
0x2e2: {  	[sflag:s2] =	ssyncset.done $0x0  }
0x2e3: {  	[sflag:s2] =	ssyncadd.s32 $0xFFFFFF80  }
0x2e4: {  	_ =	sfence.sel $0x180000  }
0x2e5: {  	[bflag:$0x0] =	sbarrier.arrive $0xFFFF  }
0x2e6: {  	_ =	strace $0x90000047  }
0x2e7: {  	s0 =	stileid.u32;
	[bflag:$0x2] =	sbarrier.arrive $0xFFFF  }
0x2e8: {  	p0 =	sne.s32 s0, $0x0;
	s0 =	rddreg [dreg:$0x4]  }
0x2e9: {  	s0 =	sadd.s32 @!p0 $0x100000, s0  }
0x2ea: {  	[sflag:s0] =	ssyncadd.tile.s32 @!p0 $0x1;
	_ =	shalt  }
.Lfunc_end2:
_tile_overlayer_lowered:
.L_overlay_start_2:
0x2eb: {  	(tag) =	ssettag $0x2  }
0x2ec: {  	s0 =	rddreg [dreg:$0x0];
	s2 =	stileid.u32  }
0x2ed: {  	s1 =	rddreg [dreg:$0x1];
	p0 =	sne.s32 s2, $0x0  }
0x2ee: {  	s3 =	rddreg [dreg:$0x2];
	[bflag:$0x3] =	sbarrier.arrive $0xFFFF;
	s2 =	simm.s32 @!p0 $0x1C03  }
0x2ef: {  	[timem:s3], [sflag:s2] =	dma.local @!p0 [hbm:s0], s1  }
0x2f0: {  	s0 =	simm.s32 @!p0 $0x3  }
0x2f1: {  	_ =	swait.ge @!p0 [sflag:s0], s1  }
0x2f2: {  	s1 =	ssub.s32 @!p0 $0x0, s1;
	[sflag:s0] =	ssyncset.done @!p0 $0x0  }
0x2f3: {  	[sflag:s0] =	ssyncadd.s32 @!p0 s1  }
0x2f4: {  	[bflag:$0x3] =	sbarrier.arrive $0xFFFF  }
0x2f5: {  	_ =	shalt  }

</sc_bundles>
